<compile_context>
chip_gen: v7x
topology: tpu7x:2x2x1
jax: 0.10.2.dev20260603
libtpu: 0.0.44.dev20260713+nightly
codegen_flags: <defaults>
</compile_context>

<pallas_src>
import functools

import jax
import jax.numpy as jnp
from jax import lax
from jax.experimental import pallas as pl
from jax.experimental.pallas import tpu as pltpu
from jax.experimental.pallas import tpu_sc as plsc

NC = 2
NS = 16
L = 16
CHUNK = 80


def _lane_sum(x):
    lanes = lax.iota(jnp.int32, L)
    for sh in (1, 2, 4, 8):
        perm = lanes ^ sh
        x = x + x.at[perm].get(mode="promise_in_bounds")
    return x


def _rsqrt_nr(x, iters):
    i = lax.bitcast_convert_type(x, jnp.int32)
    i = 0x5F3759DF - (i >> 1)
    y = lax.bitcast_convert_type(i, jnp.float32)
    xh = x * 0.5
    for _ in range(iters):
        y = y * (1.5 - xh * y * y)
    return y


@functools.lru_cache(maxsize=None)
def _make_sc_kernel(n_rows, dim):
    assert dim == 128 and n_rows % (NC * NS * CHUNK * 2) == 0
    rows_per_tile = n_rows // (NC * NS)
    n_pairs = rows_per_tile // (2 * CHUNK)
    nj = dim // L

    mesh = plsc.VectorSubcoreMesh(
        core_axis_name="c", subcore_axis_name="s",
        num_cores=NC, num_subcores=NS)

    @functools.partial(
        pl.kernel,
        out_type=(
            jax.ShapeDtypeStruct((n_rows, dim), jnp.float32),
            jax.ShapeDtypeStruct((n_rows, dim), jnp.float32),
        ),
        mesh=mesh,
        scratch_types=[
            pltpu.VMEM((rows_per_tile,), jnp.int32),
            pltpu.VMEM((2, CHUNK, dim), jnp.float32),
            pltpu.VMEM((2, CHUNK, dim), jnp.float32),
            pltpu.VMEM((2, CHUNK, dim), jnp.float32),
            pltpu.VMEM((2, CHUNK, dim), jnp.float32),
            pltpu.VMEM((dim,), jnp.float32),
            pltpu.VMEM((dim,), jnp.float32),
            pltpu.SemaphoreType.DMA,
            pltpu.SemaphoreType.DMA,
            pltpu.SemaphoreType.DMA,
            pltpu.SemaphoreType.DMA,
            pltpu.SemaphoreType.DMA,
        ],
    )
    def sc_kernel(x_hbm, er_hbm, ei_hbm, g_hbm, b_hbm, outr_hbm, outi_hbm,
                  idx_v, re_v, im_v, or_v, oi_v, g_v, b_v,
                  sem_r0, sem_r1, sem_i0, sem_i1, sem_o):
        wid = lax.axis_index("s") * NC + lax.axis_index("c")
        tile_base = wid * rows_per_tile

        pltpu.sync_copy(g_hbm, g_v)
        pltpu.sync_copy(b_hbm, b_v)
        pltpu.sync_copy(x_hbm.at[pl.ds(tile_base, rows_per_tile)], idx_v)
        gs = [g_v[pl.ds(L * j, L)] for j in range(nj)]
        bs = [b_v[pl.ds(L * j, L)] for j in range(nj)]

        def gather_in(k, slot, semr, semi):
            idx = idx_v.at[pl.ds(k * CHUNK, CHUNK)]
            cr = pltpu.async_copy(er_hbm.at[idx], re_v.at[slot], semr)
            ci = pltpu.async_copy(ei_hbm.at[idx], im_v.at[slot], semi)
            return cr, ci

        def _one_row(slot, r):
            mags, ys = [], []
            acc = jnp.zeros((L,), jnp.float32)
            acc2 = jnp.zeros((L,), jnp.float32)
            for j in range(nj):
                re = re_v[slot, r, pl.ds(L * j, L)]
                im = im_v[slot, r, pl.ds(L * j, L)]
                msq = re * re + im * im
                y = _rsqrt_nr(msq, 1)
                mag = msq * y
                acc = acc + mag
                acc2 = acc2 + msq
                mags.append(mag)
                ys.append(y)
            mu_v = _lane_sum(acc) * (1.0 / dim)
            ex2 = _lane_sum(acc2) * (1.0 / dim)
            var = ex2 - mu_v * mu_v
            return mags, ys, mu_v, var

        def _finish_row(slot, r, mags, ys, mu_v, var):
            rs = _rsqrt_nr(var + 1e-5, 2)
            for j in range(nj):
                re = re_v[slot, r, pl.ds(L * j, L)]
                im = im_v[slot, r, pl.ds(L * j, L)]
                normed = (mags[j] - mu_v) * (rs * gs[j]) + bs[j]
                s = normed * ys[j]
                or_v[slot, r, pl.ds(L * j, L)] = re * s
                oi_v[slot, r, pl.ds(L * j, L)] = im * s

        def compute_and_emit(k, slot, cr, ci):
            cr.wait()
            ci.wait()

            @plsc.parallel_loop(0, CHUNK, 1, unroll=1)
            def _(r):
                st = _one_row(slot, r)
                _finish_row(slot, r, *st)
            base = tile_base + k * CHUNK
            co_r = pltpu.async_copy(or_v.at[slot],
                                    outr_hbm.at[pl.ds(base, CHUNK)], sem_o)
            co_i = pltpu.async_copy(oi_v.at[slot],
                                    outi_hbm.at[pl.ds(base, CHUNK)], sem_o)
            return co_r, co_i

        c0 = gather_in(0, 0, sem_r0, sem_i0)

        def pair_body(p, _):
            k0 = 2 * p
            c1 = gather_in(k0 + 1, 1, sem_r1, sem_i1)
            w0 = compute_and_emit(k0, 0, *c0)

            @pl.when(p + 1 < n_pairs)
            def _():
                gather_in(k0 + 2, 0, sem_r0, sem_i0)

            w1 = compute_and_emit(k0 + 1, 1, *c1)
            w0[0].wait()
            w0[1].wait()
            w1[0].wait()
            w1[1].wait()
            return _

        lax.fori_loop(0, n_pairs, pair_body, None)

    return sc_kernel


def kernel(x, embed_real, embed_imag, gamma, beta):
    b, h = x.shape
    v, d = embed_real.shape
    n = b * h
    xf = x.reshape(n)
    sc = _make_sc_kernel(n, d)
    outr, outi = sc(xf, embed_real, embed_imag, gamma, beta)
    return lax.complex(outr.reshape(b, h, d), outi.reshape(b, h, d))

# --- scband reference (transcript-rebuilt; emitter-appended) ---
"""Pipeline reference for scband-ark-embedding-19344532701566 (READ-ONLY COPY).

The authoritative reference and input builder live on the scoring server;
editing this copy changes nothing except your own understanding.
"""

import jax, jax.numpy as jnp
import numpy as np

VOCAB = 100000
DIM = 128
BATCH = 4096
HIST = 50


def setup_inputs(seed: int = 0) -> dict:
    key = jax.random.key(seed)
    k1, k2, k3, k4, k5 = jax.random.split(key, 5)
    x = jax.random.randint(k1, (BATCH, HIST), 0, VOCAB, dtype=jnp.int32)
    embed_real = jax.random.normal(k2, (VOCAB, DIM), dtype=jnp.float32)
    embed_imag = jax.random.normal(k3, (VOCAB, DIM), dtype=jnp.float32)
    gamma = jnp.ones((DIM,), dtype=jnp.float32)
    beta = jnp.zeros((DIM,), dtype=jnp.float32)
    return {"x": x, "embed_real": embed_real, "embed_imag": embed_imag, "gamma": gamma, "beta": beta}


def _layernorm(h, gamma, beta, eps=1e-5):
    mu = jnp.mean(h, axis=-1, keepdims=True)
    var = jnp.mean(jnp.square(h - mu), axis=-1, keepdims=True)
    return (h - mu) / jnp.sqrt(var + eps) * gamma + beta


def reference(x, embed_real, embed_imag, gamma, beta):
    re = jnp.take(embed_real, x, axis=0)
    im = jnp.take(embed_imag, x, axis=0)
    z = jax.lax.complex(re, im)
    mag = jnp.abs(z)
    normed = _layernorm(mag, gamma, beta)
    return z * (normed / (mag + 1e-9)).astype(z.real.dtype)

if __name__ == "__main__":
    import jax
    _d = setup_inputs()
    print(jax.jit(kernel)(*tuple(_d.values())))

</pallas_src>

<mosaic_0001>
#map = affine_map<(d0, d1) -> (0)>
#map1 = affine_map<(d0, d1) -> (0, 0)>
module attributes {stable_mosaic.version = 14 : i64} {
  func.func @sc_kernel(%arg0: i32, %arg1: i32, %arg2: memref<204800xi32, #tpu.memory_space<hbm>>, %arg3: memref<100000x128xf32, #tpu.memory_space<hbm>>, %arg4: memref<100000x128xf32, #tpu.memory_space<hbm>>, %arg5: memref<128xf32, #tpu.memory_space<hbm>>, %arg6: memref<128xf32, #tpu.memory_space<hbm>>, %arg7: memref<204800x128xf32, #tpu.memory_space<hbm>>, %arg8: memref<204800x128xf32, #tpu.memory_space<hbm>>, %arg9: memref<6400xi32, #tpu.memory_space<vmem>>, %arg10: memref<2x80x128xf32, #tpu.memory_space<vmem>>, %arg11: memref<2x80x128xf32, #tpu.memory_space<vmem>>, %arg12: memref<2x80x128xf32, #tpu.memory_space<vmem>>, %arg13: memref<2x80x128xf32, #tpu.memory_space<vmem>>, %arg14: memref<128xf32, #tpu.memory_space<vmem>>, %arg15: memref<128xf32, #tpu.memory_space<vmem>>, %arg16: memref<!tpu.dma_semaphore, #tpu.memory_space<semaphore_mem>>, %arg17: memref<!tpu.dma_semaphore, #tpu.memory_space<semaphore_mem>>, %arg18: memref<!tpu.dma_semaphore, #tpu.memory_space<semaphore_mem>>, %arg19: memref<!tpu.dma_semaphore, #tpu.memory_space<semaphore_mem>>, %arg20: memref<!tpu.dma_semaphore, #tpu.memory_space<semaphore_mem>>) attributes {dimension_semantics = [#tpu.dimension_semantics<core_parallel>, #tpu.dimension_semantics<subcore_parallel>], iteration_bounds = array<i64: 2, 16>, scalar_prefetch = 0 : i64, scratch_operands = 12 : i64, tpu.core_type = #tpu.core_type<sc_vector_subcore>, window_params = [{transform_indices = #map}, {transform_indices = #map1}, {transform_indices = #map1}, {transform_indices = #map}, {transform_indices = #map}, {transform_indices = #map1}, {transform_indices = #map1}]} {
    %mul3A = arith.constant 2 : i32
    %mul3A_0 = arith.muli %arg1, %mul3A : i32
    %add3A = arith.addi %mul3A_0, %arg0 : i32
    %mul3A_1 = arith.constant 6400 : i32
    %mul3A_2 = arith.muli %add3A, %mul3A_1 : i32
    "tpu.region"() ({
      %run_scoped3A = tpu.sem_alloc : memref<!tpu.dma_semaphore, #tpu.memory_space<semaphore_mem>>
      tpu.enqueue_dma source(%arg5 : memref<128xf32, #tpu.memory_space<hbm>>) target(%arg14 : memref<128xf32, #tpu.memory_space<vmem>>) target_semaphore(%run_scoped3A : memref<!tpu.dma_semaphore, #tpu.memory_space<semaphore_mem>>)
      tpu.wait_dma2 semaphore(%run_scoped3A : memref<!tpu.dma_semaphore, #tpu.memory_space<semaphore_mem>>) src(%arg5 : memref<128xf32, #tpu.memory_space<hbm>>) dst(%arg14 : memref<128xf32, #tpu.memory_space<vmem>>)
      tpu.yield
    }) : () -> ()
    "tpu.region"() ({
      %run_scoped3A = tpu.sem_alloc : memref<!tpu.dma_semaphore, #tpu.memory_space<semaphore_mem>>
      tpu.enqueue_dma source(%arg6 : memref<128xf32, #tpu.memory_space<hbm>>) target(%arg15 : memref<128xf32, #tpu.memory_space<vmem>>) target_semaphore(%run_scoped3A : memref<!tpu.dma_semaphore, #tpu.memory_space<semaphore_mem>>)
      tpu.wait_dma2 semaphore(%run_scoped3A : memref<!tpu.dma_semaphore, #tpu.memory_space<semaphore_mem>>) src(%arg6 : memref<128xf32, #tpu.memory_space<hbm>>) dst(%arg15 : memref<128xf32, #tpu.memory_space<vmem>>)
      tpu.yield
    }) : () -> ()
    "tpu.region"() ({
      %run_scoped3A = tpu.sem_alloc : memref<!tpu.dma_semaphore, #tpu.memory_space<semaphore_mem>>
      %dma_start3A_75 = tpu.memref_slice %arg2[%mul3A_2] : memref<204800xi32, #tpu.memory_space<hbm>> -> memref<6400xi32, #tpu.memory_space<hbm>>
      %dma_start3A_76 = tpu.memref_slice %arg2[%mul3A_2] : memref<204800xi32, #tpu.memory_space<hbm>> -> memref<6400xi32, #tpu.memory_space<hbm>>
      tpu.enqueue_dma source(%dma_start3A_76 : memref<6400xi32, #tpu.memory_space<hbm>>) target(%arg9 : memref<6400xi32, #tpu.memory_space<vmem>>) target_semaphore(%run_scoped3A : memref<!tpu.dma_semaphore, #tpu.memory_space<semaphore_mem>>)
      %dma_wait3A = tpu.memref_slice %arg2[%mul3A_2] : memref<204800xi32, #tpu.memory_space<hbm>> -> memref<6400xi32, #tpu.memory_space<hbm>>
      %dma_wait3A_77 = tpu.memref_slice %arg2[%mul3A_2] : memref<204800xi32, #tpu.memory_space<hbm>> -> memref<6400xi32, #tpu.memory_space<hbm>>
      tpu.wait_dma2 semaphore(%run_scoped3A : memref<!tpu.dma_semaphore, #tpu.memory_space<semaphore_mem>>) src(%dma_wait3A_77 : memref<6400xi32, #tpu.memory_space<hbm>>) dst(%arg9 : memref<6400xi32, #tpu.memory_space<vmem>>)
      tpu.yield
    }) : () -> ()
    %get3A = arith.constant 0 : index
    %get3A_3 = tpu.vector_load %arg14[%get3A] {strides = array<i32>} : memref<128xf32, #tpu.memory_space<vmem>>, vector<16xf32>,
    %get3A_4 = vector.shape_cast %get3A_3 : vector<16xf32> to vector<16xf32>
    %get3A_5 = arith.constant 16 : index
    %get3A_6 = tpu.vector_load %arg14[%get3A_5] {strides = array<i32>} : memref<128xf32, #tpu.memory_space<vmem>>, vector<16xf32>,
    %get3A_7 = vector.shape_cast %get3A_6 : vector<16xf32> to vector<16xf32>
    %get3A_8 = arith.constant 32 : index
    %get3A_9 = tpu.vector_load %arg14[%get3A_8] {strides = array<i32>} : memref<128xf32, #tpu.memory_space<vmem>>, vector<16xf32>,
    %get3A_10 = vector.shape_cast %get3A_9 : vector<16xf32> to vector<16xf32>
    %get3A_11 = arith.constant 48 : index
    %get3A_12 = tpu.vector_load %arg14[%get3A_11] {strides = array<i32>} : memref<128xf32, #tpu.memory_space<vmem>>, vector<16xf32>,
    %get3A_13 = vector.shape_cast %get3A_12 : vector<16xf32> to vector<16xf32>
    %get3A_14 = arith.constant 64 : index
    %get3A_15 = tpu.vector_load %arg14[%get3A_14] {strides = array<i32>} : memref<128xf32, #tpu.memory_space<vmem>>, vector<16xf32>,
    %get3A_16 = vector.shape_cast %get3A_15 : vector<16xf32> to vector<16xf32>
    %get3A_17 = arith.constant 80 : index
    %get3A_18 = tpu.vector_load %arg14[%get3A_17] {strides = array<i32>} : memref<128xf32, #tpu.memory_space<vmem>>, vector<16xf32>,
    %get3A_19 = vector.shape_cast %get3A_18 : vector<16xf32> to vector<16xf32>
    %get3A_20 = arith.constant 96 : index
    %get3A_21 = tpu.vector_load %arg14[%get3A_20] {strides = array<i32>} : memref<128xf32, #tpu.memory_space<vmem>>, vector<16xf32>,
    %get3A_22 = vector.shape_cast %get3A_21 : vector<16xf32> to vector<16xf32>
    %get3A_23 = arith.constant 112 : index
    %get3A_24 = tpu.vector_load %arg14[%get3A_23] {strides = array<i32>} : memref<128xf32, #tpu.memory_space<vmem>>, vector<16xf32>,
    %get3A_25 = vector.shape_cast %get3A_24 : vector<16xf32> to vector<16xf32>
    %get3A_26 = arith.constant 0 : index
    %get3A_27 = tpu.vector_load %arg15[%get3A_26] {strides = array<i32>} : memref<128xf32, #tpu.memory_space<vmem>>, vector<16xf32>,
    %get3A_28 = vector.shape_cast %get3A_27 : vector<16xf32> to vector<16xf32>
    %get3A_29 = arith.constant 16 : index
    %get3A_30 = tpu.vector_load %arg15[%get3A_29] {strides = array<i32>} : memref<128xf32, #tpu.memory_space<vmem>>, vector<16xf32>,
    %get3A_31 = vector.shape_cast %get3A_30 : vector<16xf32> to vector<16xf32>
    %get3A_32 = arith.constant 32 : index
    %get3A_33 = tpu.vector_load %arg15[%get3A_32] {strides = array<i32>} : memref<128xf32, #tpu.memory_space<vmem>>, vector<16xf32>,
    %get3A_34 = vector.shape_cast %get3A_33 : vector<16xf32> to vector<16xf32>
    %get3A_35 = arith.constant 48 : index
    %get3A_36 = tpu.vector_load %arg15[%get3A_35] {strides = array<i32>} : memref<128xf32, #tpu.memory_space<vmem>>, vector<16xf32>,
    %get3A_37 = vector.shape_cast %get3A_36 : vector<16xf32> to vector<16xf32>
    %get3A_38 = arith.constant 64 : index
    %get3A_39 = tpu.vector_load %arg15[%get3A_38] {strides = array<i32>} : memref<128xf32, #tpu.memory_space<vmem>>, vector<16xf32>,
    %get3A_40 = vector.shape_cast %get3A_39 : vector<16xf32> to vector<16xf32>
    %get3A_41 = arith.constant 80 : index
    %get3A_42 = tpu.vector_load %arg15[%get3A_41] {strides = array<i32>} : memref<128xf32, #tpu.memory_space<vmem>>, vector<16xf32>,
    %get3A_43 = vector.shape_cast %get3A_42 : vector<16xf32> to vector<16xf32>
    %get3A_44 = arith.constant 96 : index
    %get3A_45 = tpu.vector_load %arg15[%get3A_44] {strides = array<i32>} : memref<128xf32, #tpu.memory_space<vmem>>, vector<16xf32>,
    %get3A_46 = vector.shape_cast %get3A_45 : vector<16xf32> to vector<16xf32>
    %get3A_47 = arith.constant 112 : index
    %get3A_48 = tpu.vector_load %arg15[%get3A_47] {strides = array<i32>} : memref<128xf32, #tpu.memory_space<vmem>>, vector<16xf32>,
    %get3A_49 = vector.shape_cast %get3A_48 : vector<16xf32> to vector<16xf32>
    %dma_start3A = arith.constant 0 : i32
    %dma_start3A_50 = arith.constant 0 : i32
    %dma_start3A_51 = arith.constant 0 : i32
    %dma_start3A_52 = tpu.memref_slice %arg10[%dma_start3A, %dma_start3A_50, %dma_start3A_51] : memref<2x80x128xf32, #tpu.memory_space<vmem>> -> memref<1x80x128xf32, #tpu.memory_space<vmem>>
    %dma_start3A_53 = tpu.memref_squeeze %dma_start3A_52 : memref<1x80x128xf32, #tpu.memory_space<vmem>> -> memref<80x128xf32, #tpu.memory_space<vmem>>
    %dma_start3A_54 = arith.constant 0 : i32
    %dma_start3A_55 = tpu.memref_slice %arg9[%dma_start3A_54] : memref<6400xi32, #tpu.memory_space<vmem>> -> memref<80xi32, #tpu.memory_space<vmem>>
    %dma_start3A_56 = arith.constant 0 : i32
    %dma_start3A_57 = arith.constant 0 : i32
    %dma_start3A_58 = tpu.memref_slice %arg3[%dma_start3A_56, %dma_start3A_57] : memref<100000x128xf32, #tpu.memory_space<hbm>> -> memref<100000x128xf32, #tpu.memory_space<hbm>>
    tpu.enqueue_indirect_dma source(%dma_start3A_58 : memref<100000x128xf32, #tpu.memory_space<hbm>>) target(%dma_start3A_53 : memref<80x128xf32, #tpu.memory_space<vmem>>) offsets(%dma_start3A_55 : memref<80xi32, #tpu.memory_space<vmem>>) semaphore(%arg16 : memref<!tpu.dma_semaphore, #tpu.memory_space<semaphore_mem>>)
    %dma_start3A_59 = arith.constant 0 : i32
    %dma_start3A_60 = arith.constant 0 : i32
    %dma_start3A_61 = arith.constant 0 : i32
    %dma_start3A_62 = tpu.memref_slice %arg11[%dma_start3A_59, %dma_start3A_60, %dma_start3A_61] : memref<2x80x128xf32, #tpu.memory_space<vmem>> -> memref<1x80x128xf32, #tpu.memory_space<vmem>>
    %dma_start3A_63 = tpu.memref_squeeze %dma_start3A_62 : memref<1x80x128xf32, #tpu.memory_space<vmem>> -> memref<80x128xf32, #tpu.memory_space<vmem>>
    %dma_start3A_64 = arith.constant 0 : i32
    %dma_start3A_65 = tpu.memref_slice %arg9[%dma_start3A_64] : memref<6400xi32, #tpu.memory_space<vmem>> -> memref<80xi32, #tpu.memory_space<vmem>>
    %dma_start3A_66 = arith.constant 0 : i32
    %dma_start3A_67 = arith.constant 0 : i32
    %dma_start3A_68 = tpu.memref_slice %arg4[%dma_start3A_66, %dma_start3A_67] : memref<100000x128xf32, #tpu.memory_space<hbm>> -> memref<100000x128xf32, #tpu.memory_space<hbm>>
    tpu.enqueue_indirect_dma source(%dma_start3A_68 : memref<100000x128xf32, #tpu.memory_space<hbm>>) target(%dma_start3A_63 : memref<80x128xf32, #tpu.memory_space<vmem>>) offsets(%dma_start3A_65 : memref<80xi32, #tpu.memory_space<vmem>>) semaphore(%arg18 : memref<!tpu.dma_semaphore, #tpu.memory_space<semaphore_mem>>)
    %scan3A = arith.constant 0 : i32
    %scan3A_69 = arith.constant 0 : i32
    %scan3A_70 = arith.constant 0 : i32
    %scan3A_71 = arith.constant 40 : i32
    %scan3A_72 = arith.addi %scan3A_70, %scan3A_71 : i32
    %scan3A_73 = arith.constant 1 : i32
    scf.for %scan3A_75 = %scan3A_70 to %scan3A_72 step %scan3A_73  : i32 {
      %mul3A_76 = arith.constant 2 : i32
      %mul3A_77 = arith.muli %mul3A_76, %scan3A_75 : i32
      %add3A_78 = arith.constant 1 : i32
      %add3A_79 = arith.addi %mul3A_77, %add3A_78 : i32
      %mul3A_80 = arith.constant 80 : i32
      %mul3A_81 = arith.muli %add3A_79, %mul3A_80 : i32
      %dma_start3A_82 = arith.constant 1 : i32
      %dma_start3A_83 = arith.constant 0 : i32
      %dma_start3A_84 = arith.constant 0 : i32
      %dma_start3A_85 = tpu.memref_slice %arg10[%dma_start3A_82, %dma_start3A_83, %dma_start3A_84] : memref<2x80x128xf32, #tpu.memory_space<vmem>> -> memref<1x80x128xf32, #tpu.memory_space<vmem>>
      %dma_start3A_86 = tpu.memref_squeeze %dma_start3A_85 : memref<1x80x128xf32, #tpu.memory_space<vmem>> -> memref<80x128xf32, #tpu.memory_space<vmem>>
      %dma_start3A_87 = tpu.memref_slice %arg9[%mul3A_81] : memref<6400xi32, #tpu.memory_space<vmem>> -> memref<80xi32, #tpu.memory_space<vmem>>
      %dma_start3A_88 = arith.constant 0 : i32
      %dma_start3A_89 = arith.constant 0 : i32
      %dma_start3A_90 = tpu.memref_slice %arg3[%dma_start3A_88, %dma_start3A_89] : memref<100000x128xf32, #tpu.memory_space<hbm>> -> memref<100000x128xf32, #tpu.memory_space<hbm>>
      tpu.enqueue_indirect_dma source(%dma_start3A_90 : memref<100000x128xf32, #tpu.memory_space<hbm>>) target(%dma_start3A_86 : memref<80x128xf32, #tpu.memory_space<vmem>>) offsets(%dma_start3A_87 : memref<80xi32, #tpu.memory_space<vmem>>) semaphore(%arg17 : memref<!tpu.dma_semaphore, #tpu.memory_space<semaphore_mem>>)
      %dma_start3A_91 = arith.constant 1 : i32
      %dma_start3A_92 = arith.constant 0 : i32
      %dma_start3A_93 = arith.constant 0 : i32
      %dma_start3A_94 = tpu.memref_slice %arg11[%dma_start3A_91, %dma_start3A_92, %dma_start3A_93] : memref<2x80x128xf32, #tpu.memory_space<vmem>> -> memref<1x80x128xf32, #tpu.memory_space<vmem>>
      %dma_start3A_95 = tpu.memref_squeeze %dma_start3A_94 : memref<1x80x128xf32, #tpu.memory_space<vmem>> -> memref<80x128xf32, #tpu.memory_space<vmem>>
      %dma_start3A_96 = tpu.memref_slice %arg9[%mul3A_81] : memref<6400xi32, #tpu.memory_space<vmem>> -> memref<80xi32, #tpu.memory_space<vmem>>
      %dma_start3A_97 = arith.constant 0 : i32
      %dma_start3A_98 = arith.constant 0 : i32
      %dma_start3A_99 = tpu.memref_slice %arg4[%dma_start3A_97, %dma_start3A_98] : memref<100000x128xf32, #tpu.memory_space<hbm>> -> memref<100000x128xf32, #tpu.memory_space<hbm>>
      tpu.enqueue_indirect_dma source(%dma_start3A_99 : memref<100000x128xf32, #tpu.memory_space<hbm>>) target(%dma_start3A_95 : memref<80x128xf32, #tpu.memory_space<vmem>>) offsets(%dma_start3A_96 : memref<80xi32, #tpu.memory_space<vmem>>) semaphore(%arg19 : memref<!tpu.dma_semaphore, #tpu.memory_space<semaphore_mem>>)
      %dma_wait3A = arith.constant 0 : i32
      %dma_wait3A_100 = arith.constant 0 : i32
      %dma_wait3A_101 = tpu.memref_slice %arg10[%scan3A, %dma_wait3A, %dma_wait3A_100] : memref<2x80x128xf32, #tpu.memory_space<vmem>> -> memref<1x80x128xf32, #tpu.memory_space<vmem>>
      %dma_wait3A_102 = tpu.memref_squeeze %dma_wait3A_101 : memref<1x80x128xf32, #tpu.memory_space<vmem>> -> memref<80x128xf32, #tpu.memory_space<vmem>>
      %dma_wait3A_103 = arith.constant 0 : i32
      %dma_wait3A_104 = tpu.memref_slice %arg9[%dma_wait3A_103] : memref<6400xi32, #tpu.memory_space<vmem>> -> memref<80xi32, #tpu.memory_space<vmem>>
      %dma_wait3A_105 = arith.constant 0 : i32
      %dma_wait3A_106 = arith.constant 0 : i32
      %dma_wait3A_107 = tpu.memref_slice %arg3[%dma_wait3A_105, %dma_wait3A_106] : memref<100000x128xf32, #tpu.memory_space<hbm>> -> memref<100000x128xf32, #tpu.memory_space<hbm>>
      tpu.wait_indirect_dma semaphore(%arg16 : memref<!tpu.dma_semaphore, #tpu.memory_space<semaphore_mem>>) src(%dma_wait3A_107 : memref<100000x128xf32, #tpu.memory_space<hbm>>) dst(%dma_wait3A_102 : memref<80x128xf32, #tpu.memory_space<vmem>>)
      %dma_wait3A_108 = arith.constant 0 : i32
      %dma_wait3A_109 = arith.constant 0 : i32
      %dma_wait3A_110 = tpu.memref_slice %arg11[%scan3A_69, %dma_wait3A_108, %dma_wait3A_109] : memref<2x80x128xf32, #tpu.memory_space<vmem>> -> memref<1x80x128xf32, #tpu.memory_space<vmem>>
      %dma_wait3A_111 = tpu.memref_squeeze %dma_wait3A_110 : memref<1x80x128xf32, #tpu.memory_space<vmem>> -> memref<80x128xf32, #tpu.memory_space<vmem>>
      %dma_wait3A_112 = arith.constant 0 : i32
      %dma_wait3A_113 = tpu.memref_slice %arg9[%dma_wait3A_112] : memref<6400xi32, #tpu.memory_space<vmem>> -> memref<80xi32, #tpu.memory_space<vmem>>
      %dma_wait3A_114 = arith.constant 0 : i32
      %dma_wait3A_115 = arith.constant 0 : i32
      %dma_wait3A_116 = tpu.memref_slice %arg4[%dma_wait3A_114, %dma_wait3A_115] : memref<100000x128xf32, #tpu.memory_space<hbm>> -> memref<100000x128xf32, #tpu.memory_space<hbm>>
      tpu.wait_indirect_dma semaphore(%arg18 : memref<!tpu.dma_semaphore, #tpu.memory_space<semaphore_mem>>) src(%dma_wait3A_116 : memref<100000x128xf32, #tpu.memory_space<hbm>>) dst(%dma_wait3A_111 : memref<80x128xf32, #tpu.memory_space<vmem>>)
      %parallel_loop3A = arith.constant 0 : i32
      %parallel_loop3A_117 = arith.constant 80 : i32
      %parallel_loop3A_118 = arith.constant 1 : i32
      scf.for %parallel_loop3A_256 = %parallel_loop3A to %parallel_loop3A_117 step %parallel_loop3A_118  : i32 {
        %parallel_loop3A_257 = arith.constant 0.000000e+00 : f32
        %parallel_loop3A_258 = vector.broadcast %parallel_loop3A_257 : f32 to vector<16xf32>
        %parallel_loop3A_259 = arith.constant 0.000000e+00 : f32
        %parallel_loop3A_260 = vector.broadcast %parallel_loop3A_259 : f32 to vector<16xf32>
        %parallel_loop3A_261 = arith.constant 0 : i32
        %parallel_loop3A_262 = arith.index_cast %parallel_loop3A_261 : i32 to index
        %parallel_loop3A_263 = arith.index_cast %parallel_loop3A_256 : i32 to index
        %parallel_loop3A_264 = arith.constant 0 : index
        %parallel_loop3A_265 = tpu.vector_load %arg10[%parallel_loop3A_262, %parallel_loop3A_263, %parallel_loop3A_264] {strides = array<i32>} : memref<2x80x128xf32, #tpu.memory_space<vmem>>, vector<1x1x16xf32>,
        %parallel_loop3A_266 = vector.shape_cast %parallel_loop3A_265 : vector<1x1x16xf32> to vector<16xf32>
        %parallel_loop3A_267 = arith.constant 0 : i32
        %parallel_loop3A_268 = arith.index_cast %parallel_loop3A_267 : i32 to index
        %parallel_loop3A_269 = arith.index_cast %parallel_loop3A_256 : i32 to index
        %parallel_loop3A_270 = arith.constant 0 : index
        %parallel_loop3A_271 = tpu.vector_load %arg11[%parallel_loop3A_268, %parallel_loop3A_269, %parallel_loop3A_270] {strides = array<i32>} : memref<2x80x128xf32, #tpu.memory_space<vmem>>, vector<1x1x16xf32>,
        %parallel_loop3A_272 = vector.shape_cast %parallel_loop3A_271 : vector<1x1x16xf32> to vector<16xf32>
        %parallel_loop3A_273 = arith.mulf %parallel_loop3A_266, %parallel_loop3A_266 : vector<16xf32>
        %parallel_loop3A_274 = arith.mulf %parallel_loop3A_272, %parallel_loop3A_272 : vector<16xf32>
        %parallel_loop3A_275 = arith.addf %parallel_loop3A_273, %parallel_loop3A_274 : vector<16xf32>
        %parallel_loop3A_276 = tpu.bitcast %parallel_loop3A_275 : vector<16xf32> -> vector<16xi32>
        %parallel_loop3A_277 = arith.constant 1 : i32
        %parallel_loop3A_278 = vector.broadcast %parallel_loop3A_277 : i32 to vector<16xi32>
        %parallel_loop3A_279 = arith.shrsi %parallel_loop3A_276, %parallel_loop3A_278 : vector<16xi32>
        %parallel_loop3A_280 = arith.constant 1597463007 : i32
        %parallel_loop3A_281 = vector.broadcast %parallel_loop3A_280 : i32 to vector<16xi32>
        %parallel_loop3A_282 = arith.subi %parallel_loop3A_281, %parallel_loop3A_279 : vector<16xi32>
        %parallel_loop3A_283 = tpu.bitcast %parallel_loop3A_282 : vector<16xi32> -> vector<16xf32>
        %parallel_loop3A_284 = arith.constant 5.000000e-01 : f32
        %parallel_loop3A_285 = vector.broadcast %parallel_loop3A_284 : f32 to vector<16xf32>
        %parallel_loop3A_286 = arith.mulf %parallel_loop3A_275, %parallel_loop3A_285 : vector<16xf32>
        %parallel_loop3A_287 = arith.mulf %parallel_loop3A_286, %parallel_loop3A_283 : vector<16xf32>
        %parallel_loop3A_288 = arith.mulf %parallel_loop3A_287, %parallel_loop3A_283 : vector<16xf32>
        %parallel_loop3A_289 = arith.constant 1.500000e+00 : f32
        %parallel_loop3A_290 = vector.broadcast %parallel_loop3A_289 : f32 to vector<16xf32>
        %parallel_loop3A_291 = arith.subf %parallel_loop3A_290, %parallel_loop3A_288 : vector<16xf32>
        %parallel_loop3A_292 = arith.mulf %parallel_loop3A_283, %parallel_loop3A_291 : vector<16xf32>
        %parallel_loop3A_293 = arith.mulf %parallel_loop3A_275, %parallel_loop3A_292 : vector<16xf32>
        %parallel_loop3A_294 = arith.addf %parallel_loop3A_258, %parallel_loop3A_293 : vector<16xf32>
        %parallel_loop3A_295 = arith.addf %parallel_loop3A_260, %parallel_loop3A_275 : vector<16xf32>
        %parallel_loop3A_296 = arith.constant 0 : i32
        %parallel_loop3A_297 = arith.index_cast %parallel_loop3A_296 : i32 to index
        %parallel_loop3A_298 = arith.index_cast %parallel_loop3A_256 : i32 to index
        %parallel_loop3A_299 = arith.constant 16 : index
        %parallel_loop3A_300 = tpu.vector_load %arg10[%parallel_loop3A_297, %parallel_loop3A_298, %parallel_loop3A_299] {strides = array<i32>} : memref<2x80x128xf32, #tpu.memory_space<vmem>>, vector<1x1x16xf32>,
        %parallel_loop3A_301 = vector.shape_cast %parallel_loop3A_300 : vector<1x1x16xf32> to vector<16xf32>
        %parallel_loop3A_302 = arith.constant 0 : i32
        %parallel_loop3A_303 = arith.index_cast %parallel_loop3A_302 : i32 to index
        %parallel_loop3A_304 = arith.index_cast %parallel_loop3A_256 : i32 to index
        %parallel_loop3A_305 = arith.constant 16 : index
        %parallel_loop3A_306 = tpu.vector_load %arg11[%parallel_loop3A_303, %parallel_loop3A_304, %parallel_loop3A_305] {strides = array<i32>} : memref<2x80x128xf32, #tpu.memory_space<vmem>>, vector<1x1x16xf32>,
        %parallel_loop3A_307 = vector.shape_cast %parallel_loop3A_306 : vector<1x1x16xf32> to vector<16xf32>
        %parallel_loop3A_308 = arith.mulf %parallel_loop3A_301, %parallel_loop3A_301 : vector<16xf32>
        %parallel_loop3A_309 = arith.mulf %parallel_loop3A_307, %parallel_loop3A_307 : vector<16xf32>
        %parallel_loop3A_310 = arith.addf %parallel_loop3A_308, %parallel_loop3A_309 : vector<16xf32>
        %parallel_loop3A_311 = tpu.bitcast %parallel_loop3A_310 : vector<16xf32> -> vector<16xi32>
        %parallel_loop3A_312 = arith.constant 1 : i32
        %parallel_loop3A_313 = vector.broadcast %parallel_loop3A_312 : i32 to vector<16xi32>
        %parallel_loop3A_314 = arith.shrsi %parallel_loop3A_311, %parallel_loop3A_313 : vector<16xi32>
        %parallel_loop3A_315 = arith.constant 1597463007 : i32
        %parallel_loop3A_316 = vector.broadcast %parallel_loop3A_315 : i32 to vector<16xi32>
        %parallel_loop3A_317 = arith.subi %parallel_loop3A_316, %parallel_loop3A_314 : vector<16xi32>
        %parallel_loop3A_318 = tpu.bitcast %parallel_loop3A_317 : vector<16xi32> -> vector<16xf32>
        %parallel_loop3A_319 = arith.constant 5.000000e-01 : f32
        %parallel_loop3A_320 = vector.broadcast %parallel_loop3A_319 : f32 to vector<16xf32>
        %parallel_loop3A_321 = arith.mulf %parallel_loop3A_310, %parallel_loop3A_320 : vector<16xf32>
        %parallel_loop3A_322 = arith.mulf %parallel_loop3A_321, %parallel_loop3A_318 : vector<16xf32>
        %parallel_loop3A_323 = arith.mulf %parallel_loop3A_322, %parallel_loop3A_318 : vector<16xf32>
        %parallel_loop3A_324 = arith.constant 1.500000e+00 : f32
        %parallel_loop3A_325 = vector.broadcast %parallel_loop3A_324 : f32 to vector<16xf32>
        %parallel_loop3A_326 = arith.subf %parallel_loop3A_325, %parallel_loop3A_323 : vector<16xf32>
        %parallel_loop3A_327 = arith.mulf %parallel_loop3A_318, %parallel_loop3A_326 : vector<16xf32>
        %parallel_loop3A_328 = arith.mulf %parallel_loop3A_310, %parallel_loop3A_327 : vector<16xf32>
        %parallel_loop3A_329 = arith.addf %parallel_loop3A_294, %parallel_loop3A_328 : vector<16xf32>
        %parallel_loop3A_330 = arith.addf %parallel_loop3A_295, %parallel_loop3A_310 : vector<16xf32>
        %parallel_loop3A_331 = arith.constant 0 : i32
        %parallel_loop3A_332 = arith.index_cast %parallel_loop3A_331 : i32 to index
        %parallel_loop3A_333 = arith.index_cast %parallel_loop3A_256 : i32 to index
        %parallel_loop3A_334 = arith.constant 32 : index
        %parallel_loop3A_335 = tpu.vector_load %arg10[%parallel_loop3A_332, %parallel_loop3A_333, %parallel_loop3A_334] {strides = array<i32>} : memref<2x80x128xf32, #tpu.memory_space<vmem>>, vector<1x1x16xf32>,
        %parallel_loop3A_336 = vector.shape_cast %parallel_loop3A_335 : vector<1x1x16xf32> to vector<16xf32>
        %parallel_loop3A_337 = arith.constant 0 : i32
        %parallel_loop3A_338 = arith.index_cast %parallel_loop3A_337 : i32 to index
        %parallel_loop3A_339 = arith.index_cast %parallel_loop3A_256 : i32 to index
        %parallel_loop3A_340 = arith.constant 32 : index
        %parallel_loop3A_341 = tpu.vector_load %arg11[%parallel_loop3A_338, %parallel_loop3A_339, %parallel_loop3A_340] {strides = array<i32>} : memref<2x80x128xf32, #tpu.memory_space<vmem>>, vector<1x1x16xf32>,
        %parallel_loop3A_342 = vector.shape_cast %parallel_loop3A_341 : vector<1x1x16xf32> to vector<16xf32>
        %parallel_loop3A_343 = arith.mulf %parallel_loop3A_336, %parallel_loop3A_336 : vector<16xf32>
        %parallel_loop3A_344 = arith.mulf %parallel_loop3A_342, %parallel_loop3A_342 : vector<16xf32>
        %parallel_loop3A_345 = arith.addf %parallel_loop3A_343, %parallel_loop3A_344 : vector<16xf32>
        %parallel_loop3A_346 = tpu.bitcast %parallel_loop3A_345 : vector<16xf32> -> vector<16xi32>
        %parallel_loop3A_347 = arith.constant 1 : i32
        %parallel_loop3A_348 = vector.broadcast %parallel_loop3A_347 : i32 to vector<16xi32>
        %parallel_loop3A_349 = arith.shrsi %parallel_loop3A_346, %parallel_loop3A_348 : vector<16xi32>
        %parallel_loop3A_350 = arith.constant 1597463007 : i32
        %parallel_loop3A_351 = vector.broadcast %parallel_loop3A_350 : i32 to vector<16xi32>
        %parallel_loop3A_352 = arith.subi %parallel_loop3A_351, %parallel_loop3A_349 : vector<16xi32>
        %parallel_loop3A_353 = tpu.bitcast %parallel_loop3A_352 : vector<16xi32> -> vector<16xf32>
        %parallel_loop3A_354 = arith.constant 5.000000e-01 : f32
        %parallel_loop3A_355 = vector.broadcast %parallel_loop3A_354 : f32 to vector<16xf32>
        %parallel_loop3A_356 = arith.mulf %parallel_loop3A_345, %parallel_loop3A_355 : vector<16xf32>
        %parallel_loop3A_357 = arith.mulf %parallel_loop3A_356, %parallel_loop3A_353 : vector<16xf32>
        %parallel_loop3A_358 = arith.mulf %parallel_loop3A_357, %parallel_loop3A_353 : vector<16xf32>
        %parallel_loop3A_359 = arith.constant 1.500000e+00 : f32
        %parallel_loop3A_360 = vector.broadcast %parallel_loop3A_359 : f32 to vector<16xf32>
        %parallel_loop3A_361 = arith.subf %parallel_loop3A_360, %parallel_loop3A_358 : vector<16xf32>
        %parallel_loop3A_362 = arith.mulf %parallel_loop3A_353, %parallel_loop3A_361 : vector<16xf32>
        %parallel_loop3A_363 = arith.mulf %parallel_loop3A_345, %parallel_loop3A_362 : vector<16xf32>
        %parallel_loop3A_364 = arith.addf %parallel_loop3A_329, %parallel_loop3A_363 : vector<16xf32>
        %parallel_loop3A_365 = arith.addf %parallel_loop3A_330, %parallel_loop3A_345 : vector<16xf32>
        %parallel_loop3A_366 = arith.constant 0 : i32
        %parallel_loop3A_367 = arith.index_cast %parallel_loop3A_366 : i32 to index
        %parallel_loop3A_368 = arith.index_cast %parallel_loop3A_256 : i32 to index
        %parallel_loop3A_369 = arith.constant 48 : index
        %parallel_loop3A_370 = tpu.vector_load %arg10[%parallel_loop3A_367, %parallel_loop3A_368, %parallel_loop3A_369] {strides = array<i32>} : memref<2x80x128xf32, #tpu.memory_space<vmem>>, vector<1x1x16xf32>,
        %parallel_loop3A_371 = vector.shape_cast %parallel_loop3A_370 : vector<1x1x16xf32> to vector<16xf32>
        %parallel_loop3A_372 = arith.constant 0 : i32
        %parallel_loop3A_373 = arith.index_cast %parallel_loop3A_372 : i32 to index
        %parallel_loop3A_374 = arith.index_cast %parallel_loop3A_256 : i32 to index
        %parallel_loop3A_375 = arith.constant 48 : index
        %parallel_loop3A_376 = tpu.vector_load %arg11[%parallel_loop3A_373, %parallel_loop3A_374, %parallel_loop3A_375] {strides = array<i32>} : memref<2x80x128xf32, #tpu.memory_space<vmem>>, vector<1x1x16xf32>,
        %parallel_loop3A_377 = vector.shape_cast %parallel_loop3A_376 : vector<1x1x16xf32> to vector<16xf32>
        %parallel_loop3A_378 = arith.mulf %parallel_loop3A_371, %parallel_loop3A_371 : vector<16xf32>
        %parallel_loop3A_379 = arith.mulf %parallel_loop3A_377, %parallel_loop3A_377 : vector<16xf32>
        %parallel_loop3A_380 = arith.addf %parallel_loop3A_378, %parallel_loop3A_379 : vector<16xf32>
        %parallel_loop3A_381 = tpu.bitcast %parallel_loop3A_380 : vector<16xf32> -> vector<16xi32>
        %parallel_loop3A_382 = arith.constant 1 : i32
        %parallel_loop3A_383 = vector.broadcast %parallel_loop3A_382 : i32 to vector<16xi32>
        %parallel_loop3A_384 = arith.shrsi %parallel_loop3A_381, %parallel_loop3A_383 : vector<16xi32>
        %parallel_loop3A_385 = arith.constant 1597463007 : i32
        %parallel_loop3A_386 = vector.broadcast %parallel_loop3A_385 : i32 to vector<16xi32>
        %parallel_loop3A_387 = arith.subi %parallel_loop3A_386, %parallel_loop3A_384 : vector<16xi32>
        %parallel_loop3A_388 = tpu.bitcast %parallel_loop3A_387 : vector<16xi32> -> vector<16xf32>
        %parallel_loop3A_389 = arith.constant 5.000000e-01 : f32
        %parallel_loop3A_390 = vector.broadcast %parallel_loop3A_389 : f32 to vector<16xf32>
        %parallel_loop3A_391 = arith.mulf %parallel_loop3A_380, %parallel_loop3A_390 : vector<16xf32>
        %parallel_loop3A_392 = arith.mulf %parallel_loop3A_391, %parallel_loop3A_388 : vector<16xf32>
        %parallel_loop3A_393 = arith.mulf %parallel_loop3A_392, %parallel_loop3A_388 : vector<16xf32>
        %parallel_loop3A_394 = arith.constant 1.500000e+00 : f32
        %parallel_loop3A_395 = vector.broadcast %parallel_loop3A_394 : f32 to vector<16xf32>
        %parallel_loop3A_396 = arith.subf %parallel_loop3A_395, %parallel_loop3A_393 : vector<16xf32>
        %parallel_loop3A_397 = arith.mulf %parallel_loop3A_388, %parallel_loop3A_396 : vector<16xf32>
        %parallel_loop3A_398 = arith.mulf %parallel_loop3A_380, %parallel_loop3A_397 : vector<16xf32>
        %parallel_loop3A_399 = arith.addf %parallel_loop3A_364, %parallel_loop3A_398 : vector<16xf32>
        %parallel_loop3A_400 = arith.addf %parallel_loop3A_365, %parallel_loop3A_380 : vector<16xf32>
        %parallel_loop3A_401 = arith.constant 0 : i32
        %parallel_loop3A_402 = arith.index_cast %parallel_loop3A_401 : i32 to index
        %parallel_loop3A_403 = arith.index_cast %parallel_loop3A_256 : i32 to index
        %parallel_loop3A_404 = arith.constant 64 : index
        %parallel_loop3A_405 = tpu.vector_load %arg10[%parallel_loop3A_402, %parallel_loop3A_403, %parallel_loop3A_404] {strides = array<i32>} : memref<2x80x128xf32, #tpu.memory_space<vmem>>, vector<1x1x16xf32>,
        %parallel_loop3A_406 = vector.shape_cast %parallel_loop3A_405 : vector<1x1x16xf32> to vector<16xf32>
        %parallel_loop3A_407 = arith.constant 0 : i32
        %parallel_loop3A_408 = arith.index_cast %parallel_loop3A_407 : i32 to index
        %parallel_loop3A_409 = arith.index_cast %parallel_loop3A_256 : i32 to index
        %parallel_loop3A_410 = arith.constant 64 : index
        %parallel_loop3A_411 = tpu.vector_load %arg11[%parallel_loop3A_408, %parallel_loop3A_409, %parallel_loop3A_410] {strides = array<i32>} : memref<2x80x128xf32, #tpu.memory_space<vmem>>, vector<1x1x16xf32>,
        %parallel_loop3A_412 = vector.shape_cast %parallel_loop3A_411 : vector<1x1x16xf32> to vector<16xf32>
        %parallel_loop3A_413 = arith.mulf %parallel_loop3A_406, %parallel_loop3A_406 : vector<16xf32>
        %parallel_loop3A_414 = arith.mulf %parallel_loop3A_412, %parallel_loop3A_412 : vector<16xf32>
        %parallel_loop3A_415 = arith.addf %parallel_loop3A_413, %parallel_loop3A_414 : vector<16xf32>
        %parallel_loop3A_416 = tpu.bitcast %parallel_loop3A_415 : vector<16xf32> -> vector<16xi32>
        %parallel_loop3A_417 = arith.constant 1 : i32
        %parallel_loop3A_418 = vector.broadcast %parallel_loop3A_417 : i32 to vector<16xi32>
        %parallel_loop3A_419 = arith.shrsi %parallel_loop3A_416, %parallel_loop3A_418 : vector<16xi32>
        %parallel_loop3A_420 = arith.constant 1597463007 : i32
        %parallel_loop3A_421 = vector.broadcast %parallel_loop3A_420 : i32 to vector<16xi32>
        %parallel_loop3A_422 = arith.subi %parallel_loop3A_421, %parallel_loop3A_419 : vector<16xi32>
        %parallel_loop3A_423 = tpu.bitcast %parallel_loop3A_422 : vector<16xi32> -> vector<16xf32>
        %parallel_loop3A_424 = arith.constant 5.000000e-01 : f32
        %parallel_loop3A_425 = vector.broadcast %parallel_loop3A_424 : f32 to vector<16xf32>
        %parallel_loop3A_426 = arith.mulf %parallel_loop3A_415, %parallel_loop3A_425 : vector<16xf32>
        %parallel_loop3A_427 = arith.mulf %parallel_loop3A_426, %parallel_loop3A_423 : vector<16xf32>
        %parallel_loop3A_428 = arith.mulf %parallel_loop3A_427, %parallel_loop3A_423 : vector<16xf32>
        %parallel_loop3A_429 = arith.constant 1.500000e+00 : f32
        %parallel_loop3A_430 = vector.broadcast %parallel_loop3A_429 : f32 to vector<16xf32>
        %parallel_loop3A_431 = arith.subf %parallel_loop3A_430, %parallel_loop3A_428 : vector<16xf32>
        %parallel_loop3A_432 = arith.mulf %parallel_loop3A_423, %parallel_loop3A_431 : vector<16xf32>
        %parallel_loop3A_433 = arith.mulf %parallel_loop3A_415, %parallel_loop3A_432 : vector<16xf32>
        %parallel_loop3A_434 = arith.addf %parallel_loop3A_399, %parallel_loop3A_433 : vector<16xf32>
        %parallel_loop3A_435 = arith.addf %parallel_loop3A_400, %parallel_loop3A_415 : vector<16xf32>
        %parallel_loop3A_436 = arith.constant 0 : i32
        %parallel_loop3A_437 = arith.index_cast %parallel_loop3A_436 : i32 to index
        %parallel_loop3A_438 = arith.index_cast %parallel_loop3A_256 : i32 to index
        %parallel_loop3A_439 = arith.constant 80 : index
        %parallel_loop3A_440 = tpu.vector_load %arg10[%parallel_loop3A_437, %parallel_loop3A_438, %parallel_loop3A_439] {strides = array<i32>} : memref<2x80x128xf32, #tpu.memory_space<vmem>>, vector<1x1x16xf32>,
        %parallel_loop3A_441 = vector.shape_cast %parallel_loop3A_440 : vector<1x1x16xf32> to vector<16xf32>
        %parallel_loop3A_442 = arith.constant 0 : i32
        %parallel_loop3A_443 = arith.index_cast %parallel_loop3A_442 : i32 to index
        %parallel_loop3A_444 = arith.index_cast %parallel_loop3A_256 : i32 to index
        %parallel_loop3A_445 = arith.constant 80 : index
        %parallel_loop3A_446 = tpu.vector_load %arg11[%parallel_loop3A_443, %parallel_loop3A_444, %parallel_loop3A_445] {strides = array<i32>} : memref<2x80x128xf32, #tpu.memory_space<vmem>>, vector<1x1x16xf32>,
        %parallel_loop3A_447 = vector.shape_cast %parallel_loop3A_446 : vector<1x1x16xf32> to vector<16xf32>
        %parallel_loop3A_448 = arith.mulf %parallel_loop3A_441, %parallel_loop3A_441 : vector<16xf32>
        %parallel_loop3A_449 = arith.mulf %parallel_loop3A_447, %parallel_loop3A_447 : vector<16xf32>
        %parallel_loop3A_450 = arith.addf %parallel_loop3A_448, %parallel_loop3A_449 : vector<16xf32>
        %parallel_loop3A_451 = tpu.bitcast %parallel_loop3A_450 : vector<16xf32> -> vector<16xi32>
        %parallel_loop3A_452 = arith.constant 1 : i32
        %parallel_loop3A_453 = vector.broadcast %parallel_loop3A_452 : i32 to vector<16xi32>
        %parallel_loop3A_454 = arith.shrsi %parallel_loop3A_451, %parallel_loop3A_453 : vector<16xi32>
        %parallel_loop3A_455 = arith.constant 1597463007 : i32
        %parallel_loop3A_456 = vector.broadcast %parallel_loop3A_455 : i32 to vector<16xi32>
        %parallel_loop3A_457 = arith.subi %parallel_loop3A_456, %parallel_loop3A_454 : vector<16xi32>
        %parallel_loop3A_458 = tpu.bitcast %parallel_loop3A_457 : vector<16xi32> -> vector<16xf32>
        %parallel_loop3A_459 = arith.constant 5.000000e-01 : f32
        %parallel_loop3A_460 = vector.broadcast %parallel_loop3A_459 : f32 to vector<16xf32>
        %parallel_loop3A_461 = arith.mulf %parallel_loop3A_450, %parallel_loop3A_460 : vector<16xf32>
        %parallel_loop3A_462 = arith.mulf %parallel_loop3A_461, %parallel_loop3A_458 : vector<16xf32>
        %parallel_loop3A_463 = arith.mulf %parallel_loop3A_462, %parallel_loop3A_458 : vector<16xf32>
        %parallel_loop3A_464 = arith.constant 1.500000e+00 : f32
        %parallel_loop3A_465 = vector.broadcast %parallel_loop3A_464 : f32 to vector<16xf32>
        %parallel_loop3A_466 = arith.subf %parallel_loop3A_465, %parallel_loop3A_463 : vector<16xf32>
        %parallel_loop3A_467 = arith.mulf %parallel_loop3A_458, %parallel_loop3A_466 : vector<16xf32>
        %parallel_loop3A_468 = arith.mulf %parallel_loop3A_450, %parallel_loop3A_467 : vector<16xf32>
        %parallel_loop3A_469 = arith.addf %parallel_loop3A_434, %parallel_loop3A_468 : vector<16xf32>
        %parallel_loop3A_470 = arith.addf %parallel_loop3A_435, %parallel_loop3A_450 : vector<16xf32>
        %parallel_loop3A_471 = arith.constant 0 : i32
        %parallel_loop3A_472 = arith.index_cast %parallel_loop3A_471 : i32 to index
        %parallel_loop3A_473 = arith.index_cast %parallel_loop3A_256 : i32 to index
        %parallel_loop3A_474 = arith.constant 96 : index
        %parallel_loop3A_475 = tpu.vector_load %arg10[%parallel_loop3A_472, %parallel_loop3A_473, %parallel_loop3A_474] {strides = array<i32>} : memref<2x80x128xf32, #tpu.memory_space<vmem>>, vector<1x1x16xf32>,
        %parallel_loop3A_476 = vector.shape_cast %parallel_loop3A_475 : vector<1x1x16xf32> to vector<16xf32>
        %parallel_loop3A_477 = arith.constant 0 : i32
        %parallel_loop3A_478 = arith.index_cast %parallel_loop3A_477 : i32 to index
        %parallel_loop3A_479 = arith.index_cast %parallel_loop3A_256 : i32 to index
        %parallel_loop3A_480 = arith.constant 96 : index
        %parallel_loop3A_481 = tpu.vector_load %arg11[%parallel_loop3A_478, %parallel_loop3A_479, %parallel_loop3A_480] {strides = array<i32>} : memref<2x80x128xf32, #tpu.memory_space<vmem>>, vector<1x1x16xf32>,
        %parallel_loop3A_482 = vector.shape_cast %parallel_loop3A_481 : vector<1x1x16xf32> to vector<16xf32>
        %parallel_loop3A_483 = arith.mulf %parallel_loop3A_476, %parallel_loop3A_476 : vector<16xf32>
        %parallel_loop3A_484 = arith.mulf %parallel_loop3A_482, %parallel_loop3A_482 : vector<16xf32>
        %parallel_loop3A_485 = arith.addf %parallel_loop3A_483, %parallel_loop3A_484 : vector<16xf32>
        %parallel_loop3A_486 = tpu.bitcast %parallel_loop3A_485 : vector<16xf32> -> vector<16xi32>
        %parallel_loop3A_487 = arith.constant 1 : i32
        %parallel_loop3A_488 = vector.broadcast %parallel_loop3A_487 : i32 to vector<16xi32>
        %parallel_loop3A_489 = arith.shrsi %parallel_loop3A_486, %parallel_loop3A_488 : vector<16xi32>
        %parallel_loop3A_490 = arith.constant 1597463007 : i32
        %parallel_loop3A_491 = vector.broadcast %parallel_loop3A_490 : i32 to vector<16xi32>
        %parallel_loop3A_492 = arith.subi %parallel_loop3A_491, %parallel_loop3A_489 : vector<16xi32>
        %parallel_loop3A_493 = tpu.bitcast %parallel_loop3A_492 : vector<16xi32> -> vector<16xf32>
        %parallel_loop3A_494 = arith.constant 5.000000e-01 : f32
        %parallel_loop3A_495 = vector.broadcast %parallel_loop3A_494 : f32 to vector<16xf32>
        %parallel_loop3A_496 = arith.mulf %parallel_loop3A_485, %parallel_loop3A_495 : vector<16xf32>
        %parallel_loop3A_497 = arith.mulf %parallel_loop3A_496, %parallel_loop3A_493 : vector<16xf32>
        %parallel_loop3A_498 = arith.mulf %parallel_loop3A_497, %parallel_loop3A_493 : vector<16xf32>
        %parallel_loop3A_499 = arith.constant 1.500000e+00 : f32
        %parallel_loop3A_500 = vector.broadcast %parallel_loop3A_499 : f32 to vector<16xf32>
        %parallel_loop3A_501 = arith.subf %parallel_loop3A_500, %parallel_loop3A_498 : vector<16xf32>
        %parallel_loop3A_502 = arith.mulf %parallel_loop3A_493, %parallel_loop3A_501 : vector<16xf32>
        %parallel_loop3A_503 = arith.mulf %parallel_loop3A_485, %parallel_loop3A_502 : vector<16xf32>
        %parallel_loop3A_504 = arith.addf %parallel_loop3A_469, %parallel_loop3A_503 : vector<16xf32>
        %parallel_loop3A_505 = arith.addf %parallel_loop3A_470, %parallel_loop3A_485 : vector<16xf32>
        %parallel_loop3A_506 = arith.constant 0 : i32
        %parallel_loop3A_507 = arith.index_cast %parallel_loop3A_506 : i32 to index
        %parallel_loop3A_508 = arith.index_cast %parallel_loop3A_256 : i32 to index
        %parallel_loop3A_509 = arith.constant 112 : index
        %parallel_loop3A_510 = tpu.vector_load %arg10[%parallel_loop3A_507, %parallel_loop3A_508, %parallel_loop3A_509] {strides = array<i32>} : memref<2x80x128xf32, #tpu.memory_space<vmem>>, vector<1x1x16xf32>,
        %parallel_loop3A_511 = vector.shape_cast %parallel_loop3A_510 : vector<1x1x16xf32> to vector<16xf32>
        %parallel_loop3A_512 = arith.constant 0 : i32
        %parallel_loop3A_513 = arith.index_cast %parallel_loop3A_512 : i32 to index
        %parallel_loop3A_514 = arith.index_cast %parallel_loop3A_256 : i32 to index
        %parallel_loop3A_515 = arith.constant 112 : index
        %parallel_loop3A_516 = tpu.vector_load %arg11[%parallel_loop3A_513, %parallel_loop3A_514, %parallel_loop3A_515] {strides = array<i32>} : memref<2x80x128xf32, #tpu.memory_space<vmem>>, vector<1x1x16xf32>,
        %parallel_loop3A_517 = vector.shape_cast %parallel_loop3A_516 : vector<1x1x16xf32> to vector<16xf32>
        %parallel_loop3A_518 = arith.mulf %parallel_loop3A_511, %parallel_loop3A_511 : vector<16xf32>
        %parallel_loop3A_519 = arith.mulf %parallel_loop3A_517, %parallel_loop3A_517 : vector<16xf32>
        %parallel_loop3A_520 = arith.addf %parallel_loop3A_518, %parallel_loop3A_519 : vector<16xf32>
        %parallel_loop3A_521 = tpu.bitcast %parallel_loop3A_520 : vector<16xf32> -> vector<16xi32>
        %parallel_loop3A_522 = arith.constant 1 : i32
        %parallel_loop3A_523 = vector.broadcast %parallel_loop3A_522 : i32 to vector<16xi32>
        %parallel_loop3A_524 = arith.shrsi %parallel_loop3A_521, %parallel_loop3A_523 : vector<16xi32>
        %parallel_loop3A_525 = arith.constant 1597463007 : i32
        %parallel_loop3A_526 = vector.broadcast %parallel_loop3A_525 : i32 to vector<16xi32>
        %parallel_loop3A_527 = arith.subi %parallel_loop3A_526, %parallel_loop3A_524 : vector<16xi32>
        %parallel_loop3A_528 = tpu.bitcast %parallel_loop3A_527 : vector<16xi32> -> vector<16xf32>
        %parallel_loop3A_529 = arith.constant 5.000000e-01 : f32
        %parallel_loop3A_530 = vector.broadcast %parallel_loop3A_529 : f32 to vector<16xf32>
        %parallel_loop3A_531 = arith.mulf %parallel_loop3A_520, %parallel_loop3A_530 : vector<16xf32>
        %parallel_loop3A_532 = arith.mulf %parallel_loop3A_531, %parallel_loop3A_528 : vector<16xf32>
        %parallel_loop3A_533 = arith.mulf %parallel_loop3A_532, %parallel_loop3A_528 : vector<16xf32>
        %parallel_loop3A_534 = arith.constant 1.500000e+00 : f32
        %parallel_loop3A_535 = vector.broadcast %parallel_loop3A_534 : f32 to vector<16xf32>
        %parallel_loop3A_536 = arith.subf %parallel_loop3A_535, %parallel_loop3A_533 : vector<16xf32>
        %parallel_loop3A_537 = arith.mulf %parallel_loop3A_528, %parallel_loop3A_536 : vector<16xf32>
        %parallel_loop3A_538 = arith.mulf %parallel_loop3A_520, %parallel_loop3A_537 : vector<16xf32>
        %parallel_loop3A_539 = arith.addf %parallel_loop3A_504, %parallel_loop3A_538 : vector<16xf32>
        %parallel_loop3A_540 = arith.addf %parallel_loop3A_505, %parallel_loop3A_520 : vector<16xf32>
        %parallel_loop3A_541 = tpu.iota {dimensions = array<i32: 0>} : vector<16xi32>
        %parallel_loop3A_542 = arith.constant 1 : i32
        %parallel_loop3A_543 = vector.broadcast %parallel_loop3A_542 : i32 to vector<16xi32>
        %parallel_loop3A_544 = arith.xori %parallel_loop3A_541, %parallel_loop3A_543 : vector<16xi32>
        %parallel_loop3A_545 = arith.constant 0 : i32
        %parallel_loop3A_546 = vector.broadcast %parallel_loop3A_545 : i32 to vector<16xi32>
        %parallel_loop3A_547 = arith.cmpi slt, %parallel_loop3A_544, %parallel_loop3A_546 : vector<16xi32>
        %parallel_loop3A_548 = arith.constant 16 : i32
        %parallel_loop3A_549 = vector.broadcast %parallel_loop3A_548 : i32 to vector<16xi32>
        %parallel_loop3A_550 = arith.addi %parallel_loop3A_544, %parallel_loop3A_549 : vector<16xi32>
        %parallel_loop3A_551 = arith.select %parallel_loop3A_547, %parallel_loop3A_550, %parallel_loop3A_544 : vector<16xi1>, vector<16xi32>
        %parallel_loop3A_552 = vector.shape_cast %parallel_loop3A_551 : vector<16xi32> to vector<16x1xi32>
        %parallel_loop3A_553 = vector.shape_cast %parallel_loop3A_552 : vector<16x1xi32> to vector<16xi32>
        %parallel_loop3A_554 = tpu.dynamic_gather %parallel_loop3A_539[%parallel_loop3A_553] in [0] : vector<16xf32>, vector<16xi32> -> vector<16xf32>
        %parallel_loop3A_555 = arith.addf %parallel_loop3A_539, %parallel_loop3A_554 : vector<16xf32>
        %parallel_loop3A_556 = arith.constant 2 : i32
        %parallel_loop3A_557 = vector.broadcast %parallel_loop3A_556 : i32 to vector<16xi32>
        %parallel_loop3A_558 = arith.xori %parallel_loop3A_541, %parallel_loop3A_557 : vector<16xi32>
        %parallel_loop3A_559 = arith.constant 0 : i32
        %parallel_loop3A_560 = vector.broadcast %parallel_loop3A_559 : i32 to vector<16xi32>
        %parallel_loop3A_561 = arith.cmpi slt, %parallel_loop3A_558, %parallel_loop3A_560 : vector<16xi32>
        %parallel_loop3A_562 = arith.constant 16 : i32
        %parallel_loop3A_563 = vector.broadcast %parallel_loop3A_562 : i32 to vector<16xi32>
        %parallel_loop3A_564 = arith.addi %parallel_loop3A_558, %parallel_loop3A_563 : vector<16xi32>
        %parallel_loop3A_565 = arith.select %parallel_loop3A_561, %parallel_loop3A_564, %parallel_loop3A_558 : vector<16xi1>, vector<16xi32>
        %parallel_loop3A_566 = vector.shape_cast %parallel_loop3A_565 : vector<16xi32> to vector<16x1xi32>
        %parallel_loop3A_567 = vector.shape_cast %parallel_loop3A_566 : vector<16x1xi32> to vector<16xi32>
        %parallel_loop3A_568 = tpu.dynamic_gather %parallel_loop3A_555[%parallel_loop3A_567] in [0] : vector<16xf32>, vector<16xi32> -> vector<16xf32>
        %parallel_loop3A_569 = arith.addf %parallel_loop3A_555, %parallel_loop3A_568 : vector<16xf32>
        %parallel_loop3A_570 = arith.constant 4 : i32
        %parallel_loop3A_571 = vector.broadcast %parallel_loop3A_570 : i32 to vector<16xi32>
        %parallel_loop3A_572 = arith.xori %parallel_loop3A_541, %parallel_loop3A_571 : vector<16xi32>
        %parallel_loop3A_573 = arith.constant 0 : i32
        %parallel_loop3A_574 = vector.broadcast %parallel_loop3A_573 : i32 to vector<16xi32>
        %parallel_loop3A_575 = arith.cmpi slt, %parallel_loop3A_572, %parallel_loop3A_574 : vector<16xi32>
        %parallel_loop3A_576 = arith.constant 16 : i32
        %parallel_loop3A_577 = vector.broadcast %parallel_loop3A_576 : i32 to vector<16xi32>
        %parallel_loop3A_578 = arith.addi %parallel_loop3A_572, %parallel_loop3A_577 : vector<16xi32>
        %parallel_loop3A_579 = arith.select %parallel_loop3A_575, %parallel_loop3A_578, %parallel_loop3A_572 : vector<16xi1>, vector<16xi32>
        %parallel_loop3A_580 = vector.shape_cast %parallel_loop3A_579 : vector<16xi32> to vector<16x1xi32>
        %parallel_loop3A_581 = vector.shape_cast %parallel_loop3A_580 : vector<16x1xi32> to vector<16xi32>
        %parallel_loop3A_582 = tpu.dynamic_gather %parallel_loop3A_569[%parallel_loop3A_581] in [0] : vector<16xf32>, vector<16xi32> -> vector<16xf32>
        %parallel_loop3A_583 = arith.addf %parallel_loop3A_569, %parallel_loop3A_582 : vector<16xf32>
        %parallel_loop3A_584 = arith.constant 8 : i32
        %parallel_loop3A_585 = vector.broadcast %parallel_loop3A_584 : i32 to vector<16xi32>
        %parallel_loop3A_586 = arith.xori %parallel_loop3A_541, %parallel_loop3A_585 : vector<16xi32>
        %parallel_loop3A_587 = arith.constant 0 : i32
        %parallel_loop3A_588 = vector.broadcast %parallel_loop3A_587 : i32 to vector<16xi32>
        %parallel_loop3A_589 = arith.cmpi slt, %parallel_loop3A_586, %parallel_loop3A_588 : vector<16xi32>
        %parallel_loop3A_590 = arith.constant 16 : i32
        %parallel_loop3A_591 = vector.broadcast %parallel_loop3A_590 : i32 to vector<16xi32>
        %parallel_loop3A_592 = arith.addi %parallel_loop3A_586, %parallel_loop3A_591 : vector<16xi32>
        %parallel_loop3A_593 = arith.select %parallel_loop3A_589, %parallel_loop3A_592, %parallel_loop3A_586 : vector<16xi1>, vector<16xi32>
        %parallel_loop3A_594 = vector.shape_cast %parallel_loop3A_593 : vector<16xi32> to vector<16x1xi32>
        %parallel_loop3A_595 = vector.shape_cast %parallel_loop3A_594 : vector<16x1xi32> to vector<16xi32>
        %parallel_loop3A_596 = tpu.dynamic_gather %parallel_loop3A_583[%parallel_loop3A_595] in [0] : vector<16xf32>, vector<16xi32> -> vector<16xf32>
        %parallel_loop3A_597 = arith.addf %parallel_loop3A_583, %parallel_loop3A_596 : vector<16xf32>
        %parallel_loop3A_598 = arith.constant 7.812500e-03 : f32
        %parallel_loop3A_599 = vector.broadcast %parallel_loop3A_598 : f32 to vector<16xf32>
        %parallel_loop3A_600 = arith.mulf %parallel_loop3A_597, %parallel_loop3A_599 : vector<16xf32>
        %parallel_loop3A_601 = tpu.iota {dimensions = array<i32: 0>} : vector<16xi32>
        %parallel_loop3A_602 = arith.constant 1 : i32
        %parallel_loop3A_603 = vector.broadcast %parallel_loop3A_602 : i32 to vector<16xi32>
        %parallel_loop3A_604 = arith.xori %parallel_loop3A_601, %parallel_loop3A_603 : vector<16xi32>
        %parallel_loop3A_605 = arith.constant 0 : i32
        %parallel_loop3A_606 = vector.broadcast %parallel_loop3A_605 : i32 to vector<16xi32>
        %parallel_loop3A_607 = arith.cmpi slt, %parallel_loop3A_604, %parallel_loop3A_606 : vector<16xi32>
        %parallel_loop3A_608 = arith.constant 16 : i32
        %parallel_loop3A_609 = vector.broadcast %parallel_loop3A_608 : i32 to vector<16xi32>
        %parallel_loop3A_610 = arith.addi %parallel_loop3A_604, %parallel_loop3A_609 : vector<16xi32>
        %parallel_loop3A_611 = arith.select %parallel_loop3A_607, %parallel_loop3A_610, %parallel_loop3A_604 : vector<16xi1>, vector<16xi32>
        %parallel_loop3A_612 = vector.shape_cast %parallel_loop3A_611 : vector<16xi32> to vector<16x1xi32>
        %parallel_loop3A_613 = vector.shape_cast %parallel_loop3A_612 : vector<16x1xi32> to vector<16xi32>
        %parallel_loop3A_614 = tpu.dynamic_gather %parallel_loop3A_540[%parallel_loop3A_613] in [0] : vector<16xf32>, vector<16xi32> -> vector<16xf32>
        %parallel_loop3A_615 = arith.addf %parallel_loop3A_540, %parallel_loop3A_614 : vector<16xf32>
        %parallel_loop3A_616 = arith.constant 2 : i32
        %parallel_loop3A_617 = vector.broadcast %parallel_loop3A_616 : i32 to vector<16xi32>
        %parallel_loop3A_618 = arith.xori %parallel_loop3A_601, %parallel_loop3A_617 : vector<16xi32>
        %parallel_loop3A_619 = arith.constant 0 : i32
        %parallel_loop3A_620 = vector.broadcast %parallel_loop3A_619 : i32 to vector<16xi32>
        %parallel_loop3A_621 = arith.cmpi slt, %parallel_loop3A_618, %parallel_loop3A_620 : vector<16xi32>
        %parallel_loop3A_622 = arith.constant 16 : i32
        %parallel_loop3A_623 = vector.broadcast %parallel_loop3A_622 : i32 to vector<16xi32>
        %parallel_loop3A_624 = arith.addi %parallel_loop3A_618, %parallel_loop3A_623 : vector<16xi32>
        %parallel_loop3A_625 = arith.select %parallel_loop3A_621, %parallel_loop3A_624, %parallel_loop3A_618 : vector<16xi1>, vector<16xi32>
        %parallel_loop3A_626 = vector.shape_cast %parallel_loop3A_625 : vector<16xi32> to vector<16x1xi32>
        %parallel_loop3A_627 = vector.shape_cast %parallel_loop3A_626 : vector<16x1xi32> to vector<16xi32>
        %parallel_loop3A_628 = tpu.dynamic_gather %parallel_loop3A_615[%parallel_loop3A_627] in [0] : vector<16xf32>, vector<16xi32> -> vector<16xf32>
        %parallel_loop3A_629 = arith.addf %parallel_loop3A_615, %parallel_loop3A_628 : vector<16xf32>
        %parallel_loop3A_630 = arith.constant 4 : i32
        %parallel_loop3A_631 = vector.broadcast %parallel_loop3A_630 : i32 to vector<16xi32>
        %parallel_loop3A_632 = arith.xori %parallel_loop3A_601, %parallel_loop3A_631 : vector<16xi32>
        %parallel_loop3A_633 = arith.constant 0 : i32
        %parallel_loop3A_634 = vector.broadcast %parallel_loop3A_633 : i32 to vector<16xi32>
        %parallel_loop3A_635 = arith.cmpi slt, %parallel_loop3A_632, %parallel_loop3A_634 : vector<16xi32>
        %parallel_loop3A_636 = arith.constant 16 : i32
        %parallel_loop3A_637 = vector.broadcast %parallel_loop3A_636 : i32 to vector<16xi32>
        %parallel_loop3A_638 = arith.addi %parallel_loop3A_632, %parallel_loop3A_637 : vector<16xi32>
        %parallel_loop3A_639 = arith.select %parallel_loop3A_635, %parallel_loop3A_638, %parallel_loop3A_632 : vector<16xi1>, vector<16xi32>
        %parallel_loop3A_640 = vector.shape_cast %parallel_loop3A_639 : vector<16xi32> to vector<16x1xi32>
        %parallel_loop3A_641 = vector.shape_cast %parallel_loop3A_640 : vector<16x1xi32> to vector<16xi32>
        %parallel_loop3A_642 = tpu.dynamic_gather %parallel_loop3A_629[%parallel_loop3A_641] in [0] : vector<16xf32>, vector<16xi32> -> vector<16xf32>
        %parallel_loop3A_643 = arith.addf %parallel_loop3A_629, %parallel_loop3A_642 : vector<16xf32>
        %parallel_loop3A_644 = arith.constant 8 : i32
        %parallel_loop3A_645 = vector.broadcast %parallel_loop3A_644 : i32 to vector<16xi32>
        %parallel_loop3A_646 = arith.xori %parallel_loop3A_601, %parallel_loop3A_645 : vector<16xi32>
        %parallel_loop3A_647 = arith.constant 0 : i32
        %parallel_loop3A_648 = vector.broadcast %parallel_loop3A_647 : i32 to vector<16xi32>
        %parallel_loop3A_649 = arith.cmpi slt, %parallel_loop3A_646, %parallel_loop3A_648 : vector<16xi32>
        %parallel_loop3A_650 = arith.constant 16 : i32
        %parallel_loop3A_651 = vector.broadcast %parallel_loop3A_650 : i32 to vector<16xi32>
        %parallel_loop3A_652 = arith.addi %parallel_loop3A_646, %parallel_loop3A_651 : vector<16xi32>
        %parallel_loop3A_653 = arith.select %parallel_loop3A_649, %parallel_loop3A_652, %parallel_loop3A_646 : vector<16xi1>, vector<16xi32>
        %parallel_loop3A_654 = vector.shape_cast %parallel_loop3A_653 : vector<16xi32> to vector<16x1xi32>
        %parallel_loop3A_655 = vector.shape_cast %parallel_loop3A_654 : vector<16x1xi32> to vector<16xi32>
        %parallel_loop3A_656 = tpu.dynamic_gather %parallel_loop3A_643[%parallel_loop3A_655] in [0] : vector<16xf32>, vector<16xi32> -> vector<16xf32>
        %parallel_loop3A_657 = arith.addf %parallel_loop3A_643, %parallel_loop3A_656 : vector<16xf32>
        %parallel_loop3A_658 = arith.constant 7.812500e-03 : f32
        %parallel_loop3A_659 = vector.broadcast %parallel_loop3A_658 : f32 to vector<16xf32>
        %parallel_loop3A_660 = arith.mulf %parallel_loop3A_657, %parallel_loop3A_659 : vector<16xf32>
        %parallel_loop3A_661 = arith.mulf %parallel_loop3A_600, %parallel_loop3A_600 : vector<16xf32>
        %parallel_loop3A_662 = arith.subf %parallel_loop3A_660, %parallel_loop3A_661 : vector<16xf32>
        %parallel_loop3A_663 = arith.constant 9.99999974E-6 : f32
        %parallel_loop3A_664 = vector.broadcast %parallel_loop3A_663 : f32 to vector<16xf32>
        %parallel_loop3A_665 = arith.addf %parallel_loop3A_662, %parallel_loop3A_664 : vector<16xf32>
        %parallel_loop3A_666 = tpu.bitcast %parallel_loop3A_665 : vector<16xf32> -> vector<16xi32>
        %parallel_loop3A_667 = arith.constant 1 : i32
        %parallel_loop3A_668 = vector.broadcast %parallel_loop3A_667 : i32 to vector<16xi32>
        %parallel_loop3A_669 = arith.shrsi %parallel_loop3A_666, %parallel_loop3A_668 : vector<16xi32>
        %parallel_loop3A_670 = arith.constant 1597463007 : i32
        %parallel_loop3A_671 = vector.broadcast %parallel_loop3A_670 : i32 to vector<16xi32>
        %parallel_loop3A_672 = arith.subi %parallel_loop3A_671, %parallel_loop3A_669 : vector<16xi32>
        %parallel_loop3A_673 = tpu.bitcast %parallel_loop3A_672 : vector<16xi32> -> vector<16xf32>
        %parallel_loop3A_674 = arith.constant 5.000000e-01 : f32
        %parallel_loop3A_675 = vector.broadcast %parallel_loop3A_674 : f32 to vector<16xf32>
        %parallel_loop3A_676 = arith.mulf %parallel_loop3A_665, %parallel_loop3A_675 : vector<16xf32>
        %parallel_loop3A_677 = arith.mulf %parallel_loop3A_676, %parallel_loop3A_673 : vector<16xf32>
        %parallel_loop3A_678 = arith.mulf %parallel_loop3A_677, %parallel_loop3A_673 : vector<16xf32>
        %parallel_loop3A_679 = arith.constant 1.500000e+00 : f32
        %parallel_loop3A_680 = vector.broadcast %parallel_loop3A_679 : f32 to vector<16xf32>
        %parallel_loop3A_681 = arith.subf %parallel_loop3A_680, %parallel_loop3A_678 : vector<16xf32>
        %parallel_loop3A_682 = arith.mulf %parallel_loop3A_673, %parallel_loop3A_681 : vector<16xf32>
        %parallel_loop3A_683 = arith.mulf %parallel_loop3A_676, %parallel_loop3A_682 : vector<16xf32>
        %parallel_loop3A_684 = arith.mulf %parallel_loop3A_683, %parallel_loop3A_682 : vector<16xf32>
        %parallel_loop3A_685 = arith.constant 1.500000e+00 : f32
        %parallel_loop3A_686 = vector.broadcast %parallel_loop3A_685 : f32 to vector<16xf32>
        %parallel_loop3A_687 = arith.subf %parallel_loop3A_686, %parallel_loop3A_684 : vector<16xf32>
        %parallel_loop3A_688 = arith.mulf %parallel_loop3A_682, %parallel_loop3A_687 : vector<16xf32>
        %parallel_loop3A_689 = arith.constant 0 : i32
        %parallel_loop3A_690 = arith.index_cast %parallel_loop3A_689 : i32 to index
        %parallel_loop3A_691 = arith.index_cast %parallel_loop3A_256 : i32 to index
        %parallel_loop3A_692 = arith.constant 0 : index
        %parallel_loop3A_693 = tpu.vector_load %arg10[%parallel_loop3A_690, %parallel_loop3A_691, %parallel_loop3A_692] {strides = array<i32>} : memref<2x80x128xf32, #tpu.memory_space<vmem>>, vector<1x1x16xf32>,
        %parallel_loop3A_694 = vector.shape_cast %parallel_loop3A_693 : vector<1x1x16xf32> to vector<16xf32>
        %parallel_loop3A_695 = arith.constant 0 : i32
        %parallel_loop3A_696 = arith.index_cast %parallel_loop3A_695 : i32 to index
        %parallel_loop3A_697 = arith.index_cast %parallel_loop3A_256 : i32 to index
        %parallel_loop3A_698 = arith.constant 0 : index
        %parallel_loop3A_699 = tpu.vector_load %arg11[%parallel_loop3A_696, %parallel_loop3A_697, %parallel_loop3A_698] {strides = array<i32>} : memref<2x80x128xf32, #tpu.memory_space<vmem>>, vector<1x1x16xf32>,
        %parallel_loop3A_700 = vector.shape_cast %parallel_loop3A_699 : vector<1x1x16xf32> to vector<16xf32>
        %parallel_loop3A_701 = arith.subf %parallel_loop3A_293, %parallel_loop3A_600 : vector<16xf32>
        %parallel_loop3A_702 = arith.mulf %parallel_loop3A_688, %get3A_4 : vector<16xf32>
        %parallel_loop3A_703 = arith.mulf %parallel_loop3A_701, %parallel_loop3A_702 : vector<16xf32>
        %parallel_loop3A_704 = arith.addf %parallel_loop3A_703, %get3A_28 : vector<16xf32>
        %parallel_loop3A_705 = arith.mulf %parallel_loop3A_704, %parallel_loop3A_292 : vector<16xf32>
        %parallel_loop3A_706 = arith.mulf %parallel_loop3A_694, %parallel_loop3A_705 : vector<16xf32>
        %parallel_loop3A_707 = arith.constant 0 : i32
        %parallel_loop3A_708 = arith.index_cast %parallel_loop3A_707 : i32 to index
        %parallel_loop3A_709 = arith.index_cast %parallel_loop3A_256 : i32 to index
        %parallel_loop3A_710 = arith.constant 0 : index
        %parallel_loop3A_711 = tpu.vector_load %arg12[%parallel_loop3A_708, %parallel_loop3A_709, %parallel_loop3A_710] {strides = array<i32>} : memref<2x80x128xf32, #tpu.memory_space<vmem>>, vector<1x1x16xf32>,
        %parallel_loop3A_712 = vector.shape_cast %parallel_loop3A_711 : vector<1x1x16xf32> to vector<16xf32>
        %parallel_loop3A_713 = vector.shape_cast %parallel_loop3A_706 : vector<16xf32> to vector<1x1x16xf32>
        tpu.vector_store %arg12[%parallel_loop3A_708, %parallel_loop3A_709, %parallel_loop3A_710], %parallel_loop3A_713 {strides = array<i32>} : memref<2x80x128xf32, #tpu.memory_space<vmem>>, vector<1x1x16xf32>,
        %parallel_loop3A_714 = arith.mulf %parallel_loop3A_700, %parallel_loop3A_705 : vector<16xf32>
        %parallel_loop3A_715 = arith.constant 0 : i32
        %parallel_loop3A_716 = arith.index_cast %parallel_loop3A_715 : i32 to index
        %parallel_loop3A_717 = arith.index_cast %parallel_loop3A_256 : i32 to index
        %parallel_loop3A_718 = arith.constant 0 : index
        %parallel_loop3A_719 = tpu.vector_load %arg13[%parallel_loop3A_716, %parallel_loop3A_717, %parallel_loop3A_718] {strides = array<i32>} : memref<2x80x128xf32, #tpu.memory_space<vmem>>, vector<1x1x16xf32>,
        %parallel_loop3A_720 = vector.shape_cast %parallel_loop3A_719 : vector<1x1x16xf32> to vector<16xf32>
        %parallel_loop3A_721 = vector.shape_cast %parallel_loop3A_714 : vector<16xf32> to vector<1x1x16xf32>
        tpu.vector_store %arg13[%parallel_loop3A_716, %parallel_loop3A_717, %parallel_loop3A_718], %parallel_loop3A_721 {strides = array<i32>} : memref<2x80x128xf32, #tpu.memory_space<vmem>>, vector<1x1x16xf32>,
        %parallel_loop3A_722 = arith.constant 0 : i32
        %parallel_loop3A_723 = arith.index_cast %parallel_loop3A_722 : i32 to index
        %parallel_loop3A_724 = arith.index_cast %parallel_loop3A_256 : i32 to index
        %parallel_loop3A_725 = arith.constant 16 : index
        %parallel_loop3A_726 = tpu.vector_load %arg10[%parallel_loop3A_723, %parallel_loop3A_724, %parallel_loop3A_725] {strides = array<i32>} : memref<2x80x128xf32, #tpu.memory_space<vmem>>, vector<1x1x16xf32>,
        %parallel_loop3A_727 = vector.shape_cast %parallel_loop3A_726 : vector<1x1x16xf32> to vector<16xf32>
        %parallel_loop3A_728 = arith.constant 0 : i32
        %parallel_loop3A_729 = arith.index_cast %parallel_loop3A_728 : i32 to index
        %parallel_loop3A_730 = arith.index_cast %parallel_loop3A_256 : i32 to index
        %parallel_loop3A_731 = arith.constant 16 : index
        %parallel_loop3A_732 = tpu.vector_load %arg11[%parallel_loop3A_729, %parallel_loop3A_730, %parallel_loop3A_731] {strides = array<i32>} : memref<2x80x128xf32, #tpu.memory_space<vmem>>, vector<1x1x16xf32>,
        %parallel_loop3A_733 = vector.shape_cast %parallel_loop3A_732 : vector<1x1x16xf32> to vector<16xf32>
        %parallel_loop3A_734 = arith.subf %parallel_loop3A_328, %parallel_loop3A_600 : vector<16xf32>
        %parallel_loop3A_735 = arith.mulf %parallel_loop3A_688, %get3A_7 : vector<16xf32>
        %parallel_loop3A_736 = arith.mulf %parallel_loop3A_734, %parallel_loop3A_735 : vector<16xf32>
        %parallel_loop3A_737 = arith.addf %parallel_loop3A_736, %get3A_31 : vector<16xf32>
        %parallel_loop3A_738 = arith.mulf %parallel_loop3A_737, %parallel_loop3A_327 : vector<16xf32>
        %parallel_loop3A_739 = arith.mulf %parallel_loop3A_727, %parallel_loop3A_738 : vector<16xf32>
        %parallel_loop3A_740 = arith.constant 0 : i32
        %parallel_loop3A_741 = arith.index_cast %parallel_loop3A_740 : i32 to index
        %parallel_loop3A_742 = arith.index_cast %parallel_loop3A_256 : i32 to index
        %parallel_loop3A_743 = arith.constant 16 : index
        %parallel_loop3A_744 = tpu.vector_load %arg12[%parallel_loop3A_741, %parallel_loop3A_742, %parallel_loop3A_743] {strides = array<i32>} : memref<2x80x128xf32, #tpu.memory_space<vmem>>, vector<1x1x16xf32>,
        %parallel_loop3A_745 = vector.shape_cast %parallel_loop3A_744 : vector<1x1x16xf32> to vector<16xf32>
        %parallel_loop3A_746 = vector.shape_cast %parallel_loop3A_739 : vector<16xf32> to vector<1x1x16xf32>
        tpu.vector_store %arg12[%parallel_loop3A_741, %parallel_loop3A_742, %parallel_loop3A_743], %parallel_loop3A_746 {strides = array<i32>} : memref<2x80x128xf32, #tpu.memory_space<vmem>>, vector<1x1x16xf32>,
        %parallel_loop3A_747 = arith.mulf %parallel_loop3A_733, %parallel_loop3A_738 : vector<16xf32>
        %parallel_loop3A_748 = arith.constant 0 : i32
        %parallel_loop3A_749 = arith.index_cast %parallel_loop3A_748 : i32 to index
        %parallel_loop3A_750 = arith.index_cast %parallel_loop3A_256 : i32 to index
        %parallel_loop3A_751 = arith.constant 16 : index
        %parallel_loop3A_752 = tpu.vector_load %arg13[%parallel_loop3A_749, %parallel_loop3A_750, %parallel_loop3A_751] {strides = array<i32>} : memref<2x80x128xf32, #tpu.memory_space<vmem>>, vector<1x1x16xf32>,
        %parallel_loop3A_753 = vector.shape_cast %parallel_loop3A_752 : vector<1x1x16xf32> to vector<16xf32>
        %parallel_loop3A_754 = vector.shape_cast %parallel_loop3A_747 : vector<16xf32> to vector<1x1x16xf32>
        tpu.vector_store %arg13[%parallel_loop3A_749, %parallel_loop3A_750, %parallel_loop3A_751], %parallel_loop3A_754 {strides = array<i32>} : memref<2x80x128xf32, #tpu.memory_space<vmem>>, vector<1x1x16xf32>,
        %parallel_loop3A_755 = arith.constant 0 : i32
        %parallel_loop3A_756 = arith.index_cast %parallel_loop3A_755 : i32 to index
        %parallel_loop3A_757 = arith.index_cast %parallel_loop3A_256 : i32 to index
        %parallel_loop3A_758 = arith.constant 32 : index
        %parallel_loop3A_759 = tpu.vector_load %arg10[%parallel_loop3A_756, %parallel_loop3A_757, %parallel_loop3A_758] {strides = array<i32>} : memref<2x80x128xf32, #tpu.memory_space<vmem>>, vector<1x1x16xf32>,
        %parallel_loop3A_760 = vector.shape_cast %parallel_loop3A_759 : vector<1x1x16xf32> to vector<16xf32>
        %parallel_loop3A_761 = arith.constant 0 : i32
        %parallel_loop3A_762 = arith.index_cast %parallel_loop3A_761 : i32 to index
        %parallel_loop3A_763 = arith.index_cast %parallel_loop3A_256 : i32 to index
        %parallel_loop3A_764 = arith.constant 32 : index
        %parallel_loop3A_765 = tpu.vector_load %arg11[%parallel_loop3A_762, %parallel_loop3A_763, %parallel_loop3A_764] {strides = array<i32>} : memref<2x80x128xf32, #tpu.memory_space<vmem>>, vector<1x1x16xf32>,
        %parallel_loop3A_766 = vector.shape_cast %parallel_loop3A_765 : vector<1x1x16xf32> to vector<16xf32>
        %parallel_loop3A_767 = arith.subf %parallel_loop3A_363, %parallel_loop3A_600 : vector<16xf32>
        %parallel_loop3A_768 = arith.mulf %parallel_loop3A_688, %get3A_10 : vector<16xf32>
        %parallel_loop3A_769 = arith.mulf %parallel_loop3A_767, %parallel_loop3A_768 : vector<16xf32>
        %parallel_loop3A_770 = arith.addf %parallel_loop3A_769, %get3A_34 : vector<16xf32>
        %parallel_loop3A_771 = arith.mulf %parallel_loop3A_770, %parallel_loop3A_362 : vector<16xf32>
        %parallel_loop3A_772 = arith.mulf %parallel_loop3A_760, %parallel_loop3A_771 : vector<16xf32>
        %parallel_loop3A_773 = arith.constant 0 : i32
        %parallel_loop3A_774 = arith.index_cast %parallel_loop3A_773 : i32 to index
        %parallel_loop3A_775 = arith.index_cast %parallel_loop3A_256 : i32 to index
        %parallel_loop3A_776 = arith.constant 32 : index
        %parallel_loop3A_777 = tpu.vector_load %arg12[%parallel_loop3A_774, %parallel_loop3A_775, %parallel_loop3A_776] {strides = array<i32>} : memref<2x80x128xf32, #tpu.memory_space<vmem>>, vector<1x1x16xf32>,
        %parallel_loop3A_778 = vector.shape_cast %parallel_loop3A_777 : vector<1x1x16xf32> to vector<16xf32>
        %parallel_loop3A_779 = vector.shape_cast %parallel_loop3A_772 : vector<16xf32> to vector<1x1x16xf32>
        tpu.vector_store %arg12[%parallel_loop3A_774, %parallel_loop3A_775, %parallel_loop3A_776], %parallel_loop3A_779 {strides = array<i32>} : memref<2x80x128xf32, #tpu.memory_space<vmem>>, vector<1x1x16xf32>,
        %parallel_loop3A_780 = arith.mulf %parallel_loop3A_766, %parallel_loop3A_771 : vector<16xf32>
        %parallel_loop3A_781 = arith.constant 0 : i32
        %parallel_loop3A_782 = arith.index_cast %parallel_loop3A_781 : i32 to index
        %parallel_loop3A_783 = arith.index_cast %parallel_loop3A_256 : i32 to index
        %parallel_loop3A_784 = arith.constant 32 : index
        %parallel_loop3A_785 = tpu.vector_load %arg13[%parallel_loop3A_782, %parallel_loop3A_783, %parallel_loop3A_784] {strides = array<i32>} : memref<2x80x128xf32, #tpu.memory_space<vmem>>, vector<1x1x16xf32>,
        %parallel_loop3A_786 = vector.shape_cast %parallel_loop3A_785 : vector<1x1x16xf32> to vector<16xf32>
        %parallel_loop3A_787 = vector.shape_cast %parallel_loop3A_780 : vector<16xf32> to vector<1x1x16xf32>
        tpu.vector_store %arg13[%parallel_loop3A_782, %parallel_loop3A_783, %parallel_loop3A_784], %parallel_loop3A_787 {strides = array<i32>} : memref<2x80x128xf32, #tpu.memory_space<vmem>>, vector<1x1x16xf32>,
        %parallel_loop3A_788 = arith.constant 0 : i32
        %parallel_loop3A_789 = arith.index_cast %parallel_loop3A_788 : i32 to index
        %parallel_loop3A_790 = arith.index_cast %parallel_loop3A_256 : i32 to index
        %parallel_loop3A_791 = arith.constant 48 : index
        %parallel_loop3A_792 = tpu.vector_load %arg10[%parallel_loop3A_789, %parallel_loop3A_790, %parallel_loop3A_791] {strides = array<i32>} : memref<2x80x128xf32, #tpu.memory_space<vmem>>, vector<1x1x16xf32>,
        %parallel_loop3A_793 = vector.shape_cast %parallel_loop3A_792 : vector<1x1x16xf32> to vector<16xf32>
        %parallel_loop3A_794 = arith.constant 0 : i32
        %parallel_loop3A_795 = arith.index_cast %parallel_loop3A_794 : i32 to index
        %parallel_loop3A_796 = arith.index_cast %parallel_loop3A_256 : i32 to index
        %parallel_loop3A_797 = arith.constant 48 : index
        %parallel_loop3A_798 = tpu.vector_load %arg11[%parallel_loop3A_795, %parallel_loop3A_796, %parallel_loop3A_797] {strides = array<i32>} : memref<2x80x128xf32, #tpu.memory_space<vmem>>, vector<1x1x16xf32>,
        %parallel_loop3A_799 = vector.shape_cast %parallel_loop3A_798 : vector<1x1x16xf32> to vector<16xf32>
        %parallel_loop3A_800 = arith.subf %parallel_loop3A_398, %parallel_loop3A_600 : vector<16xf32>
        %parallel_loop3A_801 = arith.mulf %parallel_loop3A_688, %get3A_13 : vector<16xf32>
        %parallel_loop3A_802 = arith.mulf %parallel_loop3A_800, %parallel_loop3A_801 : vector<16xf32>
        %parallel_loop3A_803 = arith.addf %parallel_loop3A_802, %get3A_37 : vector<16xf32>
        %parallel_loop3A_804 = arith.mulf %parallel_loop3A_803, %parallel_loop3A_397 : vector<16xf32>
        %parallel_loop3A_805 = arith.mulf %parallel_loop3A_793, %parallel_loop3A_804 : vector<16xf32>
        %parallel_loop3A_806 = arith.constant 0 : i32
        %parallel_loop3A_807 = arith.index_cast %parallel_loop3A_806 : i32 to index
        %parallel_loop3A_808 = arith.index_cast %parallel_loop3A_256 : i32 to index
        %parallel_loop3A_809 = arith.constant 48 : index
        %parallel_loop3A_810 = tpu.vector_load %arg12[%parallel_loop3A_807, %parallel_loop3A_808, %parallel_loop3A_809] {strides = array<i32>} : memref<2x80x128xf32, #tpu.memory_space<vmem>>, vector<1x1x16xf32>,
        %parallel_loop3A_811 = vector.shape_cast %parallel_loop3A_810 : vector<1x1x16xf32> to vector<16xf32>
        %parallel_loop3A_812 = vector.shape_cast %parallel_loop3A_805 : vector<16xf32> to vector<1x1x16xf32>
        tpu.vector_store %arg12[%parallel_loop3A_807, %parallel_loop3A_808, %parallel_loop3A_809], %parallel_loop3A_812 {strides = array<i32>} : memref<2x80x128xf32, #tpu.memory_space<vmem>>, vector<1x1x16xf32>,
        %parallel_loop3A_813 = arith.mulf %parallel_loop3A_799, %parallel_loop3A_804 : vector<16xf32>
        %parallel_loop3A_814 = arith.constant 0 : i32
        %parallel_loop3A_815 = arith.index_cast %parallel_loop3A_814 : i32 to index
        %parallel_loop3A_816 = arith.index_cast %parallel_loop3A_256 : i32 to index
        %parallel_loop3A_817 = arith.constant 48 : index
        %parallel_loop3A_818 = tpu.vector_load %arg13[%parallel_loop3A_815, %parallel_loop3A_816, %parallel_loop3A_817] {strides = array<i32>} : memref<2x80x128xf32, #tpu.memory_space<vmem>>, vector<1x1x16xf32>,
        %parallel_loop3A_819 = vector.shape_cast %parallel_loop3A_818 : vector<1x1x16xf32> to vector<16xf32>
        %parallel_loop3A_820 = vector.shape_cast %parallel_loop3A_813 : vector<16xf32> to vector<1x1x16xf32>
        tpu.vector_store %arg13[%parallel_loop3A_815, %parallel_loop3A_816, %parallel_loop3A_817], %parallel_loop3A_820 {strides = array<i32>} : memref<2x80x128xf32, #tpu.memory_space<vmem>>, vector<1x1x16xf32>,
        %parallel_loop3A_821 = arith.constant 0 : i32
        %parallel_loop3A_822 = arith.index_cast %parallel_loop3A_821 : i32 to index
        %parallel_loop3A_823 = arith.index_cast %parallel_loop3A_256 : i32 to index
        %parallel_loop3A_824 = arith.constant 64 : index
        %parallel_loop3A_825 = tpu.vector_load %arg10[%parallel_loop3A_822, %parallel_loop3A_823, %parallel_loop3A_824] {strides = array<i32>} : memref<2x80x128xf32, #tpu.memory_space<vmem>>, vector<1x1x16xf32>,
        %parallel_loop3A_826 = vector.shape_cast %parallel_loop3A_825 : vector<1x1x16xf32> to vector<16xf32>
        %parallel_loop3A_827 = arith.constant 0 : i32
        %parallel_loop3A_828 = arith.index_cast %parallel_loop3A_827 : i32 to index
        %parallel_loop3A_829 = arith.index_cast %parallel_loop3A_256 : i32 to index
        %parallel_loop3A_830 = arith.constant 64 : index
        %parallel_loop3A_831 = tpu.vector_load %arg11[%parallel_loop3A_828, %parallel_loop3A_829, %parallel_loop3A_830] {strides = array<i32>} : memref<2x80x128xf32, #tpu.memory_space<vmem>>, vector<1x1x16xf32>,
        %parallel_loop3A_832 = vector.shape_cast %parallel_loop3A_831 : vector<1x1x16xf32> to vector<16xf32>
        %parallel_loop3A_833 = arith.subf %parallel_loop3A_433, %parallel_loop3A_600 : vector<16xf32>
        %parallel_loop3A_834 = arith.mulf %parallel_loop3A_688, %get3A_16 : vector<16xf32>
        %parallel_loop3A_835 = arith.mulf %parallel_loop3A_833, %parallel_loop3A_834 : vector<16xf32>
        %parallel_loop3A_836 = arith.addf %parallel_loop3A_835, %get3A_40 : vector<16xf32>
        %parallel_loop3A_837 = arith.mulf %parallel_loop3A_836, %parallel_loop3A_432 : vector<16xf32>
        %parallel_loop3A_838 = arith.mulf %parallel_loop3A_826, %parallel_loop3A_837 : vector<16xf32>
        %parallel_loop3A_839 = arith.constant 0 : i32
        %parallel_loop3A_840 = arith.index_cast %parallel_loop3A_839 : i32 to index
        %parallel_loop3A_841 = arith.index_cast %parallel_loop3A_256 : i32 to index
        %parallel_loop3A_842 = arith.constant 64 : index
        %parallel_loop3A_843 = tpu.vector_load %arg12[%parallel_loop3A_840, %parallel_loop3A_841, %parallel_loop3A_842] {strides = array<i32>} : memref<2x80x128xf32, #tpu.memory_space<vmem>>, vector<1x1x16xf32>,
        %parallel_loop3A_844 = vector.shape_cast %parallel_loop3A_843 : vector<1x1x16xf32> to vector<16xf32>
        %parallel_loop3A_845 = vector.shape_cast %parallel_loop3A_838 : vector<16xf32> to vector<1x1x16xf32>
        tpu.vector_store %arg12[%parallel_loop3A_840, %parallel_loop3A_841, %parallel_loop3A_842], %parallel_loop3A_845 {strides = array<i32>} : memref<2x80x128xf32, #tpu.memory_space<vmem>>, vector<1x1x16xf32>,
        %parallel_loop3A_846 = arith.mulf %parallel_loop3A_832, %parallel_loop3A_837 : vector<16xf32>
        %parallel_loop3A_847 = arith.constant 0 : i32
        %parallel_loop3A_848 = arith.index_cast %parallel_loop3A_847 : i32 to index
        %parallel_loop3A_849 = arith.index_cast %parallel_loop3A_256 : i32 to index
        %parallel_loop3A_850 = arith.constant 64 : index
        %parallel_loop3A_851 = tpu.vector_load %arg13[%parallel_loop3A_848, %parallel_loop3A_849, %parallel_loop3A_850] {strides = array<i32>} : memref<2x80x128xf32, #tpu.memory_space<vmem>>, vector<1x1x16xf32>,
        %parallel_loop3A_852 = vector.shape_cast %parallel_loop3A_851 : vector<1x1x16xf32> to vector<16xf32>
        %parallel_loop3A_853 = vector.shape_cast %parallel_loop3A_846 : vector<16xf32> to vector<1x1x16xf32>
        tpu.vector_store %arg13[%parallel_loop3A_848, %parallel_loop3A_849, %parallel_loop3A_850], %parallel_loop3A_853 {strides = array<i32>} : memref<2x80x128xf32, #tpu.memory_space<vmem>>, vector<1x1x16xf32>,
        %parallel_loop3A_854 = arith.constant 0 : i32
        %parallel_loop3A_855 = arith.index_cast %parallel_loop3A_854 : i32 to index
        %parallel_loop3A_856 = arith.index_cast %parallel_loop3A_256 : i32 to index
        %parallel_loop3A_857 = arith.constant 80 : index
        %parallel_loop3A_858 = tpu.vector_load %arg10[%parallel_loop3A_855, %parallel_loop3A_856, %parallel_loop3A_857] {strides = array<i32>} : memref<2x80x128xf32, #tpu.memory_space<vmem>>, vector<1x1x16xf32>,
        %parallel_loop3A_859 = vector.shape_cast %parallel_loop3A_858 : vector<1x1x16xf32> to vector<16xf32>
        %parallel_loop3A_860 = arith.constant 0 : i32
        %parallel_loop3A_861 = arith.index_cast %parallel_loop3A_860 : i32 to index
        %parallel_loop3A_862 = arith.index_cast %parallel_loop3A_256 : i32 to index
        %parallel_loop3A_863 = arith.constant 80 : index
        %parallel_loop3A_864 = tpu.vector_load %arg11[%parallel_loop3A_861, %parallel_loop3A_862, %parallel_loop3A_863] {strides = array<i32>} : memref<2x80x128xf32, #tpu.memory_space<vmem>>, vector<1x1x16xf32>,
        %parallel_loop3A_865 = vector.shape_cast %parallel_loop3A_864 : vector<1x1x16xf32> to vector<16xf32>
        %parallel_loop3A_866 = arith.subf %parallel_loop3A_468, %parallel_loop3A_600 : vector<16xf32>
        %parallel_loop3A_867 = arith.mulf %parallel_loop3A_688, %get3A_19 : vector<16xf32>
        %parallel_loop3A_868 = arith.mulf %parallel_loop3A_866, %parallel_loop3A_867 : vector<16xf32>
        %parallel_loop3A_869 = arith.addf %parallel_loop3A_868, %get3A_43 : vector<16xf32>
        %parallel_loop3A_870 = arith.mulf %parallel_loop3A_869, %parallel_loop3A_467 : vector<16xf32>
        %parallel_loop3A_871 = arith.mulf %parallel_loop3A_859, %parallel_loop3A_870 : vector<16xf32>
        %parallel_loop3A_872 = arith.constant 0 : i32
        %parallel_loop3A_873 = arith.index_cast %parallel_loop3A_872 : i32 to index
        %parallel_loop3A_874 = arith.index_cast %parallel_loop3A_256 : i32 to index
        %parallel_loop3A_875 = arith.constant 80 : index
        %parallel_loop3A_876 = tpu.vector_load %arg12[%parallel_loop3A_873, %parallel_loop3A_874, %parallel_loop3A_875] {strides = array<i32>} : memref<2x80x128xf32, #tpu.memory_space<vmem>>, vector<1x1x16xf32>,
        %parallel_loop3A_877 = vector.shape_cast %parallel_loop3A_876 : vector<1x1x16xf32> to vector<16xf32>
        %parallel_loop3A_878 = vector.shape_cast %parallel_loop3A_871 : vector<16xf32> to vector<1x1x16xf32>
        tpu.vector_store %arg12[%parallel_loop3A_873, %parallel_loop3A_874, %parallel_loop3A_875], %parallel_loop3A_878 {strides = array<i32>} : memref<2x80x128xf32, #tpu.memory_space<vmem>>, vector<1x1x16xf32>,
        %parallel_loop3A_879 = arith.mulf %parallel_loop3A_865, %parallel_loop3A_870 : vector<16xf32>
        %parallel_loop3A_880 = arith.constant 0 : i32
        %parallel_loop3A_881 = arith.index_cast %parallel_loop3A_880 : i32 to index
        %parallel_loop3A_882 = arith.index_cast %parallel_loop3A_256 : i32 to index
        %parallel_loop3A_883 = arith.constant 80 : index
        %parallel_loop3A_884 = tpu.vector_load %arg13[%parallel_loop3A_881, %parallel_loop3A_882, %parallel_loop3A_883] {strides = array<i32>} : memref<2x80x128xf32, #tpu.memory_space<vmem>>, vector<1x1x16xf32>,
        %parallel_loop3A_885 = vector.shape_cast %parallel_loop3A_884 : vector<1x1x16xf32> to vector<16xf32>
        %parallel_loop3A_886 = vector.shape_cast %parallel_loop3A_879 : vector<16xf32> to vector<1x1x16xf32>
        tpu.vector_store %arg13[%parallel_loop3A_881, %parallel_loop3A_882, %parallel_loop3A_883], %parallel_loop3A_886 {strides = array<i32>} : memref<2x80x128xf32, #tpu.memory_space<vmem>>, vector<1x1x16xf32>,
        %parallel_loop3A_887 = arith.constant 0 : i32
        %parallel_loop3A_888 = arith.index_cast %parallel_loop3A_887 : i32 to index
        %parallel_loop3A_889 = arith.index_cast %parallel_loop3A_256 : i32 to index
        %parallel_loop3A_890 = arith.constant 96 : index
        %parallel_loop3A_891 = tpu.vector_load %arg10[%parallel_loop3A_888, %parallel_loop3A_889, %parallel_loop3A_890] {strides = array<i32>} : memref<2x80x128xf32, #tpu.memory_space<vmem>>, vector<1x1x16xf32>,
        %parallel_loop3A_892 = vector.shape_cast %parallel_loop3A_891 : vector<1x1x16xf32> to vector<16xf32>
        %parallel_loop3A_893 = arith.constant 0 : i32
        %parallel_loop3A_894 = arith.index_cast %parallel_loop3A_893 : i32 to index
        %parallel_loop3A_895 = arith.index_cast %parallel_loop3A_256 : i32 to index
        %parallel_loop3A_896 = arith.constant 96 : index
        %parallel_loop3A_897 = tpu.vector_load %arg11[%parallel_loop3A_894, %parallel_loop3A_895, %parallel_loop3A_896] {strides = array<i32>} : memref<2x80x128xf32, #tpu.memory_space<vmem>>, vector<1x1x16xf32>,
        %parallel_loop3A_898 = vector.shape_cast %parallel_loop3A_897 : vector<1x1x16xf32> to vector<16xf32>
        %parallel_loop3A_899 = arith.subf %parallel_loop3A_503, %parallel_loop3A_600 : vector<16xf32>
        %parallel_loop3A_900 = arith.mulf %parallel_loop3A_688, %get3A_22 : vector<16xf32>
        %parallel_loop3A_901 = arith.mulf %parallel_loop3A_899, %parallel_loop3A_900 : vector<16xf32>
        %parallel_loop3A_902 = arith.addf %parallel_loop3A_901, %get3A_46 : vector<16xf32>
        %parallel_loop3A_903 = arith.mulf %parallel_loop3A_902, %parallel_loop3A_502 : vector<16xf32>
        %parallel_loop3A_904 = arith.mulf %parallel_loop3A_892, %parallel_loop3A_903 : vector<16xf32>
        %parallel_loop3A_905 = arith.constant 0 : i32
        %parallel_loop3A_906 = arith.index_cast %parallel_loop3A_905 : i32 to index
        %parallel_loop3A_907 = arith.index_cast %parallel_loop3A_256 : i32 to index
        %parallel_loop3A_908 = arith.constant 96 : index
        %parallel_loop3A_909 = tpu.vector_load %arg12[%parallel_loop3A_906, %parallel_loop3A_907, %parallel_loop3A_908] {strides = array<i32>} : memref<2x80x128xf32, #tpu.memory_space<vmem>>, vector<1x1x16xf32>,
        %parallel_loop3A_910 = vector.shape_cast %parallel_loop3A_909 : vector<1x1x16xf32> to vector<16xf32>
        %parallel_loop3A_911 = vector.shape_cast %parallel_loop3A_904 : vector<16xf32> to vector<1x1x16xf32>
        tpu.vector_store %arg12[%parallel_loop3A_906, %parallel_loop3A_907, %parallel_loop3A_908], %parallel_loop3A_911 {strides = array<i32>} : memref<2x80x128xf32, #tpu.memory_space<vmem>>, vector<1x1x16xf32>,
        %parallel_loop3A_912 = arith.mulf %parallel_loop3A_898, %parallel_loop3A_903 : vector<16xf32>
        %parallel_loop3A_913 = arith.constant 0 : i32
        %parallel_loop3A_914 = arith.index_cast %parallel_loop3A_913 : i32 to index
        %parallel_loop3A_915 = arith.index_cast %parallel_loop3A_256 : i32 to index
        %parallel_loop3A_916 = arith.constant 96 : index
        %parallel_loop3A_917 = tpu.vector_load %arg13[%parallel_loop3A_914, %parallel_loop3A_915, %parallel_loop3A_916] {strides = array<i32>} : memref<2x80x128xf32, #tpu.memory_space<vmem>>, vector<1x1x16xf32>,
        %parallel_loop3A_918 = vector.shape_cast %parallel_loop3A_917 : vector<1x1x16xf32> to vector<16xf32>
        %parallel_loop3A_919 = vector.shape_cast %parallel_loop3A_912 : vector<16xf32> to vector<1x1x16xf32>
        tpu.vector_store %arg13[%parallel_loop3A_914, %parallel_loop3A_915, %parallel_loop3A_916], %parallel_loop3A_919 {strides = array<i32>} : memref<2x80x128xf32, #tpu.memory_space<vmem>>, vector<1x1x16xf32>,
        %parallel_loop3A_920 = arith.constant 0 : i32
        %parallel_loop3A_921 = arith.index_cast %parallel_loop3A_920 : i32 to index
        %parallel_loop3A_922 = arith.index_cast %parallel_loop3A_256 : i32 to index
        %parallel_loop3A_923 = arith.constant 112 : index
        %parallel_loop3A_924 = tpu.vector_load %arg10[%parallel_loop3A_921, %parallel_loop3A_922, %parallel_loop3A_923] {strides = array<i32>} : memref<2x80x128xf32, #tpu.memory_space<vmem>>, vector<1x1x16xf32>,
        %parallel_loop3A_925 = vector.shape_cast %parallel_loop3A_924 : vector<1x1x16xf32> to vector<16xf32>
        %parallel_loop3A_926 = arith.constant 0 : i32
        %parallel_loop3A_927 = arith.index_cast %parallel_loop3A_926 : i32 to index
        %parallel_loop3A_928 = arith.index_cast %parallel_loop3A_256 : i32 to index
        %parallel_loop3A_929 = arith.constant 112 : index
        %parallel_loop3A_930 = tpu.vector_load %arg11[%parallel_loop3A_927, %parallel_loop3A_928, %parallel_loop3A_929] {strides = array<i32>} : memref<2x80x128xf32, #tpu.memory_space<vmem>>, vector<1x1x16xf32>,
        %parallel_loop3A_931 = vector.shape_cast %parallel_loop3A_930 : vector<1x1x16xf32> to vector<16xf32>
        %parallel_loop3A_932 = arith.subf %parallel_loop3A_538, %parallel_loop3A_600 : vector<16xf32>
        %parallel_loop3A_933 = arith.mulf %parallel_loop3A_688, %get3A_25 : vector<16xf32>
        %parallel_loop3A_934 = arith.mulf %parallel_loop3A_932, %parallel_loop3A_933 : vector<16xf32>
        %parallel_loop3A_935 = arith.addf %parallel_loop3A_934, %get3A_49 : vector<16xf32>
        %parallel_loop3A_936 = arith.mulf %parallel_loop3A_935, %parallel_loop3A_537 : vector<16xf32>
        %parallel_loop3A_937 = arith.mulf %parallel_loop3A_925, %parallel_loop3A_936 : vector<16xf32>
        %parallel_loop3A_938 = arith.constant 0 : i32
        %parallel_loop3A_939 = arith.index_cast %parallel_loop3A_938 : i32 to index
        %parallel_loop3A_940 = arith.index_cast %parallel_loop3A_256 : i32 to index
        %parallel_loop3A_941 = arith.constant 112 : index
        %parallel_loop3A_942 = tpu.vector_load %arg12[%parallel_loop3A_939, %parallel_loop3A_940, %parallel_loop3A_941] {strides = array<i32>} : memref<2x80x128xf32, #tpu.memory_space<vmem>>, vector<1x1x16xf32>,
        %parallel_loop3A_943 = vector.shape_cast %parallel_loop3A_942 : vector<1x1x16xf32> to vector<16xf32>
        %parallel_loop3A_944 = vector.shape_cast %parallel_loop3A_937 : vector<16xf32> to vector<1x1x16xf32>
        tpu.vector_store %arg12[%parallel_loop3A_939, %parallel_loop3A_940, %parallel_loop3A_941], %parallel_loop3A_944 {strides = array<i32>} : memref<2x80x128xf32, #tpu.memory_space<vmem>>, vector<1x1x16xf32>,
        %parallel_loop3A_945 = arith.mulf %parallel_loop3A_931, %parallel_loop3A_936 : vector<16xf32>
        %parallel_loop3A_946 = arith.constant 0 : i32
        %parallel_loop3A_947 = arith.index_cast %parallel_loop3A_946 : i32 to index
        %parallel_loop3A_948 = arith.index_cast %parallel_loop3A_256 : i32 to index
        %parallel_loop3A_949 = arith.constant 112 : index
        %parallel_loop3A_950 = tpu.vector_load %arg13[%parallel_loop3A_947, %parallel_loop3A_948, %parallel_loop3A_949] {strides = array<i32>} : memref<2x80x128xf32, #tpu.memory_space<vmem>>, vector<1x1x16xf32>,
        %parallel_loop3A_951 = vector.shape_cast %parallel_loop3A_950 : vector<1x1x16xf32> to vector<16xf32>
        %parallel_loop3A_952 = vector.shape_cast %parallel_loop3A_945 : vector<16xf32> to vector<1x1x16xf32>
        tpu.vector_store %arg13[%parallel_loop3A_947, %parallel_loop3A_948, %parallel_loop3A_949], %parallel_loop3A_952 {strides = array<i32>} : memref<2x80x128xf32, #tpu.memory_space<vmem>>, vector<1x1x16xf32>,
      } {sc.loop_unroll_factor = 1 : i64, sc.parallel_access}
      %mul3A_119 = arith.constant 80 : i32
      %mul3A_120 = arith.muli %mul3A_77, %mul3A_119 : i32
      %add3A_121 = arith.addi %mul3A_2, %mul3A_120 : i32
      %dma_start3A_122 = arith.constant 0 : i32
      %dma_start3A_123 = arith.constant 0 : i32
      %dma_start3A_124 = arith.constant 0 : i32
      %dma_start3A_125 = tpu.memref_slice %arg12[%dma_start3A_122, %dma_start3A_123, %dma_start3A_124] : memref<2x80x128xf32, #tpu.memory_space<vmem>> -> memref<1x80x128xf32, #tpu.memory_space<vmem>>
      %dma_start3A_126 = tpu.memref_squeeze %dma_start3A_125 : memref<1x80x128xf32, #tpu.memory_space<vmem>> -> memref<80x128xf32, #tpu.memory_space<vmem>>
      %dma_start3A_127 = arith.constant 0 : i32
      %dma_start3A_128 = tpu.memref_slice %arg7[%add3A_121, %dma_start3A_127] : memref<204800x128xf32, #tpu.memory_space<hbm>> -> memref<80x128xf32, #tpu.memory_space<hbm>>
      %dma_start3A_129 = arith.constant 0 : i32
      %dma_start3A_130 = tpu.memref_slice %arg7[%add3A_121, %dma_start3A_129] : memref<204800x128xf32, #tpu.memory_space<hbm>> -> memref<80x128xf32, #tpu.memory_space<hbm>>
      %dma_start3A_131 = arith.constant 0 : i32
      %dma_start3A_132 = arith.constant 0 : i32
      %dma_start3A_133 = tpu.memref_slice %arg12[%dma_start3A_122, %dma_start3A_131, %dma_start3A_132] : memref<2x80x128xf32, #tpu.memory_space<vmem>> -> memref<1x80x128xf32, #tpu.memory_space<vmem>>
      %dma_start3A_134 = tpu.memref_squeeze %dma_start3A_133 : memref<1x80x128xf32, #tpu.memory_space<vmem>> -> memref<80x128xf32, #tpu.memory_space<vmem>>
      tpu.enqueue_dma source(%dma_start3A_134 : memref<80x128xf32, #tpu.memory_space<vmem>>) target(%dma_start3A_130 : memref<80x128xf32, #tpu.memory_space<hbm>>) target_semaphore(%arg20 : memref<!tpu.dma_semaphore, #tpu.memory_space<semaphore_mem>>)
      %dma_start3A_135 = arith.constant 0 : i32
      %dma_start3A_136 = arith.constant 0 : i32
      %dma_start3A_137 = arith.constant 0 : i32
      %dma_start3A_138 = tpu.memref_slice %arg13[%dma_start3A_135, %dma_start3A_136, %dma_start3A_137] : memref<2x80x128xf32, #tpu.memory_space<vmem>> -> memref<1x80x128xf32, #tpu.memory_space<vmem>>
      %dma_start3A_139 = tpu.memref_squeeze %dma_start3A_138 : memref<1x80x128xf32, #tpu.memory_space<vmem>> -> memref<80x128xf32, #tpu.memory_space<vmem>>
      %dma_start3A_140 = arith.constant 0 : i32
      %dma_start3A_141 = tpu.memref_slice %arg8[%add3A_121, %dma_start3A_140] : memref<204800x128xf32, #tpu.memory_space<hbm>> -> memref<80x128xf32, #tpu.memory_space<hbm>>
      %dma_start3A_142 = arith.constant 0 : i32
      %dma_start3A_143 = tpu.memref_slice %arg8[%add3A_121, %dma_start3A_142] : memref<204800x128xf32, #tpu.memory_space<hbm>> -> memref<80x128xf32, #tpu.memory_space<hbm>>
      %dma_start3A_144 = arith.constant 0 : i32
      %dma_start3A_145 = arith.constant 0 : i32
      %dma_start3A_146 = tpu.memref_slice %arg13[%dma_start3A_135, %dma_start3A_144, %dma_start3A_145] : memref<2x80x128xf32, #tpu.memory_space<vmem>> -> memref<1x80x128xf32, #tpu.memory_space<vmem>>
      %dma_start3A_147 = tpu.memref_squeeze %dma_start3A_146 : memref<1x80x128xf32, #tpu.memory_space<vmem>> -> memref<80x128xf32, #tpu.memory_space<vmem>>
      tpu.enqueue_dma source(%dma_start3A_147 : memref<80x128xf32, #tpu.memory_space<vmem>>) target(%dma_start3A_143 : memref<80x128xf32, #tpu.memory_space<hbm>>) target_semaphore(%arg20 : memref<!tpu.dma_semaphore, #tpu.memory_space<semaphore_mem>>)
      %add3A_148 = arith.constant 1 : i32
      %add3A_149 = arith.addi %scan3A_75, %add3A_148 : i32
      %lt3A = arith.constant 40 : i32
      %lt3A_150 = arith.cmpi slt, %add3A_149, %lt3A : i32
      %convert_element_type3A = arith.extui %lt3A_150 : i1 to i32
      %cond3A = arith.constant 0 : i32
      %cond3A_151 = arith.cmpi ne, %convert_element_type3A, %cond3A : i32
      scf.if %cond3A_151 {
        %add3A_256 = arith.constant 2 : i32
        %add3A_257 = arith.addi %mul3A_77, %add3A_256 : i32
        %mul3A_258 = arith.constant 80 : i32
        %mul3A_259 = arith.muli %add3A_257, %mul3A_258 : i32
        %dma_start3A_260 = arith.constant 0 : i32
        %dma_start3A_261 = arith.constant 0 : i32
        %dma_start3A_262 = arith.constant 0 : i32
        %dma_start3A_263 = tpu.memref_slice %arg10[%dma_start3A_260, %dma_start3A_261, %dma_start3A_262] : memref<2x80x128xf32, #tpu.memory_space<vmem>> -> memref<1x80x128xf32, #tpu.memory_space<vmem>>
        %dma_start3A_264 = tpu.memref_squeeze %dma_start3A_263 : memref<1x80x128xf32, #tpu.memory_space<vmem>> -> memref<80x128xf32, #tpu.memory_space<vmem>>
        %dma_start3A_265 = tpu.memref_slice %arg9[%mul3A_259] : memref<6400xi32, #tpu.memory_space<vmem>> -> memref<80xi32, #tpu.memory_space<vmem>>
        %dma_start3A_266 = arith.constant 0 : i32
        %dma_start3A_267 = arith.constant 0 : i32
        %dma_start3A_268 = tpu.memref_slice %arg3[%dma_start3A_266, %dma_start3A_267] : memref<100000x128xf32, #tpu.memory_space<hbm>> -> memref<100000x128xf32, #tpu.memory_space<hbm>>
        tpu.enqueue_indirect_dma source(%dma_start3A_268 : memref<100000x128xf32, #tpu.memory_space<hbm>>) target(%dma_start3A_264 : memref<80x128xf32, #tpu.memory_space<vmem>>) offsets(%dma_start3A_265 : memref<80xi32, #tpu.memory_space<vmem>>) semaphore(%arg16 : memref<!tpu.dma_semaphore, #tpu.memory_space<semaphore_mem>>)
        %dma_start3A_269 = arith.constant 0 : i32
        %dma_start3A_270 = arith.constant 0 : i32
        %dma_start3A_271 = arith.constant 0 : i32
        %dma_start3A_272 = tpu.memref_slice %arg11[%dma_start3A_269, %dma_start3A_270, %dma_start3A_271] : memref<2x80x128xf32, #tpu.memory_space<vmem>> -> memref<1x80x128xf32, #tpu.memory_space<vmem>>
        %dma_start3A_273 = tpu.memref_squeeze %dma_start3A_272 : memref<1x80x128xf32, #tpu.memory_space<vmem>> -> memref<80x128xf32, #tpu.memory_space<vmem>>
        %dma_start3A_274 = tpu.memref_slice %arg9[%mul3A_259] : memref<6400xi32, #tpu.memory_space<vmem>> -> memref<80xi32, #tpu.memory_space<vmem>>
        %dma_start3A_275 = arith.constant 0 : i32
        %dma_start3A_276 = arith.constant 0 : i32
        %dma_start3A_277 = tpu.memref_slice %arg4[%dma_start3A_275, %dma_start3A_276] : memref<100000x128xf32, #tpu.memory_space<hbm>> -> memref<100000x128xf32, #tpu.memory_space<hbm>>
        tpu.enqueue_indirect_dma source(%dma_start3A_277 : memref<100000x128xf32, #tpu.memory_space<hbm>>) target(%dma_start3A_273 : memref<80x128xf32, #tpu.memory_space<vmem>>) offsets(%dma_start3A_274 : memref<80xi32, #tpu.memory_space<vmem>>) semaphore(%arg18 : memref<!tpu.dma_semaphore, #tpu.memory_space<semaphore_mem>>)
      } else {
      }
      %add3A_152 = arith.constant 1 : i32
      %add3A_153 = arith.addi %mul3A_77, %add3A_152 : i32
      %dma_wait3A_154 = arith.constant 1 : i32
      %dma_wait3A_155 = arith.constant 0 : i32
      %dma_wait3A_156 = arith.constant 0 : i32
      %dma_wait3A_157 = tpu.memref_slice %arg10[%dma_wait3A_154, %dma_wait3A_155, %dma_wait3A_156] : memref<2x80x128xf32, #tpu.memory_space<vmem>> -> memref<1x80x128xf32, #tpu.memory_space<vmem>>
      %dma_wait3A_158 = tpu.memref_squeeze %dma_wait3A_157 : memref<1x80x128xf32, #tpu.memory_space<vmem>> -> memref<80x128xf32, #tpu.memory_space<vmem>>
      %dma_wait3A_159 = tpu.memref_slice %arg9[%mul3A_81] : memref<6400xi32, #tpu.memory_space<vmem>> -> memref<80xi32, #tpu.memory_space<vmem>>
      %dma_wait3A_160 = arith.constant 0 : i32
      %dma_wait3A_161 = arith.constant 0 : i32
      %dma_wait3A_162 = tpu.memref_slice %arg3[%dma_wait3A_160, %dma_wait3A_161] : memref<100000x128xf32, #tpu.memory_space<hbm>> -> memref<100000x128xf32, #tpu.memory_space<hbm>>
      tpu.wait_indirect_dma semaphore(%arg17 : memref<!tpu.dma_semaphore, #tpu.memory_space<semaphore_mem>>) src(%dma_wait3A_162 : memref<100000x128xf32, #tpu.memory_space<hbm>>) dst(%dma_wait3A_158 : memref<80x128xf32, #tpu.memory_space<vmem>>)
      %dma_wait3A_163 = arith.constant 1 : i32
      %dma_wait3A_164 = arith.constant 0 : i32
      %dma_wait3A_165 = arith.constant 0 : i32
      %dma_wait3A_166 = tpu.memref_slice %arg11[%dma_wait3A_163, %dma_wait3A_164, %dma_wait3A_165] : memref<2x80x128xf32, #tpu.memory_space<vmem>> -> memref<1x80x128xf32, #tpu.memory_space<vmem>>
      %dma_wait3A_167 = tpu.memref_squeeze %dma_wait3A_166 : memref<1x80x128xf32, #tpu.memory_space<vmem>> -> memref<80x128xf32, #tpu.memory_space<vmem>>
      %dma_wait3A_168 = tpu.memref_slice %arg9[%mul3A_81] : memref<6400xi32, #tpu.memory_space<vmem>> -> memref<80xi32, #tpu.memory_space<vmem>>
      %dma_wait3A_169 = arith.constant 0 : i32
      %dma_wait3A_170 = arith.constant 0 : i32
      %dma_wait3A_171 = tpu.memref_slice %arg4[%dma_wait3A_169, %dma_wait3A_170] : memref<100000x128xf32, #tpu.memory_space<hbm>> -> memref<100000x128xf32, #tpu.memory_space<hbm>>
      tpu.wait_indirect_dma semaphore(%arg19 : memref<!tpu.dma_semaphore, #tpu.memory_space<semaphore_mem>>) src(%dma_wait3A_171 : memref<100000x128xf32, #tpu.memory_space<hbm>>) dst(%dma_wait3A_167 : memref<80x128xf32, #tpu.memory_space<vmem>>)
      %parallel_loop3A_172 = arith.constant 0 : i32
      %parallel_loop3A_173 = arith.constant 80 : i32
      %parallel_loop3A_174 = arith.constant 1 : i32
      scf.for %parallel_loop3A_256 = %parallel_loop3A_172 to %parallel_loop3A_173 step %parallel_loop3A_174  : i32 {
        %parallel_loop3A_257 = arith.constant 0.000000e+00 : f32
        %parallel_loop3A_258 = vector.broadcast %parallel_loop3A_257 : f32 to vector<16xf32>
        %parallel_loop3A_259 = arith.constant 0.000000e+00 : f32
        %parallel_loop3A_260 = vector.broadcast %parallel_loop3A_259 : f32 to vector<16xf32>
        %parallel_loop3A_261 = arith.constant 1 : i32
        %parallel_loop3A_262 = arith.index_cast %parallel_loop3A_261 : i32 to index
        %parallel_loop3A_263 = arith.index_cast %parallel_loop3A_256 : i32 to index
        %parallel_loop3A_264 = arith.constant 0 : index
        %parallel_loop3A_265 = tpu.vector_load %arg10[%parallel_loop3A_262, %parallel_loop3A_263, %parallel_loop3A_264] {strides = array<i32>} : memref<2x80x128xf32, #tpu.memory_space<vmem>>, vector<1x1x16xf32>,
        %parallel_loop3A_266 = vector.shape_cast %parallel_loop3A_265 : vector<1x1x16xf32> to vector<16xf32>
        %parallel_loop3A_267 = arith.constant 1 : i32
        %parallel_loop3A_268 = arith.index_cast %parallel_loop3A_267 : i32 to index
        %parallel_loop3A_269 = arith.index_cast %parallel_loop3A_256 : i32 to index
        %parallel_loop3A_270 = arith.constant 0 : index
        %parallel_loop3A_271 = tpu.vector_load %arg11[%parallel_loop3A_268, %parallel_loop3A_269, %parallel_loop3A_270] {strides = array<i32>} : memref<2x80x128xf32, #tpu.memory_space<vmem>>, vector<1x1x16xf32>,
        %parallel_loop3A_272 = vector.shape_cast %parallel_loop3A_271 : vector<1x1x16xf32> to vector<16xf32>
        %parallel_loop3A_273 = arith.mulf %parallel_loop3A_266, %parallel_loop3A_266 : vector<16xf32>
        %parallel_loop3A_274 = arith.mulf %parallel_loop3A_272, %parallel_loop3A_272 : vector<16xf32>
        %parallel_loop3A_275 = arith.addf %parallel_loop3A_273, %parallel_loop3A_274 : vector<16xf32>
        %parallel_loop3A_276 = tpu.bitcast %parallel_loop3A_275 : vector<16xf32> -> vector<16xi32>
        %parallel_loop3A_277 = arith.constant 1 : i32
        %parallel_loop3A_278 = vector.broadcast %parallel_loop3A_277 : i32 to vector<16xi32>
        %parallel_loop3A_279 = arith.shrsi %parallel_loop3A_276, %parallel_loop3A_278 : vector<16xi32>
        %parallel_loop3A_280 = arith.constant 1597463007 : i32
        %parallel_loop3A_281 = vector.broadcast %parallel_loop3A_280 : i32 to vector<16xi32>
        %parallel_loop3A_282 = arith.subi %parallel_loop3A_281, %parallel_loop3A_279 : vector<16xi32>
        %parallel_loop3A_283 = tpu.bitcast %parallel_loop3A_282 : vector<16xi32> -> vector<16xf32>
        %parallel_loop3A_284 = arith.constant 5.000000e-01 : f32
        %parallel_loop3A_285 = vector.broadcast %parallel_loop3A_284 : f32 to vector<16xf32>
        %parallel_loop3A_286 = arith.mulf %parallel_loop3A_275, %parallel_loop3A_285 : vector<16xf32>
        %parallel_loop3A_287 = arith.mulf %parallel_loop3A_286, %parallel_loop3A_283 : vector<16xf32>
        %parallel_loop3A_288 = arith.mulf %parallel_loop3A_287, %parallel_loop3A_283 : vector<16xf32>
        %parallel_loop3A_289 = arith.constant 1.500000e+00 : f32
        %parallel_loop3A_290 = vector.broadcast %parallel_loop3A_289 : f32 to vector<16xf32>
        %parallel_loop3A_291 = arith.subf %parallel_loop3A_290, %parallel_loop3A_288 : vector<16xf32>
        %parallel_loop3A_292 = arith.mulf %parallel_loop3A_283, %parallel_loop3A_291 : vector<16xf32>
        %parallel_loop3A_293 = arith.mulf %parallel_loop3A_275, %parallel_loop3A_292 : vector<16xf32>
        %parallel_loop3A_294 = arith.addf %parallel_loop3A_258, %parallel_loop3A_293 : vector<16xf32>
        %parallel_loop3A_295 = arith.addf %parallel_loop3A_260, %parallel_loop3A_275 : vector<16xf32>
        %parallel_loop3A_296 = arith.constant 1 : i32
        %parallel_loop3A_297 = arith.index_cast %parallel_loop3A_296 : i32 to index
        %parallel_loop3A_298 = arith.index_cast %parallel_loop3A_256 : i32 to index
        %parallel_loop3A_299 = arith.constant 16 : index
        %parallel_loop3A_300 = tpu.vector_load %arg10[%parallel_loop3A_297, %parallel_loop3A_298, %parallel_loop3A_299] {strides = array<i32>} : memref<2x80x128xf32, #tpu.memory_space<vmem>>, vector<1x1x16xf32>,
        %parallel_loop3A_301 = vector.shape_cast %parallel_loop3A_300 : vector<1x1x16xf32> to vector<16xf32>
        %parallel_loop3A_302 = arith.constant 1 : i32
        %parallel_loop3A_303 = arith.index_cast %parallel_loop3A_302 : i32 to index
        %parallel_loop3A_304 = arith.index_cast %parallel_loop3A_256 : i32 to index
        %parallel_loop3A_305 = arith.constant 16 : index
        %parallel_loop3A_306 = tpu.vector_load %arg11[%parallel_loop3A_303, %parallel_loop3A_304, %parallel_loop3A_305] {strides = array<i32>} : memref<2x80x128xf32, #tpu.memory_space<vmem>>, vector<1x1x16xf32>,
        %parallel_loop3A_307 = vector.shape_cast %parallel_loop3A_306 : vector<1x1x16xf32> to vector<16xf32>
        %parallel_loop3A_308 = arith.mulf %parallel_loop3A_301, %parallel_loop3A_301 : vector<16xf32>
        %parallel_loop3A_309 = arith.mulf %parallel_loop3A_307, %parallel_loop3A_307 : vector<16xf32>
        %parallel_loop3A_310 = arith.addf %parallel_loop3A_308, %parallel_loop3A_309 : vector<16xf32>
        %parallel_loop3A_311 = tpu.bitcast %parallel_loop3A_310 : vector<16xf32> -> vector<16xi32>
        %parallel_loop3A_312 = arith.constant 1 : i32
        %parallel_loop3A_313 = vector.broadcast %parallel_loop3A_312 : i32 to vector<16xi32>
        %parallel_loop3A_314 = arith.shrsi %parallel_loop3A_311, %parallel_loop3A_313 : vector<16xi32>
        %parallel_loop3A_315 = arith.constant 1597463007 : i32
        %parallel_loop3A_316 = vector.broadcast %parallel_loop3A_315 : i32 to vector<16xi32>
        %parallel_loop3A_317 = arith.subi %parallel_loop3A_316, %parallel_loop3A_314 : vector<16xi32>
        %parallel_loop3A_318 = tpu.bitcast %parallel_loop3A_317 : vector<16xi32> -> vector<16xf32>
        %parallel_loop3A_319 = arith.constant 5.000000e-01 : f32
        %parallel_loop3A_320 = vector.broadcast %parallel_loop3A_319 : f32 to vector<16xf32>
        %parallel_loop3A_321 = arith.mulf %parallel_loop3A_310, %parallel_loop3A_320 : vector<16xf32>
        %parallel_loop3A_322 = arith.mulf %parallel_loop3A_321, %parallel_loop3A_318 : vector<16xf32>
        %parallel_loop3A_323 = arith.mulf %parallel_loop3A_322, %parallel_loop3A_318 : vector<16xf32>
        %parallel_loop3A_324 = arith.constant 1.500000e+00 : f32
        %parallel_loop3A_325 = vector.broadcast %parallel_loop3A_324 : f32 to vector<16xf32>
        %parallel_loop3A_326 = arith.subf %parallel_loop3A_325, %parallel_loop3A_323 : vector<16xf32>
        %parallel_loop3A_327 = arith.mulf %parallel_loop3A_318, %parallel_loop3A_326 : vector<16xf32>
        %parallel_loop3A_328 = arith.mulf %parallel_loop3A_310, %parallel_loop3A_327 : vector<16xf32>
        %parallel_loop3A_329 = arith.addf %parallel_loop3A_294, %parallel_loop3A_328 : vector<16xf32>
        %parallel_loop3A_330 = arith.addf %parallel_loop3A_295, %parallel_loop3A_310 : vector<16xf32>
        %parallel_loop3A_331 = arith.constant 1 : i32
        %parallel_loop3A_332 = arith.index_cast %parallel_loop3A_331 : i32 to index
        %parallel_loop3A_333 = arith.index_cast %parallel_loop3A_256 : i32 to index
        %parallel_loop3A_334 = arith.constant 32 : index
        %parallel_loop3A_335 = tpu.vector_load %arg10[%parallel_loop3A_332, %parallel_loop3A_333, %parallel_loop3A_334] {strides = array<i32>} : memref<2x80x128xf32, #tpu.memory_space<vmem>>, vector<1x1x16xf32>,
        %parallel_loop3A_336 = vector.shape_cast %parallel_loop3A_335 : vector<1x1x16xf32> to vector<16xf32>
        %parallel_loop3A_337 = arith.constant 1 : i32
        %parallel_loop3A_338 = arith.index_cast %parallel_loop3A_337 : i32 to index
        %parallel_loop3A_339 = arith.index_cast %parallel_loop3A_256 : i32 to index
        %parallel_loop3A_340 = arith.constant 32 : index
        %parallel_loop3A_341 = tpu.vector_load %arg11[%parallel_loop3A_338, %parallel_loop3A_339, %parallel_loop3A_340] {strides = array<i32>} : memref<2x80x128xf32, #tpu.memory_space<vmem>>, vector<1x1x16xf32>,
        %parallel_loop3A_342 = vector.shape_cast %parallel_loop3A_341 : vector<1x1x16xf32> to vector<16xf32>
        %parallel_loop3A_343 = arith.mulf %parallel_loop3A_336, %parallel_loop3A_336 : vector<16xf32>
        %parallel_loop3A_344 = arith.mulf %parallel_loop3A_342, %parallel_loop3A_342 : vector<16xf32>
        %parallel_loop3A_345 = arith.addf %parallel_loop3A_343, %parallel_loop3A_344 : vector<16xf32>
        %parallel_loop3A_346 = tpu.bitcast %parallel_loop3A_345 : vector<16xf32> -> vector<16xi32>
        %parallel_loop3A_347 = arith.constant 1 : i32
        %parallel_loop3A_348 = vector.broadcast %parallel_loop3A_347 : i32 to vector<16xi32>
        %parallel_loop3A_349 = arith.shrsi %parallel_loop3A_346, %parallel_loop3A_348 : vector<16xi32>
        %parallel_loop3A_350 = arith.constant 1597463007 : i32
        %parallel_loop3A_351 = vector.broadcast %parallel_loop3A_350 : i32 to vector<16xi32>
        %parallel_loop3A_352 = arith.subi %parallel_loop3A_351, %parallel_loop3A_349 : vector<16xi32>
        %parallel_loop3A_353 = tpu.bitcast %parallel_loop3A_352 : vector<16xi32> -> vector<16xf32>
        %parallel_loop3A_354 = arith.constant 5.000000e-01 : f32
        %parallel_loop3A_355 = vector.broadcast %parallel_loop3A_354 : f32 to vector<16xf32>
        %parallel_loop3A_356 = arith.mulf %parallel_loop3A_345, %parallel_loop3A_355 : vector<16xf32>
        %parallel_loop3A_357 = arith.mulf %parallel_loop3A_356, %parallel_loop3A_353 : vector<16xf32>
        %parallel_loop3A_358 = arith.mulf %parallel_loop3A_357, %parallel_loop3A_353 : vector<16xf32>
        %parallel_loop3A_359 = arith.constant 1.500000e+00 : f32
        %parallel_loop3A_360 = vector.broadcast %parallel_loop3A_359 : f32 to vector<16xf32>
        %parallel_loop3A_361 = arith.subf %parallel_loop3A_360, %parallel_loop3A_358 : vector<16xf32>
        %parallel_loop3A_362 = arith.mulf %parallel_loop3A_353, %parallel_loop3A_361 : vector<16xf32>
        %parallel_loop3A_363 = arith.mulf %parallel_loop3A_345, %parallel_loop3A_362 : vector<16xf32>
        %parallel_loop3A_364 = arith.addf %parallel_loop3A_329, %parallel_loop3A_363 : vector<16xf32>
        %parallel_loop3A_365 = arith.addf %parallel_loop3A_330, %parallel_loop3A_345 : vector<16xf32>
        %parallel_loop3A_366 = arith.constant 1 : i32
        %parallel_loop3A_367 = arith.index_cast %parallel_loop3A_366 : i32 to index
        %parallel_loop3A_368 = arith.index_cast %parallel_loop3A_256 : i32 to index
        %parallel_loop3A_369 = arith.constant 48 : index
        %parallel_loop3A_370 = tpu.vector_load %arg10[%parallel_loop3A_367, %parallel_loop3A_368, %parallel_loop3A_369] {strides = array<i32>} : memref<2x80x128xf32, #tpu.memory_space<vmem>>, vector<1x1x16xf32>,
        %parallel_loop3A_371 = vector.shape_cast %parallel_loop3A_370 : vector<1x1x16xf32> to vector<16xf32>
        %parallel_loop3A_372 = arith.constant 1 : i32
        %parallel_loop3A_373 = arith.index_cast %parallel_loop3A_372 : i32 to index
        %parallel_loop3A_374 = arith.index_cast %parallel_loop3A_256 : i32 to index
        %parallel_loop3A_375 = arith.constant 48 : index
        %parallel_loop3A_376 = tpu.vector_load %arg11[%parallel_loop3A_373, %parallel_loop3A_374, %parallel_loop3A_375] {strides = array<i32>} : memref<2x80x128xf32, #tpu.memory_space<vmem>>, vector<1x1x16xf32>,
        %parallel_loop3A_377 = vector.shape_cast %parallel_loop3A_376 : vector<1x1x16xf32> to vector<16xf32>
        %parallel_loop3A_378 = arith.mulf %parallel_loop3A_371, %parallel_loop3A_371 : vector<16xf32>
        %parallel_loop3A_379 = arith.mulf %parallel_loop3A_377, %parallel_loop3A_377 : vector<16xf32>
        %parallel_loop3A_380 = arith.addf %parallel_loop3A_378, %parallel_loop3A_379 : vector<16xf32>
        %parallel_loop3A_381 = tpu.bitcast %parallel_loop3A_380 : vector<16xf32> -> vector<16xi32>
        %parallel_loop3A_382 = arith.constant 1 : i32
        %parallel_loop3A_383 = vector.broadcast %parallel_loop3A_382 : i32 to vector<16xi32>
        %parallel_loop3A_384 = arith.shrsi %parallel_loop3A_381, %parallel_loop3A_383 : vector<16xi32>
        %parallel_loop3A_385 = arith.constant 1597463007 : i32
        %parallel_loop3A_386 = vector.broadcast %parallel_loop3A_385 : i32 to vector<16xi32>
        %parallel_loop3A_387 = arith.subi %parallel_loop3A_386, %parallel_loop3A_384 : vector<16xi32>
        %parallel_loop3A_388 = tpu.bitcast %parallel_loop3A_387 : vector<16xi32> -> vector<16xf32>
        %parallel_loop3A_389 = arith.constant 5.000000e-01 : f32
        %parallel_loop3A_390 = vector.broadcast %parallel_loop3A_389 : f32 to vector<16xf32>
        %parallel_loop3A_391 = arith.mulf %parallel_loop3A_380, %parallel_loop3A_390 : vector<16xf32>
        %parallel_loop3A_392 = arith.mulf %parallel_loop3A_391, %parallel_loop3A_388 : vector<16xf32>
        %parallel_loop3A_393 = arith.mulf %parallel_loop3A_392, %parallel_loop3A_388 : vector<16xf32>
        %parallel_loop3A_394 = arith.constant 1.500000e+00 : f32
        %parallel_loop3A_395 = vector.broadcast %parallel_loop3A_394 : f32 to vector<16xf32>
        %parallel_loop3A_396 = arith.subf %parallel_loop3A_395, %parallel_loop3A_393 : vector<16xf32>
        %parallel_loop3A_397 = arith.mulf %parallel_loop3A_388, %parallel_loop3A_396 : vector<16xf32>
        %parallel_loop3A_398 = arith.mulf %parallel_loop3A_380, %parallel_loop3A_397 : vector<16xf32>
        %parallel_loop3A_399 = arith.addf %parallel_loop3A_364, %parallel_loop3A_398 : vector<16xf32>
        %parallel_loop3A_400 = arith.addf %parallel_loop3A_365, %parallel_loop3A_380 : vector<16xf32>
        %parallel_loop3A_401 = arith.constant 1 : i32
        %parallel_loop3A_402 = arith.index_cast %parallel_loop3A_401 : i32 to index
        %parallel_loop3A_403 = arith.index_cast %parallel_loop3A_256 : i32 to index
        %parallel_loop3A_404 = arith.constant 64 : index
        %parallel_loop3A_405 = tpu.vector_load %arg10[%parallel_loop3A_402, %parallel_loop3A_403, %parallel_loop3A_404] {strides = array<i32>} : memref<2x80x128xf32, #tpu.memory_space<vmem>>, vector<1x1x16xf32>,
        %parallel_loop3A_406 = vector.shape_cast %parallel_loop3A_405 : vector<1x1x16xf32> to vector<16xf32>
        %parallel_loop3A_407 = arith.constant 1 : i32
        %parallel_loop3A_408 = arith.index_cast %parallel_loop3A_407 : i32 to index
        %parallel_loop3A_409 = arith.index_cast %parallel_loop3A_256 : i32 to index
        %parallel_loop3A_410 = arith.constant 64 : index
        %parallel_loop3A_411 = tpu.vector_load %arg11[%parallel_loop3A_408, %parallel_loop3A_409, %parallel_loop3A_410] {strides = array<i32>} : memref<2x80x128xf32, #tpu.memory_space<vmem>>, vector<1x1x16xf32>,
        %parallel_loop3A_412 = vector.shape_cast %parallel_loop3A_411 : vector<1x1x16xf32> to vector<16xf32>
        %parallel_loop3A_413 = arith.mulf %parallel_loop3A_406, %parallel_loop3A_406 : vector<16xf32>
        %parallel_loop3A_414 = arith.mulf %parallel_loop3A_412, %parallel_loop3A_412 : vector<16xf32>
        %parallel_loop3A_415 = arith.addf %parallel_loop3A_413, %parallel_loop3A_414 : vector<16xf32>
        %parallel_loop3A_416 = tpu.bitcast %parallel_loop3A_415 : vector<16xf32> -> vector<16xi32>
        %parallel_loop3A_417 = arith.constant 1 : i32
        %parallel_loop3A_418 = vector.broadcast %parallel_loop3A_417 : i32 to vector<16xi32>
        %parallel_loop3A_419 = arith.shrsi %parallel_loop3A_416, %parallel_loop3A_418 : vector<16xi32>
        %parallel_loop3A_420 = arith.constant 1597463007 : i32
        %parallel_loop3A_421 = vector.broadcast %parallel_loop3A_420 : i32 to vector<16xi32>
        %parallel_loop3A_422 = arith.subi %parallel_loop3A_421, %parallel_loop3A_419 : vector<16xi32>
        %parallel_loop3A_423 = tpu.bitcast %parallel_loop3A_422 : vector<16xi32> -> vector<16xf32>
        %parallel_loop3A_424 = arith.constant 5.000000e-01 : f32
        %parallel_loop3A_425 = vector.broadcast %parallel_loop3A_424 : f32 to vector<16xf32>
        %parallel_loop3A_426 = arith.mulf %parallel_loop3A_415, %parallel_loop3A_425 : vector<16xf32>
        %parallel_loop3A_427 = arith.mulf %parallel_loop3A_426, %parallel_loop3A_423 : vector<16xf32>
        %parallel_loop3A_428 = arith.mulf %parallel_loop3A_427, %parallel_loop3A_423 : vector<16xf32>
        %parallel_loop3A_429 = arith.constant 1.500000e+00 : f32
        %parallel_loop3A_430 = vector.broadcast %parallel_loop3A_429 : f32 to vector<16xf32>
        %parallel_loop3A_431 = arith.subf %parallel_loop3A_430, %parallel_loop3A_428 : vector<16xf32>
        %parallel_loop3A_432 = arith.mulf %parallel_loop3A_423, %parallel_loop3A_431 : vector<16xf32>
        %parallel_loop3A_433 = arith.mulf %parallel_loop3A_415, %parallel_loop3A_432 : vector<16xf32>
        %parallel_loop3A_434 = arith.addf %parallel_loop3A_399, %parallel_loop3A_433 : vector<16xf32>
        %parallel_loop3A_435 = arith.addf %parallel_loop3A_400, %parallel_loop3A_415 : vector<16xf32>
        %parallel_loop3A_436 = arith.constant 1 : i32
        %parallel_loop3A_437 = arith.index_cast %parallel_loop3A_436 : i32 to index
        %parallel_loop3A_438 = arith.index_cast %parallel_loop3A_256 : i32 to index
        %parallel_loop3A_439 = arith.constant 80 : index
        %parallel_loop3A_440 = tpu.vector_load %arg10[%parallel_loop3A_437, %parallel_loop3A_438, %parallel_loop3A_439] {strides = array<i32>} : memref<2x80x128xf32, #tpu.memory_space<vmem>>, vector<1x1x16xf32>,
        %parallel_loop3A_441 = vector.shape_cast %parallel_loop3A_440 : vector<1x1x16xf32> to vector<16xf32>
        %parallel_loop3A_442 = arith.constant 1 : i32
        %parallel_loop3A_443 = arith.index_cast %parallel_loop3A_442 : i32 to index
        %parallel_loop3A_444 = arith.index_cast %parallel_loop3A_256 : i32 to index
        %parallel_loop3A_445 = arith.constant 80 : index
        %parallel_loop3A_446 = tpu.vector_load %arg11[%parallel_loop3A_443, %parallel_loop3A_444, %parallel_loop3A_445] {strides = array<i32>} : memref<2x80x128xf32, #tpu.memory_space<vmem>>, vector<1x1x16xf32>,
        %parallel_loop3A_447 = vector.shape_cast %parallel_loop3A_446 : vector<1x1x16xf32> to vector<16xf32>
        %parallel_loop3A_448 = arith.mulf %parallel_loop3A_441, %parallel_loop3A_441 : vector<16xf32>
        %parallel_loop3A_449 = arith.mulf %parallel_loop3A_447, %parallel_loop3A_447 : vector<16xf32>
        %parallel_loop3A_450 = arith.addf %parallel_loop3A_448, %parallel_loop3A_449 : vector<16xf32>
        %parallel_loop3A_451 = tpu.bitcast %parallel_loop3A_450 : vector<16xf32> -> vector<16xi32>
        %parallel_loop3A_452 = arith.constant 1 : i32
        %parallel_loop3A_453 = vector.broadcast %parallel_loop3A_452 : i32 to vector<16xi32>
        %parallel_loop3A_454 = arith.shrsi %parallel_loop3A_451, %parallel_loop3A_453 : vector<16xi32>
        %parallel_loop3A_455 = arith.constant 1597463007 : i32
        %parallel_loop3A_456 = vector.broadcast %parallel_loop3A_455 : i32 to vector<16xi32>
        %parallel_loop3A_457 = arith.subi %parallel_loop3A_456, %parallel_loop3A_454 : vector<16xi32>
        %parallel_loop3A_458 = tpu.bitcast %parallel_loop3A_457 : vector<16xi32> -> vector<16xf32>
        %parallel_loop3A_459 = arith.constant 5.000000e-01 : f32
        %parallel_loop3A_460 = vector.broadcast %parallel_loop3A_459 : f32 to vector<16xf32>
        %parallel_loop3A_461 = arith.mulf %parallel_loop3A_450, %parallel_loop3A_460 : vector<16xf32>
        %parallel_loop3A_462 = arith.mulf %parallel_loop3A_461, %parallel_loop3A_458 : vector<16xf32>
        %parallel_loop3A_463 = arith.mulf %parallel_loop3A_462, %parallel_loop3A_458 : vector<16xf32>
        %parallel_loop3A_464 = arith.constant 1.500000e+00 : f32
        %parallel_loop3A_465 = vector.broadcast %parallel_loop3A_464 : f32 to vector<16xf32>
        %parallel_loop3A_466 = arith.subf %parallel_loop3A_465, %parallel_loop3A_463 : vector<16xf32>
        %parallel_loop3A_467 = arith.mulf %parallel_loop3A_458, %parallel_loop3A_466 : vector<16xf32>
        %parallel_loop3A_468 = arith.mulf %parallel_loop3A_450, %parallel_loop3A_467 : vector<16xf32>
        %parallel_loop3A_469 = arith.addf %parallel_loop3A_434, %parallel_loop3A_468 : vector<16xf32>
        %parallel_loop3A_470 = arith.addf %parallel_loop3A_435, %parallel_loop3A_450 : vector<16xf32>
        %parallel_loop3A_471 = arith.constant 1 : i32
        %parallel_loop3A_472 = arith.index_cast %parallel_loop3A_471 : i32 to index
        %parallel_loop3A_473 = arith.index_cast %parallel_loop3A_256 : i32 to index
        %parallel_loop3A_474 = arith.constant 96 : index
        %parallel_loop3A_475 = tpu.vector_load %arg10[%parallel_loop3A_472, %parallel_loop3A_473, %parallel_loop3A_474] {strides = array<i32>} : memref<2x80x128xf32, #tpu.memory_space<vmem>>, vector<1x1x16xf32>,
        %parallel_loop3A_476 = vector.shape_cast %parallel_loop3A_475 : vector<1x1x16xf32> to vector<16xf32>
        %parallel_loop3A_477 = arith.constant 1 : i32
        %parallel_loop3A_478 = arith.index_cast %parallel_loop3A_477 : i32 to index
        %parallel_loop3A_479 = arith.index_cast %parallel_loop3A_256 : i32 to index
        %parallel_loop3A_480 = arith.constant 96 : index
        %parallel_loop3A_481 = tpu.vector_load %arg11[%parallel_loop3A_478, %parallel_loop3A_479, %parallel_loop3A_480] {strides = array<i32>} : memref<2x80x128xf32, #tpu.memory_space<vmem>>, vector<1x1x16xf32>,
        %parallel_loop3A_482 = vector.shape_cast %parallel_loop3A_481 : vector<1x1x16xf32> to vector<16xf32>
        %parallel_loop3A_483 = arith.mulf %parallel_loop3A_476, %parallel_loop3A_476 : vector<16xf32>
        %parallel_loop3A_484 = arith.mulf %parallel_loop3A_482, %parallel_loop3A_482 : vector<16xf32>
        %parallel_loop3A_485 = arith.addf %parallel_loop3A_483, %parallel_loop3A_484 : vector<16xf32>
        %parallel_loop3A_486 = tpu.bitcast %parallel_loop3A_485 : vector<16xf32> -> vector<16xi32>
        %parallel_loop3A_487 = arith.constant 1 : i32
        %parallel_loop3A_488 = vector.broadcast %parallel_loop3A_487 : i32 to vector<16xi32>
        %parallel_loop3A_489 = arith.shrsi %parallel_loop3A_486, %parallel_loop3A_488 : vector<16xi32>
        %parallel_loop3A_490 = arith.constant 1597463007 : i32
        %parallel_loop3A_491 = vector.broadcast %parallel_loop3A_490 : i32 to vector<16xi32>
        %parallel_loop3A_492 = arith.subi %parallel_loop3A_491, %parallel_loop3A_489 : vector<16xi32>
        %parallel_loop3A_493 = tpu.bitcast %parallel_loop3A_492 : vector<16xi32> -> vector<16xf32>
        %parallel_loop3A_494 = arith.constant 5.000000e-01 : f32
        %parallel_loop3A_495 = vector.broadcast %parallel_loop3A_494 : f32 to vector<16xf32>
        %parallel_loop3A_496 = arith.mulf %parallel_loop3A_485, %parallel_loop3A_495 : vector<16xf32>
        %parallel_loop3A_497 = arith.mulf %parallel_loop3A_496, %parallel_loop3A_493 : vector<16xf32>
        %parallel_loop3A_498 = arith.mulf %parallel_loop3A_497, %parallel_loop3A_493 : vector<16xf32>
        %parallel_loop3A_499 = arith.constant 1.500000e+00 : f32
        %parallel_loop3A_500 = vector.broadcast %parallel_loop3A_499 : f32 to vector<16xf32>
        %parallel_loop3A_501 = arith.subf %parallel_loop3A_500, %parallel_loop3A_498 : vector<16xf32>
        %parallel_loop3A_502 = arith.mulf %parallel_loop3A_493, %parallel_loop3A_501 : vector<16xf32>
        %parallel_loop3A_503 = arith.mulf %parallel_loop3A_485, %parallel_loop3A_502 : vector<16xf32>
        %parallel_loop3A_504 = arith.addf %parallel_loop3A_469, %parallel_loop3A_503 : vector<16xf32>
        %parallel_loop3A_505 = arith.addf %parallel_loop3A_470, %parallel_loop3A_485 : vector<16xf32>
        %parallel_loop3A_506 = arith.constant 1 : i32
        %parallel_loop3A_507 = arith.index_cast %parallel_loop3A_506 : i32 to index
        %parallel_loop3A_508 = arith.index_cast %parallel_loop3A_256 : i32 to index
        %parallel_loop3A_509 = arith.constant 112 : index
        %parallel_loop3A_510 = tpu.vector_load %arg10[%parallel_loop3A_507, %parallel_loop3A_508, %parallel_loop3A_509] {strides = array<i32>} : memref<2x80x128xf32, #tpu.memory_space<vmem>>, vector<1x1x16xf32>,
        %parallel_loop3A_511 = vector.shape_cast %parallel_loop3A_510 : vector<1x1x16xf32> to vector<16xf32>
        %parallel_loop3A_512 = arith.constant 1 : i32
        %parallel_loop3A_513 = arith.index_cast %parallel_loop3A_512 : i32 to index
        %parallel_loop3A_514 = arith.index_cast %parallel_loop3A_256 : i32 to index
        %parallel_loop3A_515 = arith.constant 112 : index
        %parallel_loop3A_516 = tpu.vector_load %arg11[%parallel_loop3A_513, %parallel_loop3A_514, %parallel_loop3A_515] {strides = array<i32>} : memref<2x80x128xf32, #tpu.memory_space<vmem>>, vector<1x1x16xf32>,
        %parallel_loop3A_517 = vector.shape_cast %parallel_loop3A_516 : vector<1x1x16xf32> to vector<16xf32>
        %parallel_loop3A_518 = arith.mulf %parallel_loop3A_511, %parallel_loop3A_511 : vector<16xf32>
        %parallel_loop3A_519 = arith.mulf %parallel_loop3A_517, %parallel_loop3A_517 : vector<16xf32>
        %parallel_loop3A_520 = arith.addf %parallel_loop3A_518, %parallel_loop3A_519 : vector<16xf32>
        %parallel_loop3A_521 = tpu.bitcast %parallel_loop3A_520 : vector<16xf32> -> vector<16xi32>
        %parallel_loop3A_522 = arith.constant 1 : i32
        %parallel_loop3A_523 = vector.broadcast %parallel_loop3A_522 : i32 to vector<16xi32>
        %parallel_loop3A_524 = arith.shrsi %parallel_loop3A_521, %parallel_loop3A_523 : vector<16xi32>
        %parallel_loop3A_525 = arith.constant 1597463007 : i32
        %parallel_loop3A_526 = vector.broadcast %parallel_loop3A_525 : i32 to vector<16xi32>
        %parallel_loop3A_527 = arith.subi %parallel_loop3A_526, %parallel_loop3A_524 : vector<16xi32>
        %parallel_loop3A_528 = tpu.bitcast %parallel_loop3A_527 : vector<16xi32> -> vector<16xf32>
        %parallel_loop3A_529 = arith.constant 5.000000e-01 : f32
        %parallel_loop3A_530 = vector.broadcast %parallel_loop3A_529 : f32 to vector<16xf32>
        %parallel_loop3A_531 = arith.mulf %parallel_loop3A_520, %parallel_loop3A_530 : vector<16xf32>
        %parallel_loop3A_532 = arith.mulf %parallel_loop3A_531, %parallel_loop3A_528 : vector<16xf32>
        %parallel_loop3A_533 = arith.mulf %parallel_loop3A_532, %parallel_loop3A_528 : vector<16xf32>
        %parallel_loop3A_534 = arith.constant 1.500000e+00 : f32
        %parallel_loop3A_535 = vector.broadcast %parallel_loop3A_534 : f32 to vector<16xf32>
        %parallel_loop3A_536 = arith.subf %parallel_loop3A_535, %parallel_loop3A_533 : vector<16xf32>
        %parallel_loop3A_537 = arith.mulf %parallel_loop3A_528, %parallel_loop3A_536 : vector<16xf32>
        %parallel_loop3A_538 = arith.mulf %parallel_loop3A_520, %parallel_loop3A_537 : vector<16xf32>
        %parallel_loop3A_539 = arith.addf %parallel_loop3A_504, %parallel_loop3A_538 : vector<16xf32>
        %parallel_loop3A_540 = arith.addf %parallel_loop3A_505, %parallel_loop3A_520 : vector<16xf32>
        %parallel_loop3A_541 = tpu.iota {dimensions = array<i32: 0>} : vector<16xi32>
        %parallel_loop3A_542 = arith.constant 1 : i32
        %parallel_loop3A_543 = vector.broadcast %parallel_loop3A_542 : i32 to vector<16xi32>
        %parallel_loop3A_544 = arith.xori %parallel_loop3A_541, %parallel_loop3A_543 : vector<16xi32>
        %parallel_loop3A_545 = arith.constant 0 : i32
        %parallel_loop3A_546 = vector.broadcast %parallel_loop3A_545 : i32 to vector<16xi32>
        %parallel_loop3A_547 = arith.cmpi slt, %parallel_loop3A_544, %parallel_loop3A_546 : vector<16xi32>
        %parallel_loop3A_548 = arith.constant 16 : i32
        %parallel_loop3A_549 = vector.broadcast %parallel_loop3A_548 : i32 to vector<16xi32>
        %parallel_loop3A_550 = arith.addi %parallel_loop3A_544, %parallel_loop3A_549 : vector<16xi32>
        %parallel_loop3A_551 = arith.select %parallel_loop3A_547, %parallel_loop3A_550, %parallel_loop3A_544 : vector<16xi1>, vector<16xi32>
        %parallel_loop3A_552 = vector.shape_cast %parallel_loop3A_551 : vector<16xi32> to vector<16x1xi32>
        %parallel_loop3A_553 = vector.shape_cast %parallel_loop3A_552 : vector<16x1xi32> to vector<16xi32>
        %parallel_loop3A_554 = tpu.dynamic_gather %parallel_loop3A_539[%parallel_loop3A_553] in [0] : vector<16xf32>, vector<16xi32> -> vector<16xf32>
        %parallel_loop3A_555 = arith.addf %parallel_loop3A_539, %parallel_loop3A_554 : vector<16xf32>
        %parallel_loop3A_556 = arith.constant 2 : i32
        %parallel_loop3A_557 = vector.broadcast %parallel_loop3A_556 : i32 to vector<16xi32>
        %parallel_loop3A_558 = arith.xori %parallel_loop3A_541, %parallel_loop3A_557 : vector<16xi32>
        %parallel_loop3A_559 = arith.constant 0 : i32
        %parallel_loop3A_560 = vector.broadcast %parallel_loop3A_559 : i32 to vector<16xi32>
        %parallel_loop3A_561 = arith.cmpi slt, %parallel_loop3A_558, %parallel_loop3A_560 : vector<16xi32>
        %parallel_loop3A_562 = arith.constant 16 : i32
        %parallel_loop3A_563 = vector.broadcast %parallel_loop3A_562 : i32 to vector<16xi32>
        %parallel_loop3A_564 = arith.addi %parallel_loop3A_558, %parallel_loop3A_563 : vector<16xi32>
        %parallel_loop3A_565 = arith.select %parallel_loop3A_561, %parallel_loop3A_564, %parallel_loop3A_558 : vector<16xi1>, vector<16xi32>
        %parallel_loop3A_566 = vector.shape_cast %parallel_loop3A_565 : vector<16xi32> to vector<16x1xi32>
        %parallel_loop3A_567 = vector.shape_cast %parallel_loop3A_566 : vector<16x1xi32> to vector<16xi32>
        %parallel_loop3A_568 = tpu.dynamic_gather %parallel_loop3A_555[%parallel_loop3A_567] in [0] : vector<16xf32>, vector<16xi32> -> vector<16xf32>
        %parallel_loop3A_569 = arith.addf %parallel_loop3A_555, %parallel_loop3A_568 : vector<16xf32>
        %parallel_loop3A_570 = arith.constant 4 : i32
        %parallel_loop3A_571 = vector.broadcast %parallel_loop3A_570 : i32 to vector<16xi32>
        %parallel_loop3A_572 = arith.xori %parallel_loop3A_541, %parallel_loop3A_571 : vector<16xi32>
        %parallel_loop3A_573 = arith.constant 0 : i32
        %parallel_loop3A_574 = vector.broadcast %parallel_loop3A_573 : i32 to vector<16xi32>
        %parallel_loop3A_575 = arith.cmpi slt, %parallel_loop3A_572, %parallel_loop3A_574 : vector<16xi32>
        %parallel_loop3A_576 = arith.constant 16 : i32
        %parallel_loop3A_577 = vector.broadcast %parallel_loop3A_576 : i32 to vector<16xi32>
        %parallel_loop3A_578 = arith.addi %parallel_loop3A_572, %parallel_loop3A_577 : vector<16xi32>
        %parallel_loop3A_579 = arith.select %parallel_loop3A_575, %parallel_loop3A_578, %parallel_loop3A_572 : vector<16xi1>, vector<16xi32>
        %parallel_loop3A_580 = vector.shape_cast %parallel_loop3A_579 : vector<16xi32> to vector<16x1xi32>
        %parallel_loop3A_581 = vector.shape_cast %parallel_loop3A_580 : vector<16x1xi32> to vector<16xi32>
        %parallel_loop3A_582 = tpu.dynamic_gather %parallel_loop3A_569[%parallel_loop3A_581] in [0] : vector<16xf32>, vector<16xi32> -> vector<16xf32>
        %parallel_loop3A_583 = arith.addf %parallel_loop3A_569, %parallel_loop3A_582 : vector<16xf32>
        %parallel_loop3A_584 = arith.constant 8 : i32
        %parallel_loop3A_585 = vector.broadcast %parallel_loop3A_584 : i32 to vector<16xi32>
        %parallel_loop3A_586 = arith.xori %parallel_loop3A_541, %parallel_loop3A_585 : vector<16xi32>
        %parallel_loop3A_587 = arith.constant 0 : i32
        %parallel_loop3A_588 = vector.broadcast %parallel_loop3A_587 : i32 to vector<16xi32>
        %parallel_loop3A_589 = arith.cmpi slt, %parallel_loop3A_586, %parallel_loop3A_588 : vector<16xi32>
        %parallel_loop3A_590 = arith.constant 16 : i32
        %parallel_loop3A_591 = vector.broadcast %parallel_loop3A_590 : i32 to vector<16xi32>
        %parallel_loop3A_592 = arith.addi %parallel_loop3A_586, %parallel_loop3A_591 : vector<16xi32>
        %parallel_loop3A_593 = arith.select %parallel_loop3A_589, %parallel_loop3A_592, %parallel_loop3A_586 : vector<16xi1>, vector<16xi32>
        %parallel_loop3A_594 = vector.shape_cast %parallel_loop3A_593 : vector<16xi32> to vector<16x1xi32>
        %parallel_loop3A_595 = vector.shape_cast %parallel_loop3A_594 : vector<16x1xi32> to vector<16xi32>
        %parallel_loop3A_596 = tpu.dynamic_gather %parallel_loop3A_583[%parallel_loop3A_595] in [0] : vector<16xf32>, vector<16xi32> -> vector<16xf32>
        %parallel_loop3A_597 = arith.addf %parallel_loop3A_583, %parallel_loop3A_596 : vector<16xf32>
        %parallel_loop3A_598 = arith.constant 7.812500e-03 : f32
        %parallel_loop3A_599 = vector.broadcast %parallel_loop3A_598 : f32 to vector<16xf32>
        %parallel_loop3A_600 = arith.mulf %parallel_loop3A_597, %parallel_loop3A_599 : vector<16xf32>
        %parallel_loop3A_601 = tpu.iota {dimensions = array<i32: 0>} : vector<16xi32>
        %parallel_loop3A_602 = arith.constant 1 : i32
        %parallel_loop3A_603 = vector.broadcast %parallel_loop3A_602 : i32 to vector<16xi32>
        %parallel_loop3A_604 = arith.xori %parallel_loop3A_601, %parallel_loop3A_603 : vector<16xi32>
        %parallel_loop3A_605 = arith.constant 0 : i32
        %parallel_loop3A_606 = vector.broadcast %parallel_loop3A_605 : i32 to vector<16xi32>
        %parallel_loop3A_607 = arith.cmpi slt, %parallel_loop3A_604, %parallel_loop3A_606 : vector<16xi32>
        %parallel_loop3A_608 = arith.constant 16 : i32
        %parallel_loop3A_609 = vector.broadcast %parallel_loop3A_608 : i32 to vector<16xi32>
        %parallel_loop3A_610 = arith.addi %parallel_loop3A_604, %parallel_loop3A_609 : vector<16xi32>
        %parallel_loop3A_611 = arith.select %parallel_loop3A_607, %parallel_loop3A_610, %parallel_loop3A_604 : vector<16xi1>, vector<16xi32>
        %parallel_loop3A_612 = vector.shape_cast %parallel_loop3A_611 : vector<16xi32> to vector<16x1xi32>
        %parallel_loop3A_613 = vector.shape_cast %parallel_loop3A_612 : vector<16x1xi32> to vector<16xi32>
        %parallel_loop3A_614 = tpu.dynamic_gather %parallel_loop3A_540[%parallel_loop3A_613] in [0] : vector<16xf32>, vector<16xi32> -> vector<16xf32>
        %parallel_loop3A_615 = arith.addf %parallel_loop3A_540, %parallel_loop3A_614 : vector<16xf32>
        %parallel_loop3A_616 = arith.constant 2 : i32
        %parallel_loop3A_617 = vector.broadcast %parallel_loop3A_616 : i32 to vector<16xi32>
        %parallel_loop3A_618 = arith.xori %parallel_loop3A_601, %parallel_loop3A_617 : vector<16xi32>
        %parallel_loop3A_619 = arith.constant 0 : i32
        %parallel_loop3A_620 = vector.broadcast %parallel_loop3A_619 : i32 to vector<16xi32>
        %parallel_loop3A_621 = arith.cmpi slt, %parallel_loop3A_618, %parallel_loop3A_620 : vector<16xi32>
        %parallel_loop3A_622 = arith.constant 16 : i32
        %parallel_loop3A_623 = vector.broadcast %parallel_loop3A_622 : i32 to vector<16xi32>
        %parallel_loop3A_624 = arith.addi %parallel_loop3A_618, %parallel_loop3A_623 : vector<16xi32>
        %parallel_loop3A_625 = arith.select %parallel_loop3A_621, %parallel_loop3A_624, %parallel_loop3A_618 : vector<16xi1>, vector<16xi32>
        %parallel_loop3A_626 = vector.shape_cast %parallel_loop3A_625 : vector<16xi32> to vector<16x1xi32>
        %parallel_loop3A_627 = vector.shape_cast %parallel_loop3A_626 : vector<16x1xi32> to vector<16xi32>
        %parallel_loop3A_628 = tpu.dynamic_gather %parallel_loop3A_615[%parallel_loop3A_627] in [0] : vector<16xf32>, vector<16xi32> -> vector<16xf32>
        %parallel_loop3A_629 = arith.addf %parallel_loop3A_615, %parallel_loop3A_628 : vector<16xf32>
        %parallel_loop3A_630 = arith.constant 4 : i32
        %parallel_loop3A_631 = vector.broadcast %parallel_loop3A_630 : i32 to vector<16xi32>
        %parallel_loop3A_632 = arith.xori %parallel_loop3A_601, %parallel_loop3A_631 : vector<16xi32>
        %parallel_loop3A_633 = arith.constant 0 : i32
        %parallel_loop3A_634 = vector.broadcast %parallel_loop3A_633 : i32 to vector<16xi32>
        %parallel_loop3A_635 = arith.cmpi slt, %parallel_loop3A_632, %parallel_loop3A_634 : vector<16xi32>
        %parallel_loop3A_636 = arith.constant 16 : i32
        %parallel_loop3A_637 = vector.broadcast %parallel_loop3A_636 : i32 to vector<16xi32>
        %parallel_loop3A_638 = arith.addi %parallel_loop3A_632, %parallel_loop3A_637 : vector<16xi32>
        %parallel_loop3A_639 = arith.select %parallel_loop3A_635, %parallel_loop3A_638, %parallel_loop3A_632 : vector<16xi1>, vector<16xi32>
        %parallel_loop3A_640 = vector.shape_cast %parallel_loop3A_639 : vector<16xi32> to vector<16x1xi32>
        %parallel_loop3A_641 = vector.shape_cast %parallel_loop3A_640 : vector<16x1xi32> to vector<16xi32>
        %parallel_loop3A_642 = tpu.dynamic_gather %parallel_loop3A_629[%parallel_loop3A_641] in [0] : vector<16xf32>, vector<16xi32> -> vector<16xf32>
        %parallel_loop3A_643 = arith.addf %parallel_loop3A_629, %parallel_loop3A_642 : vector<16xf32>
        %parallel_loop3A_644 = arith.constant 8 : i32
        %parallel_loop3A_645 = vector.broadcast %parallel_loop3A_644 : i32 to vector<16xi32>
        %parallel_loop3A_646 = arith.xori %parallel_loop3A_601, %parallel_loop3A_645 : vector<16xi32>
        %parallel_loop3A_647 = arith.constant 0 : i32
        %parallel_loop3A_648 = vector.broadcast %parallel_loop3A_647 : i32 to vector<16xi32>
        %parallel_loop3A_649 = arith.cmpi slt, %parallel_loop3A_646, %parallel_loop3A_648 : vector<16xi32>
        %parallel_loop3A_650 = arith.constant 16 : i32
        %parallel_loop3A_651 = vector.broadcast %parallel_loop3A_650 : i32 to vector<16xi32>
        %parallel_loop3A_652 = arith.addi %parallel_loop3A_646, %parallel_loop3A_651 : vector<16xi32>
        %parallel_loop3A_653 = arith.select %parallel_loop3A_649, %parallel_loop3A_652, %parallel_loop3A_646 : vector<16xi1>, vector<16xi32>
        %parallel_loop3A_654 = vector.shape_cast %parallel_loop3A_653 : vector<16xi32> to vector<16x1xi32>
        %parallel_loop3A_655 = vector.shape_cast %parallel_loop3A_654 : vector<16x1xi32> to vector<16xi32>
        %parallel_loop3A_656 = tpu.dynamic_gather %parallel_loop3A_643[%parallel_loop3A_655] in [0] : vector<16xf32>, vector<16xi32> -> vector<16xf32>
        %parallel_loop3A_657 = arith.addf %parallel_loop3A_643, %parallel_loop3A_656 : vector<16xf32>
        %parallel_loop3A_658 = arith.constant 7.812500e-03 : f32
        %parallel_loop3A_659 = vector.broadcast %parallel_loop3A_658 : f32 to vector<16xf32>
        %parallel_loop3A_660 = arith.mulf %parallel_loop3A_657, %parallel_loop3A_659 : vector<16xf32>
        %parallel_loop3A_661 = arith.mulf %parallel_loop3A_600, %parallel_loop3A_600 : vector<16xf32>
        %parallel_loop3A_662 = arith.subf %parallel_loop3A_660, %parallel_loop3A_661 : vector<16xf32>
        %parallel_loop3A_663 = arith.constant 9.99999974E-6 : f32
        %parallel_loop3A_664 = vector.broadcast %parallel_loop3A_663 : f32 to vector<16xf32>
        %parallel_loop3A_665 = arith.addf %parallel_loop3A_662, %parallel_loop3A_664 : vector<16xf32>
        %parallel_loop3A_666 = tpu.bitcast %parallel_loop3A_665 : vector<16xf32> -> vector<16xi32>
        %parallel_loop3A_667 = arith.constant 1 : i32
        %parallel_loop3A_668 = vector.broadcast %parallel_loop3A_667 : i32 to vector<16xi32>
        %parallel_loop3A_669 = arith.shrsi %parallel_loop3A_666, %parallel_loop3A_668 : vector<16xi32>
        %parallel_loop3A_670 = arith.constant 1597463007 : i32
        %parallel_loop3A_671 = vector.broadcast %parallel_loop3A_670 : i32 to vector<16xi32>
        %parallel_loop3A_672 = arith.subi %parallel_loop3A_671, %parallel_loop3A_669 : vector<16xi32>
        %parallel_loop3A_673 = tpu.bitcast %parallel_loop3A_672 : vector<16xi32> -> vector<16xf32>
        %parallel_loop3A_674 = arith.constant 5.000000e-01 : f32
        %parallel_loop3A_675 = vector.broadcast %parallel_loop3A_674 : f32 to vector<16xf32>
        %parallel_loop3A_676 = arith.mulf %parallel_loop3A_665, %parallel_loop3A_675 : vector<16xf32>
        %parallel_loop3A_677 = arith.mulf %parallel_loop3A_676, %parallel_loop3A_673 : vector<16xf32>
        %parallel_loop3A_678 = arith.mulf %parallel_loop3A_677, %parallel_loop3A_673 : vector<16xf32>
        %parallel_loop3A_679 = arith.constant 1.500000e+00 : f32
        %parallel_loop3A_680 = vector.broadcast %parallel_loop3A_679 : f32 to vector<16xf32>
        %parallel_loop3A_681 = arith.subf %parallel_loop3A_680, %parallel_loop3A_678 : vector<16xf32>
        %parallel_loop3A_682 = arith.mulf %parallel_loop3A_673, %parallel_loop3A_681 : vector<16xf32>
        %parallel_loop3A_683 = arith.mulf %parallel_loop3A_676, %parallel_loop3A_682 : vector<16xf32>
        %parallel_loop3A_684 = arith.mulf %parallel_loop3A_683, %parallel_loop3A_682 : vector<16xf32>
        %parallel_loop3A_685 = arith.constant 1.500000e+00 : f32
        %parallel_loop3A_686 = vector.broadcast %parallel_loop3A_685 : f32 to vector<16xf32>
        %parallel_loop3A_687 = arith.subf %parallel_loop3A_686, %parallel_loop3A_684 : vector<16xf32>
        %parallel_loop3A_688 = arith.mulf %parallel_loop3A_682, %parallel_loop3A_687 : vector<16xf32>
        %parallel_loop3A_689 = arith.constant 1 : i32
        %parallel_loop3A_690 = arith.index_cast %parallel_loop3A_689 : i32 to index
        %parallel_loop3A_691 = arith.index_cast %parallel_loop3A_256 : i32 to index
        %parallel_loop3A_692 = arith.constant 0 : index
        %parallel_loop3A_693 = tpu.vector_load %arg10[%parallel_loop3A_690, %parallel_loop3A_691, %parallel_loop3A_692] {strides = array<i32>} : memref<2x80x128xf32, #tpu.memory_space<vmem>>, vector<1x1x16xf32>,
        %parallel_loop3A_694 = vector.shape_cast %parallel_loop3A_693 : vector<1x1x16xf32> to vector<16xf32>
        %parallel_loop3A_695 = arith.constant 1 : i32
        %parallel_loop3A_696 = arith.index_cast %parallel_loop3A_695 : i32 to index
        %parallel_loop3A_697 = arith.index_cast %parallel_loop3A_256 : i32 to index
        %parallel_loop3A_698 = arith.constant 0 : index
        %parallel_loop3A_699 = tpu.vector_load %arg11[%parallel_loop3A_696, %parallel_loop3A_697, %parallel_loop3A_698] {strides = array<i32>} : memref<2x80x128xf32, #tpu.memory_space<vmem>>, vector<1x1x16xf32>,
        %parallel_loop3A_700 = vector.shape_cast %parallel_loop3A_699 : vector<1x1x16xf32> to vector<16xf32>
        %parallel_loop3A_701 = arith.subf %parallel_loop3A_293, %parallel_loop3A_600 : vector<16xf32>
        %parallel_loop3A_702 = arith.mulf %parallel_loop3A_688, %get3A_4 : vector<16xf32>
        %parallel_loop3A_703 = arith.mulf %parallel_loop3A_701, %parallel_loop3A_702 : vector<16xf32>
        %parallel_loop3A_704 = arith.addf %parallel_loop3A_703, %get3A_28 : vector<16xf32>
        %parallel_loop3A_705 = arith.mulf %parallel_loop3A_704, %parallel_loop3A_292 : vector<16xf32>
        %parallel_loop3A_706 = arith.mulf %parallel_loop3A_694, %parallel_loop3A_705 : vector<16xf32>
        %parallel_loop3A_707 = arith.constant 1 : i32
        %parallel_loop3A_708 = arith.index_cast %parallel_loop3A_707 : i32 to index
        %parallel_loop3A_709 = arith.index_cast %parallel_loop3A_256 : i32 to index
        %parallel_loop3A_710 = arith.constant 0 : index
        %parallel_loop3A_711 = tpu.vector_load %arg12[%parallel_loop3A_708, %parallel_loop3A_709, %parallel_loop3A_710] {strides = array<i32>} : memref<2x80x128xf32, #tpu.memory_space<vmem>>, vector<1x1x16xf32>,
        %parallel_loop3A_712 = vector.shape_cast %parallel_loop3A_711 : vector<1x1x16xf32> to vector<16xf32>
        %parallel_loop3A_713 = vector.shape_cast %parallel_loop3A_706 : vector<16xf32> to vector<1x1x16xf32>
        tpu.vector_store %arg12[%parallel_loop3A_708, %parallel_loop3A_709, %parallel_loop3A_710], %parallel_loop3A_713 {strides = array<i32>} : memref<2x80x128xf32, #tpu.memory_space<vmem>>, vector<1x1x16xf32>,
        %parallel_loop3A_714 = arith.mulf %parallel_loop3A_700, %parallel_loop3A_705 : vector<16xf32>
        %parallel_loop3A_715 = arith.constant 1 : i32
        %parallel_loop3A_716 = arith.index_cast %parallel_loop3A_715 : i32 to index
        %parallel_loop3A_717 = arith.index_cast %parallel_loop3A_256 : i32 to index
        %parallel_loop3A_718 = arith.constant 0 : index
        %parallel_loop3A_719 = tpu.vector_load %arg13[%parallel_loop3A_716, %parallel_loop3A_717, %parallel_loop3A_718] {strides = array<i32>} : memref<2x80x128xf32, #tpu.memory_space<vmem>>, vector<1x1x16xf32>,
        %parallel_loop3A_720 = vector.shape_cast %parallel_loop3A_719 : vector<1x1x16xf32> to vector<16xf32>
        %parallel_loop3A_721 = vector.shape_cast %parallel_loop3A_714 : vector<16xf32> to vector<1x1x16xf32>
        tpu.vector_store %arg13[%parallel_loop3A_716, %parallel_loop3A_717, %parallel_loop3A_718], %parallel_loop3A_721 {strides = array<i32>} : memref<2x80x128xf32, #tpu.memory_space<vmem>>, vector<1x1x16xf32>,
        %parallel_loop3A_722 = arith.constant 1 : i32
        %parallel_loop3A_723 = arith.index_cast %parallel_loop3A_722 : i32 to index
        %parallel_loop3A_724 = arith.index_cast %parallel_loop3A_256 : i32 to index
        %parallel_loop3A_725 = arith.constant 16 : index
        %parallel_loop3A_726 = tpu.vector_load %arg10[%parallel_loop3A_723, %parallel_loop3A_724, %parallel_loop3A_725] {strides = array<i32>} : memref<2x80x128xf32, #tpu.memory_space<vmem>>, vector<1x1x16xf32>,
        %parallel_loop3A_727 = vector.shape_cast %parallel_loop3A_726 : vector<1x1x16xf32> to vector<16xf32>
        %parallel_loop3A_728 = arith.constant 1 : i32
        %parallel_loop3A_729 = arith.index_cast %parallel_loop3A_728 : i32 to index
        %parallel_loop3A_730 = arith.index_cast %parallel_loop3A_256 : i32 to index
        %parallel_loop3A_731 = arith.constant 16 : index
        %parallel_loop3A_732 = tpu.vector_load %arg11[%parallel_loop3A_729, %parallel_loop3A_730, %parallel_loop3A_731] {strides = array<i32>} : memref<2x80x128xf32, #tpu.memory_space<vmem>>, vector<1x1x16xf32>,
        %parallel_loop3A_733 = vector.shape_cast %parallel_loop3A_732 : vector<1x1x16xf32> to vector<16xf32>
        %parallel_loop3A_734 = arith.subf %parallel_loop3A_328, %parallel_loop3A_600 : vector<16xf32>
        %parallel_loop3A_735 = arith.mulf %parallel_loop3A_688, %get3A_7 : vector<16xf32>
        %parallel_loop3A_736 = arith.mulf %parallel_loop3A_734, %parallel_loop3A_735 : vector<16xf32>
        %parallel_loop3A_737 = arith.addf %parallel_loop3A_736, %get3A_31 : vector<16xf32>
        %parallel_loop3A_738 = arith.mulf %parallel_loop3A_737, %parallel_loop3A_327 : vector<16xf32>
        %parallel_loop3A_739 = arith.mulf %parallel_loop3A_727, %parallel_loop3A_738 : vector<16xf32>
        %parallel_loop3A_740 = arith.constant 1 : i32
        %parallel_loop3A_741 = arith.index_cast %parallel_loop3A_740 : i32 to index
        %parallel_loop3A_742 = arith.index_cast %parallel_loop3A_256 : i32 to index
        %parallel_loop3A_743 = arith.constant 16 : index
        %parallel_loop3A_744 = tpu.vector_load %arg12[%parallel_loop3A_741, %parallel_loop3A_742, %parallel_loop3A_743] {strides = array<i32>} : memref<2x80x128xf32, #tpu.memory_space<vmem>>, vector<1x1x16xf32>,
        %parallel_loop3A_745 = vector.shape_cast %parallel_loop3A_744 : vector<1x1x16xf32> to vector<16xf32>
        %parallel_loop3A_746 = vector.shape_cast %parallel_loop3A_739 : vector<16xf32> to vector<1x1x16xf32>
        tpu.vector_store %arg12[%parallel_loop3A_741, %parallel_loop3A_742, %parallel_loop3A_743], %parallel_loop3A_746 {strides = array<i32>} : memref<2x80x128xf32, #tpu.memory_space<vmem>>, vector<1x1x16xf32>,
        %parallel_loop3A_747 = arith.mulf %parallel_loop3A_733, %parallel_loop3A_738 : vector<16xf32>
        %parallel_loop3A_748 = arith.constant 1 : i32
        %parallel_loop3A_749 = arith.index_cast %parallel_loop3A_748 : i32 to index
        %parallel_loop3A_750 = arith.index_cast %parallel_loop3A_256 : i32 to index
        %parallel_loop3A_751 = arith.constant 16 : index
        %parallel_loop3A_752 = tpu.vector_load %arg13[%parallel_loop3A_749, %parallel_loop3A_750, %parallel_loop3A_751] {strides = array<i32>} : memref<2x80x128xf32, #tpu.memory_space<vmem>>, vector<1x1x16xf32>,
        %parallel_loop3A_753 = vector.shape_cast %parallel_loop3A_752 : vector<1x1x16xf32> to vector<16xf32>
        %parallel_loop3A_754 = vector.shape_cast %parallel_loop3A_747 : vector<16xf32> to vector<1x1x16xf32>
        tpu.vector_store %arg13[%parallel_loop3A_749, %parallel_loop3A_750, %parallel_loop3A_751], %parallel_loop3A_754 {strides = array<i32>} : memref<2x80x128xf32, #tpu.memory_space<vmem>>, vector<1x1x16xf32>,
        %parallel_loop3A_755 = arith.constant 1 : i32
        %parallel_loop3A_756 = arith.index_cast %parallel_loop3A_755 : i32 to index
        %parallel_loop3A_757 = arith.index_cast %parallel_loop3A_256 : i32 to index
        %parallel_loop3A_758 = arith.constant 32 : index
        %parallel_loop3A_759 = tpu.vector_load %arg10[%parallel_loop3A_756, %parallel_loop3A_757, %parallel_loop3A_758] {strides = array<i32>} : memref<2x80x128xf32, #tpu.memory_space<vmem>>, vector<1x1x16xf32>,
        %parallel_loop3A_760 = vector.shape_cast %parallel_loop3A_759 : vector<1x1x16xf32> to vector<16xf32>
        %parallel_loop3A_761 = arith.constant 1 : i32
        %parallel_loop3A_762 = arith.index_cast %parallel_loop3A_761 : i32 to index
        %parallel_loop3A_763 = arith.index_cast %parallel_loop3A_256 : i32 to index
        %parallel_loop3A_764 = arith.constant 32 : index
        %parallel_loop3A_765 = tpu.vector_load %arg11[%parallel_loop3A_762, %parallel_loop3A_763, %parallel_loop3A_764] {strides = array<i32>} : memref<2x80x128xf32, #tpu.memory_space<vmem>>, vector<1x1x16xf32>,
        %parallel_loop3A_766 = vector.shape_cast %parallel_loop3A_765 : vector<1x1x16xf32> to vector<16xf32>
        %parallel_loop3A_767 = arith.subf %parallel_loop3A_363, %parallel_loop3A_600 : vector<16xf32>
        %parallel_loop3A_768 = arith.mulf %parallel_loop3A_688, %get3A_10 : vector<16xf32>
        %parallel_loop3A_769 = arith.mulf %parallel_loop3A_767, %parallel_loop3A_768 : vector<16xf32>
        %parallel_loop3A_770 = arith.addf %parallel_loop3A_769, %get3A_34 : vector<16xf32>
        %parallel_loop3A_771 = arith.mulf %parallel_loop3A_770, %parallel_loop3A_362 : vector<16xf32>
        %parallel_loop3A_772 = arith.mulf %parallel_loop3A_760, %parallel_loop3A_771 : vector<16xf32>
        %parallel_loop3A_773 = arith.constant 1 : i32
        %parallel_loop3A_774 = arith.index_cast %parallel_loop3A_773 : i32 to index
        %parallel_loop3A_775 = arith.index_cast %parallel_loop3A_256 : i32 to index
        %parallel_loop3A_776 = arith.constant 32 : index
        %parallel_loop3A_777 = tpu.vector_load %arg12[%parallel_loop3A_774, %parallel_loop3A_775, %parallel_loop3A_776] {strides = array<i32>} : memref<2x80x128xf32, #tpu.memory_space<vmem>>, vector<1x1x16xf32>,
        %parallel_loop3A_778 = vector.shape_cast %parallel_loop3A_777 : vector<1x1x16xf32> to vector<16xf32>
        %parallel_loop3A_779 = vector.shape_cast %parallel_loop3A_772 : vector<16xf32> to vector<1x1x16xf32>
        tpu.vector_store %arg12[%parallel_loop3A_774, %parallel_loop3A_775, %parallel_loop3A_776], %parallel_loop3A_779 {strides = array<i32>} : memref<2x80x128xf32, #tpu.memory_space<vmem>>, vector<1x1x16xf32>,
        %parallel_loop3A_780 = arith.mulf %parallel_loop3A_766, %parallel_loop3A_771 : vector<16xf32>
        %parallel_loop3A_781 = arith.constant 1 : i32
        %parallel_loop3A_782 = arith.index_cast %parallel_loop3A_781 : i32 to index
        %parallel_loop3A_783 = arith.index_cast %parallel_loop3A_256 : i32 to index
        %parallel_loop3A_784 = arith.constant 32 : index
        %parallel_loop3A_785 = tpu.vector_load %arg13[%parallel_loop3A_782, %parallel_loop3A_783, %parallel_loop3A_784] {strides = array<i32>} : memref<2x80x128xf32, #tpu.memory_space<vmem>>, vector<1x1x16xf32>,
        %parallel_loop3A_786 = vector.shape_cast %parallel_loop3A_785 : vector<1x1x16xf32> to vector<16xf32>
        %parallel_loop3A_787 = vector.shape_cast %parallel_loop3A_780 : vector<16xf32> to vector<1x1x16xf32>
        tpu.vector_store %arg13[%parallel_loop3A_782, %parallel_loop3A_783, %parallel_loop3A_784], %parallel_loop3A_787 {strides = array<i32>} : memref<2x80x128xf32, #tpu.memory_space<vmem>>, vector<1x1x16xf32>,
        %parallel_loop3A_788 = arith.constant 1 : i32
        %parallel_loop3A_789 = arith.index_cast %parallel_loop3A_788 : i32 to index
        %parallel_loop3A_790 = arith.index_cast %parallel_loop3A_256 : i32 to index
        %parallel_loop3A_791 = arith.constant 48 : index
        %parallel_loop3A_792 = tpu.vector_load %arg10[%parallel_loop3A_789, %parallel_loop3A_790, %parallel_loop3A_791] {strides = array<i32>} : memref<2x80x128xf32, #tpu.memory_space<vmem>>, vector<1x1x16xf32>,
        %parallel_loop3A_793 = vector.shape_cast %parallel_loop3A_792 : vector<1x1x16xf32> to vector<16xf32>
        %parallel_loop3A_794 = arith.constant 1 : i32
        %parallel_loop3A_795 = arith.index_cast %parallel_loop3A_794 : i32 to index
        %parallel_loop3A_796 = arith.index_cast %parallel_loop3A_256 : i32 to index
        %parallel_loop3A_797 = arith.constant 48 : index
        %parallel_loop3A_798 = tpu.vector_load %arg11[%parallel_loop3A_795, %parallel_loop3A_796, %parallel_loop3A_797] {strides = array<i32>} : memref<2x80x128xf32, #tpu.memory_space<vmem>>, vector<1x1x16xf32>,
        %parallel_loop3A_799 = vector.shape_cast %parallel_loop3A_798 : vector<1x1x16xf32> to vector<16xf32>
        %parallel_loop3A_800 = arith.subf %parallel_loop3A_398, %parallel_loop3A_600 : vector<16xf32>
        %parallel_loop3A_801 = arith.mulf %parallel_loop3A_688, %get3A_13 : vector<16xf32>
        %parallel_loop3A_802 = arith.mulf %parallel_loop3A_800, %parallel_loop3A_801 : vector<16xf32>
        %parallel_loop3A_803 = arith.addf %parallel_loop3A_802, %get3A_37 : vector<16xf32>
        %parallel_loop3A_804 = arith.mulf %parallel_loop3A_803, %parallel_loop3A_397 : vector<16xf32>
        %parallel_loop3A_805 = arith.mulf %parallel_loop3A_793, %parallel_loop3A_804 : vector<16xf32>
        %parallel_loop3A_806 = arith.constant 1 : i32
        %parallel_loop3A_807 = arith.index_cast %parallel_loop3A_806 : i32 to index
        %parallel_loop3A_808 = arith.index_cast %parallel_loop3A_256 : i32 to index
        %parallel_loop3A_809 = arith.constant 48 : index
        %parallel_loop3A_810 = tpu.vector_load %arg12[%parallel_loop3A_807, %parallel_loop3A_808, %parallel_loop3A_809] {strides = array<i32>} : memref<2x80x128xf32, #tpu.memory_space<vmem>>, vector<1x1x16xf32>,
        %parallel_loop3A_811 = vector.shape_cast %parallel_loop3A_810 : vector<1x1x16xf32> to vector<16xf32>
        %parallel_loop3A_812 = vector.shape_cast %parallel_loop3A_805 : vector<16xf32> to vector<1x1x16xf32>
        tpu.vector_store %arg12[%parallel_loop3A_807, %parallel_loop3A_808, %parallel_loop3A_809], %parallel_loop3A_812 {strides = array<i32>} : memref<2x80x128xf32, #tpu.memory_space<vmem>>, vector<1x1x16xf32>,
        %parallel_loop3A_813 = arith.mulf %parallel_loop3A_799, %parallel_loop3A_804 : vector<16xf32>
        %parallel_loop3A_814 = arith.constant 1 : i32
        %parallel_loop3A_815 = arith.index_cast %parallel_loop3A_814 : i32 to index
        %parallel_loop3A_816 = arith.index_cast %parallel_loop3A_256 : i32 to index
        %parallel_loop3A_817 = arith.constant 48 : index
        %parallel_loop3A_818 = tpu.vector_load %arg13[%parallel_loop3A_815, %parallel_loop3A_816, %parallel_loop3A_817] {strides = array<i32>} : memref<2x80x128xf32, #tpu.memory_space<vmem>>, vector<1x1x16xf32>,
        %parallel_loop3A_819 = vector.shape_cast %parallel_loop3A_818 : vector<1x1x16xf32> to vector<16xf32>
        %parallel_loop3A_820 = vector.shape_cast %parallel_loop3A_813 : vector<16xf32> to vector<1x1x16xf32>
        tpu.vector_store %arg13[%parallel_loop3A_815, %parallel_loop3A_816, %parallel_loop3A_817], %parallel_loop3A_820 {strides = array<i32>} : memref<2x80x128xf32, #tpu.memory_space<vmem>>, vector<1x1x16xf32>,
        %parallel_loop3A_821 = arith.constant 1 : i32
        %parallel_loop3A_822 = arith.index_cast %parallel_loop3A_821 : i32 to index
        %parallel_loop3A_823 = arith.index_cast %parallel_loop3A_256 : i32 to index
        %parallel_loop3A_824 = arith.constant 64 : index
        %parallel_loop3A_825 = tpu.vector_load %arg10[%parallel_loop3A_822, %parallel_loop3A_823, %parallel_loop3A_824] {strides = array<i32>} : memref<2x80x128xf32, #tpu.memory_space<vmem>>, vector<1x1x16xf32>,
        %parallel_loop3A_826 = vector.shape_cast %parallel_loop3A_825 : vector<1x1x16xf32> to vector<16xf32>
        %parallel_loop3A_827 = arith.constant 1 : i32
        %parallel_loop3A_828 = arith.index_cast %parallel_loop3A_827 : i32 to index
        %parallel_loop3A_829 = arith.index_cast %parallel_loop3A_256 : i32 to index
        %parallel_loop3A_830 = arith.constant 64 : index
        %parallel_loop3A_831 = tpu.vector_load %arg11[%parallel_loop3A_828, %parallel_loop3A_829, %parallel_loop3A_830] {strides = array<i32>} : memref<2x80x128xf32, #tpu.memory_space<vmem>>, vector<1x1x16xf32>,
        %parallel_loop3A_832 = vector.shape_cast %parallel_loop3A_831 : vector<1x1x16xf32> to vector<16xf32>
        %parallel_loop3A_833 = arith.subf %parallel_loop3A_433, %parallel_loop3A_600 : vector<16xf32>
        %parallel_loop3A_834 = arith.mulf %parallel_loop3A_688, %get3A_16 : vector<16xf32>
        %parallel_loop3A_835 = arith.mulf %parallel_loop3A_833, %parallel_loop3A_834 : vector<16xf32>
        %parallel_loop3A_836 = arith.addf %parallel_loop3A_835, %get3A_40 : vector<16xf32>
        %parallel_loop3A_837 = arith.mulf %parallel_loop3A_836, %parallel_loop3A_432 : vector<16xf32>
        %parallel_loop3A_838 = arith.mulf %parallel_loop3A_826, %parallel_loop3A_837 : vector<16xf32>
        %parallel_loop3A_839 = arith.constant 1 : i32
        %parallel_loop3A_840 = arith.index_cast %parallel_loop3A_839 : i32 to index
        %parallel_loop3A_841 = arith.index_cast %parallel_loop3A_256 : i32 to index
        %parallel_loop3A_842 = arith.constant 64 : index
        %parallel_loop3A_843 = tpu.vector_load %arg12[%parallel_loop3A_840, %parallel_loop3A_841, %parallel_loop3A_842] {strides = array<i32>} : memref<2x80x128xf32, #tpu.memory_space<vmem>>, vector<1x1x16xf32>,
        %parallel_loop3A_844 = vector.shape_cast %parallel_loop3A_843 : vector<1x1x16xf32> to vector<16xf32>
        %parallel_loop3A_845 = vector.shape_cast %parallel_loop3A_838 : vector<16xf32> to vector<1x1x16xf32>
        tpu.vector_store %arg12[%parallel_loop3A_840, %parallel_loop3A_841, %parallel_loop3A_842], %parallel_loop3A_845 {strides = array<i32>} : memref<2x80x128xf32, #tpu.memory_space<vmem>>, vector<1x1x16xf32>,
        %parallel_loop3A_846 = arith.mulf %parallel_loop3A_832, %parallel_loop3A_837 : vector<16xf32>
        %parallel_loop3A_847 = arith.constant 1 : i32
        %parallel_loop3A_848 = arith.index_cast %parallel_loop3A_847 : i32 to index
        %parallel_loop3A_849 = arith.index_cast %parallel_loop3A_256 : i32 to index
        %parallel_loop3A_850 = arith.constant 64 : index
        %parallel_loop3A_851 = tpu.vector_load %arg13[%parallel_loop3A_848, %parallel_loop3A_849, %parallel_loop3A_850] {strides = array<i32>} : memref<2x80x128xf32, #tpu.memory_space<vmem>>, vector<1x1x16xf32>,
        %parallel_loop3A_852 = vector.shape_cast %parallel_loop3A_851 : vector<1x1x16xf32> to vector<16xf32>
        %parallel_loop3A_853 = vector.shape_cast %parallel_loop3A_846 : vector<16xf32> to vector<1x1x16xf32>
        tpu.vector_store %arg13[%parallel_loop3A_848, %parallel_loop3A_849, %parallel_loop3A_850], %parallel_loop3A_853 {strides = array<i32>} : memref<2x80x128xf32, #tpu.memory_space<vmem>>, vector<1x1x16xf32>,
        %parallel_loop3A_854 = arith.constant 1 : i32
        %parallel_loop3A_855 = arith.index_cast %parallel_loop3A_854 : i32 to index
        %parallel_loop3A_856 = arith.index_cast %parallel_loop3A_256 : i32 to index
        %parallel_loop3A_857 = arith.constant 80 : index
        %parallel_loop3A_858 = tpu.vector_load %arg10[%parallel_loop3A_855, %parallel_loop3A_856, %parallel_loop3A_857] {strides = array<i32>} : memref<2x80x128xf32, #tpu.memory_space<vmem>>, vector<1x1x16xf32>,
        %parallel_loop3A_859 = vector.shape_cast %parallel_loop3A_858 : vector<1x1x16xf32> to vector<16xf32>
        %parallel_loop3A_860 = arith.constant 1 : i32
        %parallel_loop3A_861 = arith.index_cast %parallel_loop3A_860 : i32 to index
        %parallel_loop3A_862 = arith.index_cast %parallel_loop3A_256 : i32 to index
        %parallel_loop3A_863 = arith.constant 80 : index
        %parallel_loop3A_864 = tpu.vector_load %arg11[%parallel_loop3A_861, %parallel_loop3A_862, %parallel_loop3A_863] {strides = array<i32>} : memref<2x80x128xf32, #tpu.memory_space<vmem>>, vector<1x1x16xf32>,
        %parallel_loop3A_865 = vector.shape_cast %parallel_loop3A_864 : vector<1x1x16xf32> to vector<16xf32>
        %parallel_loop3A_866 = arith.subf %parallel_loop3A_468, %parallel_loop3A_600 : vector<16xf32>
        %parallel_loop3A_867 = arith.mulf %parallel_loop3A_688, %get3A_19 : vector<16xf32>
        %parallel_loop3A_868 = arith.mulf %parallel_loop3A_866, %parallel_loop3A_867 : vector<16xf32>
        %parallel_loop3A_869 = arith.addf %parallel_loop3A_868, %get3A_43 : vector<16xf32>
        %parallel_loop3A_870 = arith.mulf %parallel_loop3A_869, %parallel_loop3A_467 : vector<16xf32>
        %parallel_loop3A_871 = arith.mulf %parallel_loop3A_859, %parallel_loop3A_870 : vector<16xf32>
        %parallel_loop3A_872 = arith.constant 1 : i32
        %parallel_loop3A_873 = arith.index_cast %parallel_loop3A_872 : i32 to index
        %parallel_loop3A_874 = arith.index_cast %parallel_loop3A_256 : i32 to index
        %parallel_loop3A_875 = arith.constant 80 : index
        %parallel_loop3A_876 = tpu.vector_load %arg12[%parallel_loop3A_873, %parallel_loop3A_874, %parallel_loop3A_875] {strides = array<i32>} : memref<2x80x128xf32, #tpu.memory_space<vmem>>, vector<1x1x16xf32>,
        %parallel_loop3A_877 = vector.shape_cast %parallel_loop3A_876 : vector<1x1x16xf32> to vector<16xf32>
        %parallel_loop3A_878 = vector.shape_cast %parallel_loop3A_871 : vector<16xf32> to vector<1x1x16xf32>
        tpu.vector_store %arg12[%parallel_loop3A_873, %parallel_loop3A_874, %parallel_loop3A_875], %parallel_loop3A_878 {strides = array<i32>} : memref<2x80x128xf32, #tpu.memory_space<vmem>>, vector<1x1x16xf32>,
        %parallel_loop3A_879 = arith.mulf %parallel_loop3A_865, %parallel_loop3A_870 : vector<16xf32>
        %parallel_loop3A_880 = arith.constant 1 : i32
        %parallel_loop3A_881 = arith.index_cast %parallel_loop3A_880 : i32 to index
        %parallel_loop3A_882 = arith.index_cast %parallel_loop3A_256 : i32 to index
        %parallel_loop3A_883 = arith.constant 80 : index
        %parallel_loop3A_884 = tpu.vector_load %arg13[%parallel_loop3A_881, %parallel_loop3A_882, %parallel_loop3A_883] {strides = array<i32>} : memref<2x80x128xf32, #tpu.memory_space<vmem>>, vector<1x1x16xf32>,
        %parallel_loop3A_885 = vector.shape_cast %parallel_loop3A_884 : vector<1x1x16xf32> to vector<16xf32>
        %parallel_loop3A_886 = vector.shape_cast %parallel_loop3A_879 : vector<16xf32> to vector<1x1x16xf32>
        tpu.vector_store %arg13[%parallel_loop3A_881, %parallel_loop3A_882, %parallel_loop3A_883], %parallel_loop3A_886 {strides = array<i32>} : memref<2x80x128xf32, #tpu.memory_space<vmem>>, vector<1x1x16xf32>,
        %parallel_loop3A_887 = arith.constant 1 : i32
        %parallel_loop3A_888 = arith.index_cast %parallel_loop3A_887 : i32 to index
        %parallel_loop3A_889 = arith.index_cast %parallel_loop3A_256 : i32 to index
        %parallel_loop3A_890 = arith.constant 96 : index
        %parallel_loop3A_891 = tpu.vector_load %arg10[%parallel_loop3A_888, %parallel_loop3A_889, %parallel_loop3A_890] {strides = array<i32>} : memref<2x80x128xf32, #tpu.memory_space<vmem>>, vector<1x1x16xf32>,
        %parallel_loop3A_892 = vector.shape_cast %parallel_loop3A_891 : vector<1x1x16xf32> to vector<16xf32>
        %parallel_loop3A_893 = arith.constant 1 : i32
        %parallel_loop3A_894 = arith.index_cast %parallel_loop3A_893 : i32 to index
        %parallel_loop3A_895 = arith.index_cast %parallel_loop3A_256 : i32 to index
        %parallel_loop3A_896 = arith.constant 96 : index
        %parallel_loop3A_897 = tpu.vector_load %arg11[%parallel_loop3A_894, %parallel_loop3A_895, %parallel_loop3A_896] {strides = array<i32>} : memref<2x80x128xf32, #tpu.memory_space<vmem>>, vector<1x1x16xf32>,
        %parallel_loop3A_898 = vector.shape_cast %parallel_loop3A_897 : vector<1x1x16xf32> to vector<16xf32>
        %parallel_loop3A_899 = arith.subf %parallel_loop3A_503, %parallel_loop3A_600 : vector<16xf32>
        %parallel_loop3A_900 = arith.mulf %parallel_loop3A_688, %get3A_22 : vector<16xf32>
        %parallel_loop3A_901 = arith.mulf %parallel_loop3A_899, %parallel_loop3A_900 : vector<16xf32>
        %parallel_loop3A_902 = arith.addf %parallel_loop3A_901, %get3A_46 : vector<16xf32>
        %parallel_loop3A_903 = arith.mulf %parallel_loop3A_902, %parallel_loop3A_502 : vector<16xf32>
        %parallel_loop3A_904 = arith.mulf %parallel_loop3A_892, %parallel_loop3A_903 : vector<16xf32>
        %parallel_loop3A_905 = arith.constant 1 : i32
        %parallel_loop3A_906 = arith.index_cast %parallel_loop3A_905 : i32 to index
        %parallel_loop3A_907 = arith.index_cast %parallel_loop3A_256 : i32 to index
        %parallel_loop3A_908 = arith.constant 96 : index
        %parallel_loop3A_909 = tpu.vector_load %arg12[%parallel_loop3A_906, %parallel_loop3A_907, %parallel_loop3A_908] {strides = array<i32>} : memref<2x80x128xf32, #tpu.memory_space<vmem>>, vector<1x1x16xf32>,
        %parallel_loop3A_910 = vector.shape_cast %parallel_loop3A_909 : vector<1x1x16xf32> to vector<16xf32>
        %parallel_loop3A_911 = vector.shape_cast %parallel_loop3A_904 : vector<16xf32> to vector<1x1x16xf32>
        tpu.vector_store %arg12[%parallel_loop3A_906, %parallel_loop3A_907, %parallel_loop3A_908], %parallel_loop3A_911 {strides = array<i32>} : memref<2x80x128xf32, #tpu.memory_space<vmem>>, vector<1x1x16xf32>,
        %parallel_loop3A_912 = arith.mulf %parallel_loop3A_898, %parallel_loop3A_903 : vector<16xf32>
        %parallel_loop3A_913 = arith.constant 1 : i32
        %parallel_loop3A_914 = arith.index_cast %parallel_loop3A_913 : i32 to index
        %parallel_loop3A_915 = arith.index_cast %parallel_loop3A_256 : i32 to index
        %parallel_loop3A_916 = arith.constant 96 : index
        %parallel_loop3A_917 = tpu.vector_load %arg13[%parallel_loop3A_914, %parallel_loop3A_915, %parallel_loop3A_916] {strides = array<i32>} : memref<2x80x128xf32, #tpu.memory_space<vmem>>, vector<1x1x16xf32>,
        %parallel_loop3A_918 = vector.shape_cast %parallel_loop3A_917 : vector<1x1x16xf32> to vector<16xf32>
        %parallel_loop3A_919 = vector.shape_cast %parallel_loop3A_912 : vector<16xf32> to vector<1x1x16xf32>
        tpu.vector_store %arg13[%parallel_loop3A_914, %parallel_loop3A_915, %parallel_loop3A_916], %parallel_loop3A_919 {strides = array<i32>} : memref<2x80x128xf32, #tpu.memory_space<vmem>>, vector<1x1x16xf32>,
        %parallel_loop3A_920 = arith.constant 1 : i32
        %parallel_loop3A_921 = arith.index_cast %parallel_loop3A_920 : i32 to index
        %parallel_loop3A_922 = arith.index_cast %parallel_loop3A_256 : i32 to index
        %parallel_loop3A_923 = arith.constant 112 : index
        %parallel_loop3A_924 = tpu.vector_load %arg10[%parallel_loop3A_921, %parallel_loop3A_922, %parallel_loop3A_923] {strides = array<i32>} : memref<2x80x128xf32, #tpu.memory_space<vmem>>, vector<1x1x16xf32>,
        %parallel_loop3A_925 = vector.shape_cast %parallel_loop3A_924 : vector<1x1x16xf32> to vector<16xf32>
        %parallel_loop3A_926 = arith.constant 1 : i32
        %parallel_loop3A_927 = arith.index_cast %parallel_loop3A_926 : i32 to index
        %parallel_loop3A_928 = arith.index_cast %parallel_loop3A_256 : i32 to index
        %parallel_loop3A_929 = arith.constant 112 : index
        %parallel_loop3A_930 = tpu.vector_load %arg11[%parallel_loop3A_927, %parallel_loop3A_928, %parallel_loop3A_929] {strides = array<i32>} : memref<2x80x128xf32, #tpu.memory_space<vmem>>, vector<1x1x16xf32>,
        %parallel_loop3A_931 = vector.shape_cast %parallel_loop3A_930 : vector<1x1x16xf32> to vector<16xf32>
        %parallel_loop3A_932 = arith.subf %parallel_loop3A_538, %parallel_loop3A_600 : vector<16xf32>
        %parallel_loop3A_933 = arith.mulf %parallel_loop3A_688, %get3A_25 : vector<16xf32>
        %parallel_loop3A_934 = arith.mulf %parallel_loop3A_932, %parallel_loop3A_933 : vector<16xf32>
        %parallel_loop3A_935 = arith.addf %parallel_loop3A_934, %get3A_49 : vector<16xf32>
        %parallel_loop3A_936 = arith.mulf %parallel_loop3A_935, %parallel_loop3A_537 : vector<16xf32>
        %parallel_loop3A_937 = arith.mulf %parallel_loop3A_925, %parallel_loop3A_936 : vector<16xf32>
        %parallel_loop3A_938 = arith.constant 1 : i32
        %parallel_loop3A_939 = arith.index_cast %parallel_loop3A_938 : i32 to index
        %parallel_loop3A_940 = arith.index_cast %parallel_loop3A_256 : i32 to index
        %parallel_loop3A_941 = arith.constant 112 : index
        %parallel_loop3A_942 = tpu.vector_load %arg12[%parallel_loop3A_939, %parallel_loop3A_940, %parallel_loop3A_941] {strides = array<i32>} : memref<2x80x128xf32, #tpu.memory_space<vmem>>, vector<1x1x16xf32>,
        %parallel_loop3A_943 = vector.shape_cast %parallel_loop3A_942 : vector<1x1x16xf32> to vector<16xf32>
        %parallel_loop3A_944 = vector.shape_cast %parallel_loop3A_937 : vector<16xf32> to vector<1x1x16xf32>
        tpu.vector_store %arg12[%parallel_loop3A_939, %parallel_loop3A_940, %parallel_loop3A_941], %parallel_loop3A_944 {strides = array<i32>} : memref<2x80x128xf32, #tpu.memory_space<vmem>>, vector<1x1x16xf32>,
        %parallel_loop3A_945 = arith.mulf %parallel_loop3A_931, %parallel_loop3A_936 : vector<16xf32>
        %parallel_loop3A_946 = arith.constant 1 : i32
        %parallel_loop3A_947 = arith.index_cast %parallel_loop3A_946 : i32 to index
        %parallel_loop3A_948 = arith.index_cast %parallel_loop3A_256 : i32 to index
        %parallel_loop3A_949 = arith.constant 112 : index
        %parallel_loop3A_950 = tpu.vector_load %arg13[%parallel_loop3A_947, %parallel_loop3A_948, %parallel_loop3A_949] {strides = array<i32>} : memref<2x80x128xf32, #tpu.memory_space<vmem>>, vector<1x1x16xf32>,
        %parallel_loop3A_951 = vector.shape_cast %parallel_loop3A_950 : vector<1x1x16xf32> to vector<16xf32>
        %parallel_loop3A_952 = vector.shape_cast %parallel_loop3A_945 : vector<16xf32> to vector<1x1x16xf32>
        tpu.vector_store %arg13[%parallel_loop3A_947, %parallel_loop3A_948, %parallel_loop3A_949], %parallel_loop3A_952 {strides = array<i32>} : memref<2x80x128xf32, #tpu.memory_space<vmem>>, vector<1x1x16xf32>,
      } {sc.loop_unroll_factor = 1 : i64, sc.parallel_access}
      %mul3A_175 = arith.constant 80 : i32
      %mul3A_176 = arith.muli %add3A_153, %mul3A_175 : i32
      %add3A_177 = arith.addi %mul3A_2, %mul3A_176 : i32
      %dma_start3A_178 = arith.constant 1 : i32
      %dma_start3A_179 = arith.constant 0 : i32
      %dma_start3A_180 = arith.constant 0 : i32
      %dma_start3A_181 = tpu.memref_slice %arg12[%dma_start3A_178, %dma_start3A_179, %dma_start3A_180] : memref<2x80x128xf32, #tpu.memory_space<vmem>> -> memref<1x80x128xf32, #tpu.memory_space<vmem>>
      %dma_start3A_182 = tpu.memref_squeeze %dma_start3A_181 : memref<1x80x128xf32, #tpu.memory_space<vmem>> -> memref<80x128xf32, #tpu.memory_space<vmem>>
      %dma_start3A_183 = arith.constant 0 : i32
      %dma_start3A_184 = tpu.memref_slice %arg7[%add3A_177, %dma_start3A_183] : memref<204800x128xf32, #tpu.memory_space<hbm>> -> memref<80x128xf32, #tpu.memory_space<hbm>>
      %dma_start3A_185 = arith.constant 0 : i32
      %dma_start3A_186 = tpu.memref_slice %arg7[%add3A_177, %dma_start3A_185] : memref<204800x128xf32, #tpu.memory_space<hbm>> -> memref<80x128xf32, #tpu.memory_space<hbm>>
      %dma_start3A_187 = arith.constant 0 : i32
      %dma_start3A_188 = arith.constant 0 : i32
      %dma_start3A_189 = tpu.memref_slice %arg12[%dma_start3A_178, %dma_start3A_187, %dma_start3A_188] : memref<2x80x128xf32, #tpu.memory_space<vmem>> -> memref<1x80x128xf32, #tpu.memory_space<vmem>>
      %dma_start3A_190 = tpu.memref_squeeze %dma_start3A_189 : memref<1x80x128xf32, #tpu.memory_space<vmem>> -> memref<80x128xf32, #tpu.memory_space<vmem>>
      tpu.enqueue_dma source(%dma_start3A_190 : memref<80x128xf32, #tpu.memory_space<vmem>>) target(%dma_start3A_186 : memref<80x128xf32, #tpu.memory_space<hbm>>) target_semaphore(%arg20 : memref<!tpu.dma_semaphore, #tpu.memory_space<semaphore_mem>>)
      %dma_start3A_191 = arith.constant 1 : i32
      %dma_start3A_192 = arith.constant 0 : i32
      %dma_start3A_193 = arith.constant 0 : i32
      %dma_start3A_194 = tpu.memref_slice %arg13[%dma_start3A_191, %dma_start3A_192, %dma_start3A_193] : memref<2x80x128xf32, #tpu.memory_space<vmem>> -> memref<1x80x128xf32, #tpu.memory_space<vmem>>
      %dma_start3A_195 = tpu.memref_squeeze %dma_start3A_194 : memref<1x80x128xf32, #tpu.memory_space<vmem>> -> memref<80x128xf32, #tpu.memory_space<vmem>>
      %dma_start3A_196 = arith.constant 0 : i32
      %dma_start3A_197 = tpu.memref_slice %arg8[%add3A_177, %dma_start3A_196] : memref<204800x128xf32, #tpu.memory_space<hbm>> -> memref<80x128xf32, #tpu.memory_space<hbm>>
      %dma_start3A_198 = arith.constant 0 : i32
      %dma_start3A_199 = tpu.memref_slice %arg8[%add3A_177, %dma_start3A_198] : memref<204800x128xf32, #tpu.memory_space<hbm>> -> memref<80x128xf32, #tpu.memory_space<hbm>>
      %dma_start3A_200 = arith.constant 0 : i32
      %dma_start3A_201 = arith.constant 0 : i32
      %dma_start3A_202 = tpu.memref_slice %arg13[%dma_start3A_191, %dma_start3A_200, %dma_start3A_201] : memref<2x80x128xf32, #tpu.memory_space<vmem>> -> memref<1x80x128xf32, #tpu.memory_space<vmem>>
      %dma_start3A_203 = tpu.memref_squeeze %dma_start3A_202 : memref<1x80x128xf32, #tpu.memory_space<vmem>> -> memref<80x128xf32, #tpu.memory_space<vmem>>
      tpu.enqueue_dma source(%dma_start3A_203 : memref<80x128xf32, #tpu.memory_space<vmem>>) target(%dma_start3A_199 : memref<80x128xf32, #tpu.memory_space<hbm>>) target_semaphore(%arg20 : memref<!tpu.dma_semaphore, #tpu.memory_space<semaphore_mem>>)
      %dma_wait3A_204 = arith.constant 0 : i32
      %dma_wait3A_205 = arith.constant 0 : i32
      %dma_wait3A_206 = arith.constant 0 : i32
      %dma_wait3A_207 = tpu.memref_slice %arg12[%dma_wait3A_204, %dma_wait3A_205, %dma_wait3A_206] : memref<2x80x128xf32, #tpu.memory_space<vmem>> -> memref<1x80x128xf32, #tpu.memory_space<vmem>>
      %dma_wait3A_208 = tpu.memref_squeeze %dma_wait3A_207 : memref<1x80x128xf32, #tpu.memory_space<vmem>> -> memref<80x128xf32, #tpu.memory_space<vmem>>
      %dma_wait3A_209 = arith.constant 0 : i32
      %dma_wait3A_210 = tpu.memref_slice %arg7[%add3A_121, %dma_wait3A_209] : memref<204800x128xf32, #tpu.memory_space<hbm>> -> memref<80x128xf32, #tpu.memory_space<hbm>>
      %dma_wait3A_211 = arith.constant 0 : i32
      %dma_wait3A_212 = tpu.memref_slice %arg7[%add3A_121, %dma_wait3A_211] : memref<204800x128xf32, #tpu.memory_space<hbm>> -> memref<80x128xf32, #tpu.memory_space<hbm>>
      %dma_wait3A_213 = arith.constant 0 : i32
      %dma_wait3A_214 = arith.constant 0 : i32
      %dma_wait3A_215 = tpu.memref_slice %arg12[%dma_wait3A_204, %dma_wait3A_213, %dma_wait3A_214] : memref<2x80x128xf32, #tpu.memory_space<vmem>> -> memref<1x80x128xf32, #tpu.memory_space<vmem>>
      %dma_wait3A_216 = tpu.memref_squeeze %dma_wait3A_215 : memref<1x80x128xf32, #tpu.memory_space<vmem>> -> memref<80x128xf32, #tpu.memory_space<vmem>>
      tpu.wait_dma2 semaphore(%arg20 : memref<!tpu.dma_semaphore, #tpu.memory_space<semaphore_mem>>) src(%dma_wait3A_216 : memref<80x128xf32, #tpu.memory_space<vmem>>) dst(%dma_wait3A_212 : memref<80x128xf32, #tpu.memory_space<hbm>>)
      %dma_wait3A_217 = arith.constant 0 : i32
      %dma_wait3A_218 = arith.constant 0 : i32
      %dma_wait3A_219 = arith.constant 0 : i32
      %dma_wait3A_220 = tpu.memref_slice %arg13[%dma_wait3A_217, %dma_wait3A_218, %dma_wait3A_219] : memref<2x80x128xf32, #tpu.memory_space<vmem>> -> memref<1x80x128xf32, #tpu.memory_space<vmem>>
      %dma_wait3A_221 = tpu.memref_squeeze %dma_wait3A_220 : memref<1x80x128xf32, #tpu.memory_space<vmem>> -> memref<80x128xf32, #tpu.memory_space<vmem>>
      %dma_wait3A_222 = arith.constant 0 : i32
      %dma_wait3A_223 = tpu.memref_slice %arg8[%add3A_121, %dma_wait3A_222] : memref<204800x128xf32, #tpu.memory_space<hbm>> -> memref<80x128xf32, #tpu.memory_space<hbm>>
      %dma_wait3A_224 = arith.constant 0 : i32
      %dma_wait3A_225 = tpu.memref_slice %arg8[%add3A_121, %dma_wait3A_224] : memref<204800x128xf32, #tpu.memory_space<hbm>> -> memref<80x128xf32, #tpu.memory_space<hbm>>
      %dma_wait3A_226 = arith.constant 0 : i32
      %dma_wait3A_227 = arith.constant 0 : i32
      %dma_wait3A_228 = tpu.memref_slice %arg13[%dma_wait3A_217, %dma_wait3A_226, %dma_wait3A_227] : memref<2x80x128xf32, #tpu.memory_space<vmem>> -> memref<1x80x128xf32, #tpu.memory_space<vmem>>
      %dma_wait3A_229 = tpu.memref_squeeze %dma_wait3A_228 : memref<1x80x128xf32, #tpu.memory_space<vmem>> -> memref<80x128xf32, #tpu.memory_space<vmem>>
      tpu.wait_dma2 semaphore(%arg20 : memref<!tpu.dma_semaphore, #tpu.memory_space<semaphore_mem>>) src(%dma_wait3A_229 : memref<80x128xf32, #tpu.memory_space<vmem>>) dst(%dma_wait3A_225 : memref<80x128xf32, #tpu.memory_space<hbm>>)
      %dma_wait3A_230 = arith.constant 1 : i32
      %dma_wait3A_231 = arith.constant 0 : i32
      %dma_wait3A_232 = arith.constant 0 : i32
      %dma_wait3A_233 = tpu.memref_slice %arg12[%dma_wait3A_230, %dma_wait3A_231, %dma_wait3A_232] : memref<2x80x128xf32, #tpu.memory_space<vmem>> -> memref<1x80x128xf32, #tpu.memory_space<vmem>>
      %dma_wait3A_234 = tpu.memref_squeeze %dma_wait3A_233 : memref<1x80x128xf32, #tpu.memory_space<vmem>> -> memref<80x128xf32, #tpu.memory_space<vmem>>
      %dma_wait3A_235 = arith.constant 0 : i32
      %dma_wait3A_236 = tpu.memref_slice %arg7[%add3A_177, %dma_wait3A_235] : memref<204800x128xf32, #tpu.memory_space<hbm>> -> memref<80x128xf32, #tpu.memory_space<hbm>>
      %dma_wait3A_237 = arith.constant 0 : i32
      %dma_wait3A_238 = tpu.memref_slice %arg7[%add3A_177, %dma_wait3A_237] : memref<204800x128xf32, #tpu.memory_space<hbm>> -> memref<80x128xf32, #tpu.memory_space<hbm>>
      %dma_wait3A_239 = arith.constant 0 : i32
      %dma_wait3A_240 = arith.constant 0 : i32
      %dma_wait3A_241 = tpu.memref_slice %arg12[%dma_wait3A_230, %dma_wait3A_239, %dma_wait3A_240] : memref<2x80x128xf32, #tpu.memory_space<vmem>> -> memref<1x80x128xf32, #tpu.memory_space<vmem>>
      %dma_wait3A_242 = tpu.memref_squeeze %dma_wait3A_241 : memref<1x80x128xf32, #tpu.memory_space<vmem>> -> memref<80x128xf32, #tpu.memory_space<vmem>>
      tpu.wait_dma2 semaphore(%arg20 : memref<!tpu.dma_semaphore, #tpu.memory_space<semaphore_mem>>) src(%dma_wait3A_242 : memref<80x128xf32, #tpu.memory_space<vmem>>) dst(%dma_wait3A_238 : memref<80x128xf32, #tpu.memory_space<hbm>>)
      %dma_wait3A_243 = arith.constant 1 : i32
      %dma_wait3A_244 = arith.constant 0 : i32
      %dma_wait3A_245 = arith.constant 0 : i32
      %dma_wait3A_246 = tpu.memref_slice %arg13[%dma_wait3A_243, %dma_wait3A_244, %dma_wait3A_245] : memref<2x80x128xf32, #tpu.memory_space<vmem>> -> memref<1x80x128xf32, #tpu.memory_space<vmem>>
      %dma_wait3A_247 = tpu.memref_squeeze %dma_wait3A_246 : memref<1x80x128xf32, #tpu.memory_space<vmem>> -> memref<80x128xf32, #tpu.memory_space<vmem>>
      %dma_wait3A_248 = arith.constant 0 : i32
      %dma_wait3A_249 = tpu.memref_slice %arg8[%add3A_177, %dma_wait3A_248] : memref<204800x128xf32, #tpu.memory_space<hbm>> -> memref<80x128xf32, #tpu.memory_space<hbm>>
      %dma_wait3A_250 = arith.constant 0 : i32
      %dma_wait3A_251 = tpu.memref_slice %arg8[%add3A_177, %dma_wait3A_250] : memref<204800x128xf32, #tpu.memory_space<hbm>> -> memref<80x128xf32, #tpu.memory_space<hbm>>
      %dma_wait3A_252 = arith.constant 0 : i32
      %dma_wait3A_253 = arith.constant 0 : i32
      %dma_wait3A_254 = tpu.memref_slice %arg13[%dma_wait3A_243, %dma_wait3A_252, %dma_wait3A_253] : memref<2x80x128xf32, #tpu.memory_space<vmem>> -> memref<1x80x128xf32, #tpu.memory_space<vmem>>
      %dma_wait3A_255 = tpu.memref_squeeze %dma_wait3A_254 : memref<1x80x128xf32, #tpu.memory_space<vmem>> -> memref<80x128xf32, #tpu.memory_space<vmem>>
      tpu.wait_dma2 semaphore(%arg20 : memref<!tpu.dma_semaphore, #tpu.memory_space<semaphore_mem>>) src(%dma_wait3A_255 : memref<80x128xf32, #tpu.memory_space<vmem>>) dst(%dma_wait3A_251 : memref<80x128xf32, #tpu.memory_space<hbm>>)
    }
    %scan3A_74 = arith.constant 40 : i32
    return
  }
}

</mosaic_0001>

<sc_bundles>
// kernel: kernel.3.cloned.1.call-start
scs
__scs_entry_jumppad:
0x0: {  	(pc) =	sbr.rel $0x88, $3  }
0x1: {  	(tag) =	ssettag $0x0;
	lr =	simm.s32 $0x1  }
0x2: {  	[smem:$0x3F9C] =	sst lr;
	_ =	strace $0xD0000000  }
0x3: {  	_ = 	snop  }
0x4: {  	_ = 	snop  }
0x5: {  	_ = 	snop  }
0x6: {  	_ = 	snop  }
0x7: {  	_ = 	snop  }
__scs_overlays_trampoline_lowered:
0x8: {  	[smem:$0x3FAB] =	sst s0  }
0x9: {  	[smem:$0x3FAC] =	sst s1  }
0xa: {  	[smem:$0x3FAD] =	sst s2  }
0xb: {  	[smem:$0x3FAE] =	sst s3  }
0xc: {  	[smem:$0x3FAF] =	sst s4  }
0xd: {  	[smem:$0x3FB0] =	sst s5  }
0xe: {  	[smem:$0x3FB1] =	sst s6  }
0xf: {  	[smem:$0x3FB2] =	sst s7  }
0x10: {  	[smem:$0x3FB3] =	sst s8  }
0x11: {  	[smem:$0x3FB4] =	sst s9;
	s0 =	simm.s32 @!p0 $0x0  }
0x12: {  	s1 =	sld [smem:$0x3F9A];
	s0 =	simm.s32 @p0 $0x1  }
0x13: {  	[smem:$0x3FB5] =	sst s0;
	s0 =	simm.s32 @!p1 $0x0  }
0x14: {  	s2 =	sld [smem:$0x3F99];
	s0 =	simm.s32 @p1 $0x1  }
0x15: {  	[smem:$0x3FB6] =	sst s0;
	s0 =	simm.s32 @!p2 $0x0  }
0x16: {  	s3 =	sld [smem:$0x3FDB];
	s0 =	simm.s32 @p2 $0x1  }
0x17: {  	s4 =	simm.s32 $0x1BF5;
	[smem:$0x3FB8] =	sst s0  }
0x18: {  	s0 =	sld [smem:$0x3F9B];
	_ =	swait.ge [sflag:s4], $0x0  }
0x19: {  	s7 =	sld [smem:$0x3F9C]  }
0x1a: {  	s8 =	sadd.s32 $0xFFFFE003, lr  }
0x1b: {  	s9 =	sadd.s32 $0xFFFFFEF7, lr;
	s5 =	simm.s32 $0xFFFFFFFF;
	p2 =	slt.u32 s8, $0xFFFFF086  }
0x1c: {  	p1 =	slt.u32 s9, $0xF7A;
	s5 =	simm.s32 @!p2 $0x0  }
0x1d: {  	s5 =	simm.s32 @p1 $0x1;
	p0 =	seq.s32 s7, s2  }
0x1e: {  	s7 =	smul.u32 @!p0 $0xF7A, s2;
	p2 =	seq.s32 @!p0 s5, $0x0  }
0x1f: {  	s9 =	smul.u32 $0xF7A, s1;
	s8 =	simm.s32 @!p0 $0x1BF5;
	p2 =	por !p2, p0  }
0x20: {  	[sflag:s8] =	ssyncset.s32 @!p0 $0xFFFFF086;
	s6 =	sadd.s32 @!p0 s3, s7;
	s7 =	simm.s32 @!p0 $0x108  }
0x21: {  	s3 =	sadd.s32 s3, s9;
	s6 =	sadd.s32 @!p0 $0x88, s6;
	s7 =	simm.s32 @p2 $0x1082  }
0x22: {  	[simem:s7], [sflag:s8] =	dma.local @!p0 [hbm:s6], $0xF7A  }
0x23: {  	s9 =	sor.u32 $0xD0000000, s2;
	s6 =	simm.s32 $0x108;
	_ =	swait.ge @!p0 [sflag:s8], $0x0  }
0x24: {  	s3 =	sadd.s32 $0x88, s3;
	s6 =	simm.s32 @!p1 $0x1082;
	[sflag:s4] =	ssyncset.s32 $0xFFFFF086  }
0x25: {  	[simem:s6], [sflag:s4] =	dma.local [hbm:s3], $0xF7A  }
0x26: {  	[smem:$0x3F9C] =	sst s1;
	(tag) =	ssettag s2;
	_ =	strace s9  }
0x27: {  	s1 =	sld [smem:$0x3FAC]  }
0x28: {  	s2 =	sld [smem:$0x3FAD]  }
0x29: {  	s4 =	sld [smem:$0x3FAF]  }
0x2a: {  	p0 =	seq.s32 s5, $0x0;
	s5 =	sld [smem:$0x3FB0]  }
0x2b: {  	s6 =	sld [smem:$0x3FB1]  }
0x2c: {  	s7 =	sld [smem:$0x3FB2]  }
0x2d: {  	s3 =	simm.s32 $0x108;
	s8 =	sld [smem:$0x3FB3]  }
0x2e: {  	s3 =	simm.s32 @!p0 $0x1082;
	s9 =	sld [smem:$0x3FB4]  }
0x2f: {  	lr =	sadd.s32 s0, s3;
	s0 =	sld [smem:$0x3FAB]  }
0x30: {  	s3 =	sld [smem:$0x3FAE]  }
0x31: {  	[smem:$0x3FB7] =	sst s10  }
0x32: {  	s10 =	sld [smem:$0x3FB5];
	_ =	sdelay $0x3  }
0x33: {  	p0 =	seq.s32 s10, $0x1;
	s10 =	sld [smem:$0x3FB7];
	_ =	sdelay $0x3  }
0x34: {  	[smem:$0x3FB7] =	sst s10  }
0x35: {  	s10 =	sld [smem:$0x3FB6];
	_ =	sdelay $0x3  }
0x36: {  	p1 =	seq.s32 s10, $0x1;
	s10 =	sld [smem:$0x3FB7];
	_ =	sdelay $0x3  }
0x37: {  	[smem:$0x3FB7] =	sst s10  }
0x38: {  	s10 =	sld [smem:$0x3FB8]  }
0x39: {  	_ = 	snop;
	(pc) =	sbr.ind lr, $3  }
0x3a: {  	_ = 	snop  }
0x3b: {  	_ = 	snop  }
0x3c: {  	p2 =	seq.s32 s10, $0x1;
	s10 =	sld [smem:$0x3FB7]  }
0x3d: {  	_ =	shalt  }
0x3e: {  	_ =	shalt  }
0x3f: {  	_ =	shalt  }
0x40: {  	_ =	shalt  }
0x41: {  	_ =	shalt  }
0x42: {  	_ =	shalt  }
0x43: {  	_ =	shalt  }
0x44: {  	_ =	shalt  }
0x45: {  	_ =	shalt  }
0x46: {  	_ =	shalt  }
0x47: {  	_ =	shalt  }
0x48: {  	_ =	shalt  }
0x49: {  	_ =	shalt  }
0x4a: {  	_ =	shalt  }
0x4b: {  	_ =	shalt  }
0x4c: {  	_ =	shalt  }
0x4d: {  	_ =	shalt  }
0x4e: {  	_ =	shalt  }
0x4f: {  	_ =	shalt  }
0x50: {  	_ =	shalt  }
0x51: {  	_ =	shalt  }
0x52: {  	_ =	shalt  }
0x53: {  	_ =	shalt  }
0x54: {  	_ =	shalt  }
0x55: {  	_ =	shalt  }
0x56: {  	_ =	shalt  }
0x57: {  	_ =	shalt  }
0x58: {  	_ =	shalt  }
0x59: {  	_ =	shalt  }
0x5a: {  	_ =	shalt  }
0x5b: {  	_ =	shalt  }
0x5c: {  	_ =	shalt  }
0x5d: {  	_ =	shalt  }
0x5e: {  	_ =	shalt  }
0x5f: {  	_ =	shalt  }
0x60: {  	_ =	shalt  }
0x61: {  	_ =	shalt  }
0x62: {  	_ =	shalt  }
0x63: {  	_ =	shalt  }
0x64: {  	_ =	shalt  }
0x65: {  	_ =	shalt  }
0x66: {  	_ =	shalt  }
0x67: {  	_ =	shalt  }
0x68: {  	_ =	shalt  }
0x69: {  	_ =	shalt  }
0x6a: {  	_ =	shalt  }
0x6b: {  	_ =	shalt  }
0x6c: {  	_ =	shalt  }
0x6d: {  	_ =	shalt  }
0x6e: {  	_ =	shalt  }
0x6f: {  	_ =	shalt  }
0x70: {  	_ =	shalt  }
0x71: {  	_ =	shalt  }
0x72: {  	_ =	shalt  }
0x73: {  	_ =	shalt  }
0x74: {  	_ =	shalt  }
0x75: {  	_ =	shalt  }
0x76: {  	_ =	shalt  }
0x77: {  	_ =	shalt  }
0x78: {  	_ =	shalt  }
0x79: {  	_ =	shalt  }
0x7a: {  	_ =	shalt  }
0x7b: {  	_ =	shalt  }
0x7c: {  	_ =	shalt  }
0x7d: {  	_ =	shalt  }
0x7e: {  	_ =	shalt  }
0x7f: {  	_ =	shalt  }
0x80: {  	_ =	shalt  }
0x81: {  	_ =	shalt  }
0x82: {  	_ =	shalt  }
0x83: {  	_ =	shalt  }
0x84: {  	_ =	shalt  }
0x85: {  	_ =	shalt  }
0x86: {  	_ =	shalt  }
0x87: {  	_ =	shalt  }
.Lfunc_end0:
.L_simem_size_0:
called_computation_lowered:
.L_overlay_start_0:
0x88: {  	s2 =	sld [smem:$0x3FD9]  }
0x89: {  	s3 =	sld [smem:$0x3FFE];
	_ =	sdelay $0x1  }
0x8a: {  	s1 =	srdreg.scid  }
0x8b: {  	s0 =	sand.u32 $0x1, s1  }
0x8c: {  	s17 =	sshll.u32 s0, $0xA;
	s2 =	sadd.s32 s3, s2  }
0x8d: {  	s2 =	sadd.s32 s2, s17  }
0x8e: {  	[smem:$0x3FC3] =	sst s2  }
0x8f: {  	_ = 	snop  }
0x90: {  	s2 =	sld [smem:$0x3FC8]  }
0x91: {  	s18 =	sld [smem:$0x3FC7]  }
0x92: {  	s4 =	sld [smem:$0x3FC6]  }
0x93: {  	s5 =	sld [smem:$0x3FC5]  }
0x94: {  	s6 =	sld [smem:$0x3FD0];
	(tm) =	ssettm $0x1  }
0x95: {  	s7 =	sld [smem:$0x3FFB];
	_ =	sdelay $0x3  }
0x96: {  	_ =	strace s7  }
0x97: {  	s7 =	sld [smem:$0x3FFC];
	_ =	sdelay $0x3  }
0x98: {  	_ =	strace s7  }
0x99: {  	s7 =	sld [smem:$0x3FFD];
	_ =	sdelay $0x3  }
0x9a: {  	_ =	strace s7  }
0x9b: {  	_ =	strace $0x8FFFFFFF  }
0x9c: {  	s19 =	sld [smem:$0x3FDB];
	_ =	sdelay $0x1  }
0x9d: {  	s8 =	simm.s32 $_scs_section_size  }
0x9e: {  	s9 =	simm.s32 $_size__tile_overlayer_lowered;
	s10 =	simm.s32 $_tile_overlayer_lowered  }
0x9f: {  	s22 =	simm.s32 $0x1BFF;
	s21 =	sshll.u32 s10, $0x1;
	s7 =	sadd.s32 s8, s19  }
0xa0: {  	s11 =	simm.s32 $0x0;
	s20 =	sshll.u32 s9, $0x1;
	s9 =	sadd.s32 s21, s7  }
0xa1: {  	[timem:s11], [sflag:s22] =	dma.local [hbm:s9], s20  }
0xa2: {  	_ =	swait.ge [sflag:s22], s20  }
0xa3: {  	s8 =	ssub.s32 $0x0, s20;
	[sflag:s22] =	ssyncset.done $0x0  }
0xa4: {  	[sflag:s22] =	ssyncadd.s32 s8;
	_ =	sdelay $0x1  }
0xa5: {  	s23 =	simm.s32 $0x1B8B  }
0xa6: {  	_ =	swait.ge [sflag:s23], $0x1  }
0xa7: {  	[sflag:s23] =	ssyncset.done $0x0  }
0xa8: {  	s25 =	simm.s32 $0x1B8E;
	s24 =	sld [smem:$0x3FFE];
	[sflag:s23] =	ssyncadd.s32 $0xFFFFFFFF  }
0xa9: {  	s26 =	simm.s32 $execute0_lowered;
	[smem:$0x3FD2] =	sst s25  }
0xaa: {  	s9 =	sshll.u32 s26, $0x1;
	_ =	strace $0x80000046;
	[dreg:$0x1] =	wrdreg $0xFFFFFFFF  }
0xab: {  	s28 =	simm.s32 $_size_execute0_lowered;
	s7 =	sadd.s32 s7, s9;
	[dreg:$0x0] =	wrdreg $0x0  }
0xac: {  	s9 =	sshll.u32 s28, $0x1;
	[dreg:$0x2] =	wrdreg s7  }
0xad: {  	[dreg:$0x3] =	wrdreg s9  }
0xae: {  	[dreg:$0x4] =	wrdreg $0xC0  }
0xaf: {  	_ =	task [dreg:s11], $0x5FFFF  }
0xb0: {  	[dreg:$0x1] =	wrdreg $0xFFFFFFFF  }
0xb1: {  	[dreg:$0x0] =	wrdreg $0x60  }
0xb2: {  	[dreg:$0x2] =	wrdreg s6  }
0xb3: {  	[dreg:$0x3] =	wrdreg s2  }
0xb4: {  	[dreg:$0x4] =	wrdreg s18  }
0xb5: {  	[dreg:$0x5] =	wrdreg s4  }
0xb6: {  	[dreg:$0x6] =	wrdreg s5  }
0xb7: {  	[dreg:$0x7] =	wrdreg s24  }
0xb8: {  	[dreg:$0x8] =	wrdreg $0x9  }
0xb9: {  	_ =	task.clear_ibuf [dreg:s11], $0x9FFFF;
	_ =	strace $0x90000046  }
0xba: {  	s29 =	simm.s32 $0x9;
	_ =	strace $0x80000048  }
0xbb: {  	_ =	swait.ge [sflag:s29], $0x1  }
0xbc: {  	[sflag:s29] =	ssyncadd.s32 $0xFFFFFFFF  }
0xbd: {  	_ =	strace $0x90000048  }
0xbe: {  	_ =	sfence  }
0xbf: {  	s30 =	sld [smem:$0x0];
	_ =	sdelay $0x2  }
0xc0: {  	s31 =	sshll.u32 s1, $0xD;
	s1 =	sshrl.u32 s1, $0x2  }
0xc1: {  	s3 =	sand.u32 $0x4000, s31;
	s1 =	sadd.s32 s1, s30  }
0xc2: {  	s0 =	sor.u32 s3, s0;
	s1 =	sshll.u32 s1, $0x11  }
0xc3: {  	s0 =	sor.u32 s1, s0  }
0xc4: {  	s0 =	sadd.s32 $0x8F2B, s0  }
0xc5: {  	[sflag:s0] =	ssyncadd.remote.s32 $0x1  }
0xc6: {  	_ =	sfence.sel $0xFFFF  }
0xc7: {  	[dreg:$0x0] =	wrdreg $0xFFFFFFFF;
	(pc) =	sbr.abs _section_cstart, $3  }
0xc8: {  	[dreg:$0x1] =	wrdreg $0xFFFFFFFF  }
0xc9: {  	_ =	task.clear_ibuf [dreg:s11], $0x2FFFF;
	_ =	strace $0x9FFFFFFF  }
0xca: {  	(tm) =	ssettm $0x7FFFFFFF  }
0xcb: {  	_ =	shalt  }
tec
execute0_lowered:
.L_overlay_start_1:
0x0: {  	(tag) =	ssettag $0x1  }
0x1: {  	s1 =	rddreg [dreg:$0x0];
	v0 =	vimm.s32 $0xEFCDAB89;
	v1 =	vimm.s32 $0x67452301  }
0x2: {  	s0 =	rddreg [dreg:$0x1];
	v2 =	vimm.s32 $0xDCFE98BA;
	v3 =	vimm.s32 $0x54761032;
	v4 =	vimm.s32 $0xBA98FEDC  }
0x3: {  	s2 =	rddreg [dreg:$0x2];
	s3 =	srdreg.scid;
	v5 =	vimm.s32 $0x32107654;
	v6 =	vimm.s32 $0xFEDCBA98;
	v7 =	vimm.s32 $0x76543210  }
0x4: {  	s5 =	stileid.u32;
	s4 =	rddreg [dreg:$0x5];
	s6 =	simm.s32 $0x0;
	v0 =	vunpack.c.l.s4.s8 v0;
	v1 =	vunpack.c.l.s4.s8 v1;
	v2 =	vunpack.c.l.s4.s8 v2  }
0x5: {  	s13 =	simm.s32 $0x6;
	s15 =	simm.s32 $0x50;
	s16 =	simm.s32 $0x1900;
	v3 =	vunpack.c.l.s4.s8 v3;
	v4 =	vunpack.c.l.s4.s8 v4;
	v5 =	vunpack.c.l.s4.s8 v5  }
0x6: {  	s17 =	simm.s32 $0x6900;
	s18 =	simm.s32 $0x4100;
	s19 =	simm.s32 $0x9100;
	v6 =	vunpack.c.l.s4.s8 v6;
	v0 =	vunpack.c.0.s8.s32 v0;
	v1 =	vunpack.c.0.s8.s32 v1  }
0x7: {  	s20 =	simm.s32 $0x1;
	s21 =	simm.s32 $0x3;
	s22 =	simm.s32 $0xB900;
	v7 =	vunpack.c.l.s4.s8 v7;
	v2 =	vunpack.c.0.s8.s32 v2;
	v3 =	vunpack.c.0.s8.s32 v3  }
0x8: {  	s23 =	simm.s32 $0x10900;
	s24 =	simm.s32 $0x2;
	s25 =	simm.s32 $0x4;
	v4 =	vunpack.c.0.s8.s32 v4;
	v5 =	vunpack.c.0.s8.s32 v5;
	v0 =	vcombine.low v1, v0  }
0x9: {  	s28 =	simm.s32 $0x13100;
	s3 =	sand.u32 $0x1, s3;
	s5 =	sshll.u32 s5, $0x1;
	v60 =	vunpack.c.0.s8.s32 v6;
	v2 =	vcombine.low v3, v2  }
0xa: {  	s29 =	simm.s32 $0x5;
	[smem:$0x7FF] =	sst s6;
	s5 =	sor.u32 s3, s5;
	v62 =	vunpack.c.0.s8.s32 v7;
	v61 =	vcombine.low v5, v4;
	v29 =	vand.u32 $0xF, v0  }
0xb: {  	s3 =	ssub.s32 $0x2, s3;
	_ =	strace $0x80000047;
	s7 =	smul.u32 $0x1900, s5;
	v63 =	vand.u32 $0xF, v60;
	v30 =	vand.u32 $0xF, v2;
	[tilespmem:$0x1FFC0] =	vst v29  }
0xc: {  	s30 =	simm.s32 $0x0;
	s8 =	sadd.s32 $0x800, s4;
	s26 =	sshrl.u32 s3, $0x1;
	v33 =	vcombine.low v63, v62;
	v31 =	vand.u32 $0xF, v61;
	[tilespmem:$0x1FFD0] =	vst v30  }
0xd: {  	s9 =	sadd.s32 $0x320800, s4;
	s3 =	ssub.s32 s3, s26;
	s31 =	sshrl.u32 s7, $0x3;
	[tilespmem:$0x1FFE0] =	vst v31  }
0xe: {  	s26 =	simm.s32 $0xE100;
	s11 =	smax.u32 s3, $0x1;
	s10 =	sadd.s32 s1, s31;
	[tilespmem:$0x1FFF0] =	vst v33  }
.LBB2_1:
0xf: {  	s1 =	rddreg [dreg:$0x3];
	s3 =	simm.s32 $0x15900  }
0x10: {  	[tilespmem:s3], [sflag:$0x6] =	stream.linear.gather [hbm4b:s1+s6], $0x80, $0x38;
	[tilespmem:$0x15A00] =	vst v63  }
0x11: {  	_ =	swait.ge [sflag:s13], $0x80  }
0x12: {  	[sflag:s13] =	ssyncset.done $0x0  }
0x13: {  	[sflag:s13] =	ssyncadd.s32 $0xFFFFFF80  }
0x14: {  	s31 =	simm.s32 $0x15980;
	s14 =	rddreg [dreg:$0x4]  }
0x15: {  	[tilespmem:s31], [sflag:$0x6] =	stream.linear.gather [hbm4b:s14+s6], $0x80, $0x38;
	[tilespmem:$0x15A00] =	vst v63  }
0x16: {  	_ =	swait.ge [sflag:s13], $0x80  }
0x17: {  	[sflag:s13] =	ssyncset.done $0x0  }
0x18: {  	[sflag:s13] =	ssyncadd.s32 $0xFFFFFF80  }
0x19: {  	[tilespmem:s6], [sflag:$0x6] =	stream.linear.gather [hbm4b:s10+s6], $0x1900, $0x38;
	[tilespmem:$0x15A00] =	vst v63  }
0x1a: {  	_ =	swait.ge [sflag:s13], $0x1900  }
0x1b: {  	[sflag:s13] =	ssyncset.done $0x0  }
0x1c: {  	[sflag:s13] =	ssyncadd.s32 $0xFFFFE700  }
0x1d: {  	v0 =	vld [tilespmem:$0x15900]  }
0x1e: {  	v49 =	vld [tilespmem:$0x15910]  }
0x1f: {  	v50 =	vld [tilespmem:$0x15920]  }
0x20: {  	v51 =	vld [tilespmem:$0x15930]  }
0x21: {  	v52 =	vld [tilespmem:$0x15940]  }
0x22: {  	v53 =	vld [tilespmem:$0x15950]  }
0x23: {  	v54 =	vld [tilespmem:$0x15960]  }
0x24: {  	v55 =	vld [tilespmem:$0x15970]  }
0x25: {  	v56 =	vld [tilespmem:$0x15980]  }
0x26: {  	v57 =	vld [tilespmem:$0x15990]  }
0x27: {  	v58 =	vld [tilespmem:$0x159A0]  }
0x28: {  	v59 =	vld [tilespmem:$0x159B0]  }
0x29: {  	v60 =	vld [tilespmem:$0x159C0]  }
0x2a: {  	v61 =	vld [tilespmem:$0x159D0]  }
0x2b: {  	v62 =	vld [tilespmem:$0x159E0]  }
0x2c: {  	v63 =	vld [tilespmem:$0x159F0];
	[tilespmem:s16], [sflag:$0x1] =	stream.indirect.gather [hbm4b:s0+s15], $0x80, s6, s15, $0xb8  }
0x2d: {  	_ = 	snop  }
0x2e: {  	[tilespmem:s17], [sflag:$0x3] =	stream.indirect.gather [hbm4b:s2+s15], $0x80, s6, s15, $0xb8;
	[tilespmem:$0x15A00] =	vst v63  }
0x2f: {  	[tilespmem:$0x1FEC0] =	vst v0  }
0x30: {  	[tilespmem:$0x1FED0] =	vst v49  }
0x31: {  	[tilespmem:$0x1FEE0] =	vst v50  }
0x32: {  	[tilespmem:$0x1FEF0] =	vst v51  }
0x33: {  	[tilespmem:$0x1FF00] =	vst v52  }
0x34: {  	[tilespmem:$0x1FF10] =	vst v53  }
0x35: {  	[tilespmem:$0x1FF20] =	vst v54  }
0x36: {  	[tilespmem:$0x1FF30] =	vst v55  }
0x37: {  	[tilespmem:$0x1FF40] =	vst v56  }
0x38: {  	[tilespmem:$0x1FF50] =	vst v57  }
0x39: {  	[tilespmem:$0x1FF60] =	vst v58  }
0x3a: {  	[tilespmem:$0x1FF70] =	vst v59  }
0x3b: {  	[tilespmem:$0x1FF80] =	vst v60  }
0x3c: {  	[tilespmem:$0x1FF90] =	vst v61  }
0x3d: {  	[tilespmem:$0x1FFA0] =	vst v62  }
0x3e: {  	s5 =	simm.s32 $0x0;
	[tilespmem:$0x1FFB0] =	vst v63  }
.LBB2_2:
0x3f: {  	s1 =	smul.u32 $0xA0, s5;
	_ =	sdelay $0x1  }
0x40: {  	s31 =	sadd.s32 $0x50, s1  }
0x41: {  	[tilespmem:s18], [sflag:$0x2] =	stream.indirect.gather [hbm4b:s0+s15], $0x80, s31, s15, $0xb8;
	[tilespmem:$0x15A00] =	vst v63  }
0x42: {  	_ = 	snop  }
0x43: {  	[tilespmem:s19], [sflag:$0x4] =	stream.indirect.gather [hbm4b:s2+s15], $0x80, s31, s15, $0xb8;
	[tilespmem:$0x15A00] =	vst v63  }
0x44: {  	_ =	swait.ge [sflag:s20], $0x2800  }
0x45: {  	[sflag:s20] =	ssyncset.done $0x0  }
0x46: {  	[sflag:s20] =	ssyncadd.s32 $0xFFFFD800  }
0x47: {  	_ =	swait.ge [sflag:s21], $0x2800  }
0x48: {  	[sflag:s21] =	ssyncset.done $0x0  }
0x49: {  	s3 =	simm.s32 $0x0;
	[sflag:s21] =	ssyncadd.s32 $0xFFFFD800  }
0x4a: {  	v4 =	vld [tilespmem:s3+$0x1970]  }
0x4b: {  	v5 =	vld [tilespmem:s3+$0x6970]  }
0x4c: {  	v6 =	vld [tilespmem:s3+$0x1960]  }
0x4d: {  	v7 =	vld [tilespmem:s3+$0x6960]  }
0x4e: {  	v8 =	vld [tilespmem:s3+$0x1950]  }
0x4f: {  	v9 =	vld [tilespmem:s3+$0x6950]  }
0x50: {  	v10 =	vld [tilespmem:s3+$0x1940]  }
0x51: {  	v11 =	vld [tilespmem:s3+$0x6940]  }
0x52: {  	v12 =	vld [tilespmem:s3+$0x1930]  }
0x53: {  	v0 =	vld [tilespmem:s3+$0x1900]  }
0x54: {  	v14 =	vld [tilespmem:s3+$0x1910]  }
0x55: {  	v15 =	vld [tilespmem:s3+$0x6910]  }
0x56: {  	v13 =	vld [tilespmem:s3+$0x1920];
	v4 =	vmul.f32 v4, v4;
	v6 =	vmul.f32 v6, v6  }
0x57: {  	v5 =	vmul.f32 v5, v5;
	v8 =	vmul.f32 v8, v8  }
0x58: {  	[tilespmem:$0x1FEB0] =	vst v0;
	v7 =	vmul.f32 v7, v7;
	v9 =	vmul.f32 v9, v9  }
0x59: {  	v10 =	vmul.f32 v10, v10;
	v11 =	vmul.f32 v11, v11;
	v46 =	vld [tilespmem:s3+$0x6900]  }
0x5a: {  	v14 =	vmul.f32 v14, v14;
	v15 =	vmul.f32 v15, v15  }
0x5b: {  	v12 =	vmul.f32 v12, v12;
	v13 =	vmul.f32 v13, v13;
	v16 =	vld [tilespmem:s3+$0x6930];
	v20 =	vadd.f32 v5, v4  }
0x5c: {  	v18 =	vmul.f32 v0, v0;
	v17 =	vld [tilespmem:s3+$0x6920];
	v8 =	vadd.f32 v9, v8;
	v9 =	vadd.f32 v15, v14  }
0x5d: {  	v7 =	vadd.f32 v7, v6;
	v10 =	vadd.f32 v11, v10;
	v14 =	vmul.f32 $5.000000000e-01, v20  }
0x5e: {  	v15 =	vshra.s32 v8, $0x1;
	v22 =	vshra.s32 v9, $0x1;
	v19 =	vmul.f32 v46, v46  }
0x5f: {  	v23 =	vmul.f32 $5.000000000e-01, v9;
	v24 =	vmul.f32 $5.000000000e-01, v8;
	v22 =	vsub.s32 $0x5F3759DF, v22  }
0x60: {  	v15 =	vsub.s32 $0x5F3759DF, v15;
	v4 =	vmul.f32 v16, v16;
	v6 =	vadd.f32 v19, v18  }
0x61: {  	v5 =	vmul.f32 v17, v17;
	v16 =	vmul.f32 $5.000000000e-01, v7;
	v17 =	vshra.s32 v10, $0x1  }
0x62: {  	v23 =	vmul.f32 v22, v23;
	v19 =	vshra.s32 v6, $0x1;
	v21 =	vmul.f32 $5.000000000e-01, v6  }
0x63: {  	v60 =	vmul.f32 v15, v24;
	v17 =	vsub.s32 $0x5F3759DF, v17;
	v19 =	vsub.s32 $0x5F3759DF, v19  }
0x64: {  	v4 =	vadd.f32 v4, v12;
	v5 =	vadd.f32 v5, v13;
	v21 =	vmul.f32 v19, v21  }
0x65: {  	v12 =	vshra.s32 v7, $0x1;
	v13 =	vshra.s32 v20, $0x1;
	v23 =	vmul.f32 v22, v23  }
0x66: {  	v27 =	vshra.s32 v5, $0x1;
	v28 =	vmul.f32 $5.000000000e-01, v5;
	v21 =	vmul.f32 v19, v21  }
0x67: {  	v25 =	vshra.s32 v4, $0x1;
	v26 =	vmul.f32 $5.000000000e-01, v4;
	v27 =	vsub.s32 $0x5F3759DF, v27  }
0x68: {  	v25 =	vsub.s32 $0x5F3759DF, v25;
	v28 =	vmul.f32 v27, v28;
	v21 =	vsub.f32 $1.500000000e+00, v21  }
0x69: {  	v18 =	vmul.f32 $5.000000000e-01, v10;
	v23 =	vsub.f32 $1.500000000e+00, v23;
	v26 =	vmul.f32 v25, v26  }
0x6a: {  	v13 =	vsub.s32 $0x5F3759DF, v13;
	v28 =	vmul.f32 v27, v28;
	v37 =	vmul.f32 v19, v21  }
0x6b: {  	v11 =	vadd.f32 v9, v6;
	v18 =	vmul.f32 v17, v18;
	v43 =	vmul.f32 v22, v23  }
0x6c: {  	v19 =	vmul.f32 v25, v26;
	v21 =	vmul.f32 v37, v6;
	v6 =	vsub.f32 $1.500000000e+00, v28  }
0x6d: {  	v12 =	vsub.s32 $0x5F3759DF, v12;
	v18 =	vmul.f32 v17, v18;
	v9 =	vmul.f32 v43, v9  }
0x6e: {  	v19 =	vsub.f32 $1.500000000e+00, v19;
	v61 =	vadd.f32 $0.0e+00, v21;
	v38 =	vmul.f32 v27, v6  }
0x6f: {  	v16 =	vmul.f32 v12, v16;
	v6 =	vsub.f32 $1.500000000e+00, v18;
	v18 =	vmul.f32 v15, v60  }
0x70: {  	v40 =	vmul.f32 v25, v19;
	v62 =	vadd.f32 v9, v61;
	v63 =	vmul.f32 v38, v5  }
0x71: {  	v14 =	vmul.f32 v13, v14;
	v16 =	vmul.f32 v12, v16;
	v18 =	vsub.f32 $1.500000000e+00, v18  }
0x72: {  	v36 =	vmul.f32 v40, v4;
	v41 =	vmul.f32 v17, v6;
	v19 =	vadd.f32 v63, v62  }
0x73: {  	v5 =	vadd.f32 v5, v11;
	v6 =	vsub.f32 $1.500000000e+00, v16;
	v11 =	vmul.f32 v13, v14  }
0x74: {  	v47 =	vmul.f32 v15, v18;
	v14 =	vadd.f32 v36, v19;
	v19 =	vmul.f32 v41, v10  }
0x75: {  	v4 =	vadd.f32 v4, v5;
	v11 =	vsub.f32 $1.500000000e+00, v11  }
0x76: {  	v49 =	vmul.f32 v12, v6;
	v5 =	vmul.f32 v47, v8;
	v14 =	vadd.f32 v19, v14  }
0x77: {  	v10 =	vadd.f32 v10, v4  }
0x78: {  	v32 =	vmul.f32 v49, v7;
	v6 =	vmul.f32 v13, v11;
	v12 =	vadd.f32 v5, v14;
	_ =	sdelay $0x1  }
0x79: {  	v8 =	vadd.f32 v8, v10;
	v11 =	vmul.f32 v6, v20;
	v10 =	vadd.f32 v32, v12;
	_ =	sdelay $0x1  }
0x7a: {  	v7 =	vadd.f32 v7, v8;
	v8 =	vadd.f32 v11, v10;
	_ =	sdelay $0x1  }
0x7b: {  	v7 =	vadd.f32 v20, v7;
	v10 =	vperm.xlane v8, v29;
	_ =	sdelay $0x1  }
0x7c: {  	v8 =	vadd.f32 v8, v10;
	v10 =	vperm.xlane v7, v29;
	_ =	sdelay $0x1  }
0x7d: {  	v12 =	vperm.xlane v8, v30;
	v7 =	vadd.f32 v10, v7;
	_ =	sdelay $0x1  }
0x7e: {  	v8 =	vadd.f32 v8, v12;
	v10 =	vperm.xlane v7, v30;
	_ =	sdelay $0x1  }
0x7f: {  	v12 =	vperm.xlane v8, v31;
	v7 =	vadd.f32 v10, v7;
	_ =	sdelay $0x1  }
0x80: {  	v8 =	vadd.f32 v8, v12;
	v10 =	vperm.xlane v7, v31;
	_ =	sdelay $0x1  }
0x81: {  	v13 =	vperm.xlane v8, v33;
	v10 =	vadd.f32 v10, v7;
	_ =	sdelay $0x1  }
0x82: {  	s4 =	simm.s32 $0x80;
	v7 =	vadd.f32 v8, v13;
	v8 =	vperm.xlane v10, v33  }
0x83: {  	v42 =	vld [tilespmem:s4+$0x6940]  }
0x84: {  	v48 =	vld [tilespmem:s4+$0x1910];
	v7 =	vmul.f32 $7.812500000e-03, v7;
	v8 =	vadd.f32 v8, v10  }
0x85: {  	v1 =	vld [tilespmem:s4+$0x6900]  }
0x86: {  	v28 =	vld [tilespmem:s4+$0x6910];
	v8 =	vmul.f32 $7.812500000e-03, v8;
	v13 =	vmul.f32 v7, v7  }
0x87: {  	v16 =	vld [tilespmem:s4+$0x6960]  }
0x88: {  	v18 =	vld [tilespmem:s4+$0x1940];
	v8 =	vsub.f32 v8, v13  }
0x89: {  	v15 =	vld [tilespmem:s4+$0x1960]  }
0x8a: {  	v14 =	vld [tilespmem:s4+$0x6970];
	v8 =	vadd.f32 $9.999999740e-06, v8  }
0x8b: {  	v24 =	vmul.f32 v42, v42;
	v53 =	vmul.f32 v48, v48;
	v12 =	vld [tilespmem:s4+$0x1970]  }
0x8c: {  	v2 =	vmovc v30;
	v17 =	vld [tilespmem:s4+$0x1950];
	v30 =	vmul.f32 v16, v16;
	v16 =	vshra.s32 v8, $0x1;
	v8 =	vmul.f32 $5.000000000e-01, v8  }
0x8d: {  	v3 =	vmovc v31;
	v45 =	vld [tilespmem:s4+$0x1920];
	v55 =	vmul.f32 v1, v1;
	v18 =	vmul.f32 v18, v18;
	v31 =	vsub.s32 $0x5F3759DF, v16  }
0x8e: {  	v44 =	vld [tilespmem:s4+$0x1930];
	v15 =	vmul.f32 v15, v15;
	v51 =	vmul.f32 v31, v8  }
0x8f: {  	v50 =	vld [tilespmem:s4+$0x1900];
	v28 =	vmul.f32 v28, v28;
	v18 =	vadd.f32 v24, v18;
	v14 =	vmul.f32 v14, v14  }
0x90: {  	v30 =	vadd.f32 v30, v15;
	v12 =	vmul.f32 v12, v12;
	v10 =	vld [tilespmem:s4+$0x6950];
	v54 =	vmul.f32 v31, v51  }
0x91: {  	v52 =	vld [tilespmem:s4+$0x6920];
	v29 =	vmul.f32 v17, v17;
	v17 =	vsub.f32 v9, v7;
	v16 =	vsub.f32 v36, v7  }
0x92: {  	v26 =	vmul.f32 v45, v45;
	v9 =	vld [tilespmem:s4+$0x6930];
	v36 =	vadd.f32 v14, v12;
	v12 =	vsub.f32 $1.500000000e+00, v54  }
0x93: {  	v25 =	vmul.f32 v44, v44;
	v15 =	vadd.f32 v28, v53;
	v28 =	vmul.f32 $5.000000000e-01, v18  }
0x94: {  	v59 =	vshra.s32 v18, $0x1;
	v58 =	vmul.f32 $5.000000000e-01, v30;
	v12 =	vmul.f32 v31, v12  }
0x95: {  	v45 =	vshra.s32 v15, $0x1;
	v48 =	vmul.f32 $5.000000000e-01, v15;
	v10 =	vmul.f32 v10, v10  }
0x96: {  	v34 =	vsub.f32 v19, v7;
	v19 =	vmul.f32 v50, v50;
	v8 =	vmul.f32 v12, v8  }
0x97: {  	v9 =	vmul.f32 v9, v9;
	v29 =	vadd.f32 v10, v29;
	v10 =	vmul.f32 v52, v52  }
0x98: {  	v13 =	vsub.f32 v63, v7;
	v14 =	vadd.f32 v55, v19;
	v8 =	vmul.f32 v8, v12  }
0x99: {  	v19 =	vadd.f32 v9, v25;
	v10 =	vadd.f32 v10, v26;
	v9 =	vshra.s32 v30, $0x1  }
0x9a: {  	v42 =	vshra.s32 v14, $0x1;
	v44 =	vmul.f32 $5.000000000e-01, v14;
	v8 =	vsub.f32 $1.500000000e+00, v8  }
0x9b: {  	v60 =	vshra.s32 v19, $0x1;
	v39 =	vmul.f32 $5.000000000e-01, v19;
	v42 =	vsub.s32 $0x5F3759DF, v42  }
0x9c: {  	[tilespmem:$0x1FE10] =	vst v50;
	v50 =	vmul.f32 v8, v12;
	v8 =	vsub.s32 $0x5F3759DF, v45;
	v12 =	vmul.f32 v42, v44  }
0x9d: {  	v63 =	vld [tilespmem:$0x1FF30];
	v61 =	vshra.s32 v10, $0x1;
	v62 =	vmul.f32 $5.000000000e-01, v10;
	v48 =	vmul.f32 v8, v48  }
0x9e: {  	v51 =	vsub.f32 v11, v7;
	v44 =	vsub.s32 $0x5F3759DF, v61;
	v11 =	vmul.f32 v42, v12  }
0x9f: {  	v20 =	vmovc v33;
	[tilespmem:$0x1FE20] =	vst v1;
	v33 =	vsub.s32 $0x5F3759DF, v60;
	v45 =	vmul.f32 v44, v62;
	v1 =	vmul.f32 v8, v48  }
0xa0: {  	v26 =	vmul.f32 $5.000000000e-01, v36;
	v39 =	vmul.f32 v33, v39;
	v11 =	vsub.f32 $1.500000000e+00, v11  }
0xa1: {  	v31 =	vmul.f32 $5.000000000e-01, v29;
	v45 =	vmul.f32 v44, v45;
	v48 =	vsub.f32 $1.500000000e+00, v1  }
0xa2: {  	v57 =	vshra.s32 v29, $0x1;
	v52 =	vmul.f32 v50, v63;
	v22 =	vmul.f32 v42, v11  }
0xa3: {  	v0 =	vld [tilespmem:$0x1FFC0];
	v12 =	vsub.s32 $0x5F3759DF, v59;
	v11 =	vsub.f32 $1.500000000e+00, v45;
	v23 =	vmul.f32 v8, v48  }
0xa4: {  	v27 =	vadd.f32 v15, v14;
	v63 =	vld [tilespmem:$0x1FEE0];
	v28 =	vmul.f32 v12, v28;
	v8 =	vmul.f32 v33, v39;
	[tilespmem:$0x1FE30] =	vst v22  }
0xa5: {  	v56 =	vshra.s32 v36, $0x1;
	v62 =	vmul.f32 v22, v14;
	v22 =	vmul.f32 v44, v11;
	v54 =	vld [tilespmem:s3+$0x1910];
	[tilespmem:$0x1FE40] =	vst v23  }
0xa6: {  	v28 =	vmul.f32 v12, v28;
	v48 =	vsub.s32 $0x5F3759DF, v57;
	v8 =	vsub.f32 $1.500000000e+00, v8;
	v55 =	vld [tilespmem:s3+$0x6910]  }
0xa7: {  	v53 =	vsub.s32 $0x5F3759DF, v56;
	v42 =	vsub.s32 $0x5F3759DF, v9;
	v31 =	vmul.f32 v48, v31;
	v56 =	vld [tilespmem:s3+$0x1920];
	[tilespmem:$0x1FE50] =	vst v22  }
0xa8: {  	v14 =	vmul.f32 v23, v15;
	v15 =	vsub.f32 $1.500000000e+00, v28;
	v24 =	vmul.f32 v33, v8;
	v57 =	vld [tilespmem:s3+$0x6920]  }
0xa9: {  	v35 =	vsub.f32 v21, v7;
	v28 =	vmul.f32 v48, v31;
	v31 =	vmul.f32 v42, v58;
	v58 =	vld [tilespmem:s3+$0x1930]  }
0xaa: {  	v25 =	vmul.f32 v53, v26;
	v26 =	vmul.f32 v12, v15;
	v12 =	vadd.f32 v10, v27;
	v27 =	vld [tilespmem:$0x1FFB0];
	[tilespmem:$0x1FE60] =	vst v24  }
0xab: {  	v21 =	vadd.f32 $0.0e+00, v62;
	v28 =	vsub.f32 $1.500000000e+00, v28;
	v59 =	vld [tilespmem:s3+$0x6930]  }
0xac: {  	v31 =	vmul.f32 v42, v31;
	v60 =	vld [tilespmem:s3+$0x1940]  }
0xad: {  	v23 =	vadd.f32 v14, v21;
	v21 =	vmul.f32 v24, v19;
	[tilespmem:$0x1FE70] =	vst v26;
	v24 =	vmul.f32 v48, v28;
	v48 =	vld [tilespmem:$0x1FED0]  }
0xae: {  	v11 =	vmul.f32 v22, v10;
	v15 =	vsub.f32 $1.500000000e+00, v31;
	v61 =	vld [tilespmem:s3+$0x6940]  }
0xaf: {  	v31 =	vmul.f32 v53, v25;
	v25 =	vmul.f32 v52, v51;
	v51 =	vld [tilespmem:s3+$0x1950]  }
0xb0: {  	v22 =	vmul.f32 v26, v18;
	v26 =	vmul.f32 v42, v15;
	v42 =	vld [tilespmem:$0x1FEC0]  }
0xb1: {  	v39 =	vadd.f32 v25, v27;
	v25 =	vld [tilespmem:$0x1FEF0]  }
0xb2: {  	v19 =	vadd.f32 v19, v12;
	[tilespmem:$0x1FE80] =	vst v24;
	v27 =	vld [tilespmem:$0x1FF00]  }
0xb3: {  	v44 =	vadd.f32 v11, v23;
	v52 =	vld [tilespmem:s3+$0x6950]  }
0xb4: {  	v18 =	vadd.f32 v18, v19;
	v31 =	vsub.f32 $1.500000000e+00, v31;
	v19 =	vld [tilespmem:s3+$0x1960];
	[tilespmem:$0x1FE90] =	vst v26  }
0xb5: {  	v45 =	vadd.f32 v21, v44;
	v15 =	vld [tilespmem:s3+$0x6960]  }
0xb6: {  	v12 =	vmul.f32 v24, v29;
	v44 =	vmul.f32 v53, v31;
	v53 =	vld [tilespmem:s4+$0x1910]  }
0xb7: {  	v33 =	vadd.f32 v22, v45;
	v23 =	vmul.f32 v26, v30;
	v45 =	vmul.f32 v39, v6;
	v39 =	vld [tilespmem:s3+$0x1970]  }
0xb8: {  	v6 =	vmul.f32 v50, v42;
	v26 =	vmul.f32 v50, v25;
	v25 =	vld [tilespmem:$0x1FF20]  }
0xb9: {  	v24 =	vmul.f32 v50, v63;
	v33 =	vadd.f32 v12, v33;
	v63 =	vmul.f32 v50, v27;
	v27 =	vld [tilespmem:$0x1FF40]  }
0xba: {  	v18 =	vadd.f32 v29, v18;
	v42 =	vmul.f32 v50, v48;
	v6 =	vmul.f32 v6, v35;
	v35 =	vld [tilespmem:$0x1FF10]  }
0xbb: {  	v48 =	vmul.f32 v44, v36;
	v31 =	vadd.f32 v23, v33;
	[tilespmem:$0x1FEA0] =	vst v53;
	v53 =	vmul.f32 v63, v34;
	v63 =	vld [tilespmem:$0x1FF50]  }
0xbc: {  	v18 =	vadd.f32 v30, v18;
	v30 =	vld [tilespmem:s4+$0x6910]  }
0xbd: {  	v4 =	vadd.f32 v48, v31;
	v31 =	vld [tilespmem:s4+$0x1920]  }
0xbe: {  	v17 =	vmul.f32 v42, v17;
	v42 =	vld [tilespmem:s4+$0x6920]  }
0xbf: {  	v18 =	vadd.f32 v36, v18;
	v33 =	vld [tilespmem:s4+$0x1930]  }
0xc0: {  	v5 =	vsub.f32 v5, v7;
	v7 =	vsub.f32 v32, v7;
	v32 =	vld [tilespmem:s4+$0x6930]  }
0xc1: {  	v16 =	vmul.f32 v26, v16;
	v26 =	vperm.xlane v18, v0;
	v34 =	vld [tilespmem:s4+$0x1940]  }
0xc2: {  	v36 =	vld [tilespmem:s4+$0x6940]  }
0xc3: {  	s12 =	simm.s32 $0x100;
	v18 =	vadd.f32 v26, v18;
	v26 =	vld [tilespmem:$0x1FF70]  }
0xc4: {  	v13 =	vmul.f32 v24, v13;
	v8 =	vld [tilespmem:s12+$0x1930];
	v24 =	vperm.xlane v4, v0  }
0xc5: {  	v10 =	vld [tilespmem:s12+$0x6930];
	v35 =	vmul.f32 v50, v35;
	v50 =	vmul.f32 v50, v25  }
0xc6: {  	v6 =	vadd.f32 v6, v27;
	v27 =	vperm.xlane v18, v2;
	v4 =	vadd.f32 v4, v24;
	v25 =	vld [tilespmem:$0x1FF60]  }
0xc7: {  	v7 =	vmul.f32 v50, v7;
	v50 =	vld [tilespmem:s3+$0x6970]  }
0xc8: {  	v18 =	vadd.f32 v27, v18;
	v24 =	vperm.xlane v4, v2;
	v16 =	vadd.f32 v16, v26;
	v26 =	vld [tilespmem:$0x1FFA0]  }
0xc9: {  	v6 =	vmul.f32 v6, v37;
	v37 =	vld [tilespmem:s4+$0x6950];
	v17 =	vadd.f32 v17, v63  }
0xca: {  	v5 =	vmul.f32 v35, v5;
	v35 =	vld [tilespmem:s4+$0x1950];
	v27 =	vperm.xlane v18, v3;
	v4 =	vadd.f32 v4, v24  }
0xcb: {  	v17 =	vmul.f32 v17, v43;
	v13 =	vadd.f32 v13, v25;
	v25 =	vld [tilespmem:$0x1FF90]  }
0xcc: {  	v24 =	vld [tilespmem:$0x1FF80];
	v16 =	vmul.f32 v16, v40;
	v18 =	vadd.f32 v27, v18;
	v63 =	vperm.xlane v4, v3  }
0xcd: {  	v40 =	vld [tilespmem:s4+$0x6960];
	v13 =	vmul.f32 v13, v38;
	v43 =	vmul.f32 v45, v50;
	v7 =	vadd.f32 v7, v26  }
0xce: {  	v26 =	vmul.f32 v17, v54;
	v17 =	vmul.f32 v17, v55;
	v4 =	vadd.f32 v4, v63;
	v63 =	vld [tilespmem:$0x1FEB0]  }
0xcf: {  	v38 =	vld [tilespmem:s4+$0x1960];
	v2 =	vperm.xlane v18, v20;
	v7 =	vmul.f32 v7, v49  }
0xd0: {  	v54 =	vld [tilespmem:s12+$0x1960];
	v27 =	vmul.f32 v13, v56;
	v5 =	vadd.f32 v5, v25;
	v25 =	vperm.xlane v4, v20  }
0xd1: {  	v56 =	vld [tilespmem:s12+$0x6960];
	v13 =	vmul.f32 v13, v57;
	v57 =	vmul.f32 v16, v58  }
0xd2: {  	v58 =	vld [tilespmem:s12+$0x1950];
	v16 =	vmul.f32 v16, v59;
	v4 =	vadd.f32 v4, v25;
	v25 =	vmul.f32 v7, v19  }
0xd3: {  	v53 =	vadd.f32 v53, v24;
	[tilespmem:s3+$0x10970] =	vst v43;
	v43 =	vld [tilespmem:s12+$0x6950];
	v19 =	vmul.f32 v7, v15;
	v24 =	vmul.f32 v6, v63  }
0xd4: {  	v18 =	vadd.f32 v2, v18;
	v15 =	vld [tilespmem:s12+$0x6910];
	v6 =	vmul.f32 v6, v46;
	v59 =	vmul.f32 $7.812500000e-03, v4  }
0xd5: {  	[tilespmem:s3+$0xB910] =	vst v26;
	v50 =	vmul.f32 v53, v41;
	v5 =	vmul.f32 v5, v47;
	v47 =	vld [tilespmem:s12+$0x6900]  }
0xd6: {  	v63 =	vld [tilespmem:s12+$0x1970];
	[tilespmem:s3+$0x10900] =	vst v6;
	v6 =	vmul.f32 $7.812500000e-03, v18;
	v18 =	vmul.f32 v59, v59  }
0xd7: {  	v10 =	vmul.f32 v10, v10;
	[tilespmem:s3+$0x10910] =	vst v17;
	v46 =	vld [tilespmem:s12+$0x6970];
	v9 =	vmul.f32 v50, v60  }
0xd8: {  	[tilespmem:s3+$0xB920] =	vst v27;
	v49 =	vmul.f32 v50, v61;
	v50 =	vld [tilespmem:s12+$0x1940];
	v51 =	vmul.f32 v5, v51;
	v6 =	vsub.f32 v6, v18  }
0xd9: {  	v60 =	vld [tilespmem:s12+$0x6940];
	v7 =	vmul.f32 v56, v56;
	[tilespmem:s3+$0xB900] =	vst v24;
	v24 =	vmul.f32 v5, v52;
	v52 =	vsub.f32 v62, v59  }
0xda: {  	[tilespmem:s3+$0x10920] =	vst v13;
	v4 =	vld [tilespmem:s12+$0x1910];
	v5 =	vmul.f32 v54, v54;
	v53 =	vsub.f32 v14, v59;
	v13 =	vadd.f32 $9.999999740e-06, v6  }
0xdb: {  	v17 =	vld [tilespmem:s12+$0x6920];
	[tilespmem:s3+$0x10930] =	vst v16;
	v54 =	vsub.f32 v11, v59;
	v14 =	vmul.f32 v43, v43;
	v61 =	vmul.f32 v15, v15  }
0xdc: {  	[tilespmem:s3+$0x10960] =	vst v19;
	v19 =	vmul.f32 v47, v47;
	v18 =	vld [tilespmem:s12+$0x1920];
	v16 =	vshra.s32 v13, $0x1;
	v62 =	vmul.f32 $5.000000000e-01, v13  }
0xdd: {  	[tilespmem:s3+$0xB940] =	vst v9;
	v26 =	vmul.f32 v63, v63;
	v27 =	vmul.f32 v46, v46;
	v46 =	vld [tilespmem:s12+$0x1900];
	v9 =	vsub.s32 $0x5F3759DF, v16  }
0xde: {  	v41 =	vld [tilespmem:s4+$0x1970];
	[tilespmem:s3+$0xB930] =	vst v57;
	v55 =	vsub.f32 v21, v59;
	v13 =	vmul.f32 v60, v60;
	v60 =	vmul.f32 v9, v62  }
0xdf: {  	[tilespmem:s3+$0x10940] =	vst v49;
	v49 =	vld [tilespmem:s12+$0x6910];
	v56 =	vsub.f32 v12, v59;
	v11 =	vmul.f32 v50, v50;
	v12 =	vmul.f32 v4, v4  }
0xe0: {  	v57 =	vsub.f32 v22, v59;
	[tilespmem:s3+$0xB950] =	vst v51;
	v51 =	vld [tilespmem:s12+$0x1910];
	v6 =	vmul.f32 v58, v58;
	v4 =	vmul.f32 v9, v60  }
0xe1: {  	[tilespmem:s3+$0xB960] =	vst v25;
	v43 =	vld [tilespmem:s12+$0x6920];
	v58 =	vsub.f32 v23, v59;
	v16 =	vmul.f32 v8, v8;
	v8 =	vmul.f32 v18, v18  }
0xe2: {  	s14 =	simm.s32 $0x600;
	[tilespmem:s3+$0x10950] =	vst v24;
	v50 =	vld [tilespmem:s12+$0x1920];
	v18 =	vmul.f32 v46, v46;
	v60 =	vadd.f32 v27, v26;
	v4 =	vsub.f32 $1.500000000e+00, v4  }
.LBB2_3:
0xe3: {  	_ = 	snop  }
0xe4: {  	v9 =	vmul.f32 v9, v4  }
0xe5: {  	v15 =	vadd.f32 v7, v5;
	v0 =	vmul.f32 v17, v17;
	v17 =	vadd.f32 v14, v6  }
0xe6: {  	v14 =	vadd.f32 v19, v18;
	v18 =	vadd.f32 v13, v11;
	v11 =	vmul.f32 v9, v62  }
0xe7: {  	v12 =	vadd.f32 v61, v12;
	v16 =	vadd.f32 v10, v16;
	v10 =	vmul.f32 v45, v39  }
0xe8: {  	v45 =	vshra.s32 v60, $0x1;
	v1 =	vmul.f32 $5.000000000e-01, v60;
	v11 =	vmul.f32 v11, v9  }
0xe9: {  	v63 =	vld [tilespmem:s12+$0x1930];
	v2 =	vmul.f32 $5.000000000e-01, v15;
	v22 =	vshra.s32 v16, $0x1;
	v23 =	vmul.f32 $5.000000000e-01, v16  }
0xea: {  	v4 =	vld [tilespmem:s12+$0x1940];
	v24 =	vshra.s32 v12, $0x1;
	v19 =	vshra.s32 v15, $0x1;
	v11 =	vsub.f32 $1.500000000e+00, v11  }
0xeb: {  	v5 =	vld [tilespmem:s12+$0x6940];
	v22 =	vsub.s32 $0x5F3759DF, v22;
	v27 =	vshra.s32 v14, $0x1;
	v28 =	vmul.f32 $5.000000000e-01, v14  }
0xec: {  	v7 =	vld [tilespmem:s12+$0x1950];
	v23 =	vmul.f32 v22, v23;
	v29 =	vmul.f32 v11, v9;
	v9 =	vsub.s32 $0x5F3759DF, v27  }
0xed: {  	v19 =	vsub.s32 $0x5F3759DF, v19;
	v27 =	vmul.f32 v9, v28;
	v28 =	vsub.f32 v48, v59;
	v59 =	vld [tilespmem:$0x1FF30]  }
0xee: {  	v6 =	vld [tilespmem:s12+$0x6930];
	[tilespmem:s3+$0xB970] =	vst v10;
	v13 =	vadd.f32 v12, v14;
	v0 =	vadd.f32 v0, v8;
	v10 =	vshra.s32 v17, $0x1  }
0xef: {  	v20 =	vmul.f32 $5.000000000e-01, v18;
	v11 =	vsub.s32 $0x5F3759DF, v24;
	v24 =	vmul.f32 $5.000000000e-01, v12  }
0xf0: {  	v3 =	vshra.s32 v18, $0x1;
	v21 =	vmul.f32 $5.000000000e-01, v17;
	v2 =	vmul.f32 v19, v2  }
0xf1: {  	v25 =	vshra.s32 v0, $0x1;
	v26 =	vmul.f32 $5.000000000e-01, v0;
	v24 =	vmul.f32 v11, v24  }
0xf2: {  	v27 =	vmul.f32 v9, v27;
	v48 =	vmul.f32 v29, v59;
	v59 =	vsub.s32 $0x5F3759DF, v45;
	v45 =	vld [tilespmem:$0x1FFB0]  }
0xf3: {  	v3 =	vsub.s32 $0x5F3759DF, v3;
	v25 =	vsub.s32 $0x5F3759DF, v25;
	v24 =	vmul.f32 v11, v24  }
0xf4: {  	v2 =	vmul.f32 v19, v2;
	v26 =	vmul.f32 v25, v26;
	v27 =	vsub.f32 $1.500000000e+00, v27  }
0xf5: {  	v20 =	vmul.f32 v3, v20;
	v24 =	vsub.f32 $1.500000000e+00, v24;
	v28 =	vmul.f32 v48, v28  }
0xf6: {  	s3 =	smov.u32 s4;
	v2 =	vsub.f32 $1.500000000e+00, v2;
	v26 =	vmul.f32 v25, v26;
	v27 =	vmul.f32 v9, v27  }
0xf7: {  	v1 =	vmul.f32 v59, v1;
	v48 =	vld [tilespmem:s3+$0x6970];
	v24 =	vmul.f32 v11, v24;
	v28 =	vadd.f32 v28, v45  }
0xf8: {  	v11 =	vmul.f32 v22, v23;
	v23 =	vsub.s32 $0x5F3759DF, v10;
	v9 =	vmul.f32 v27, v14  }
0xf9: {  	s4 =	smov.u32 s12;
	v14 =	vsub.f32 $1.500000000e+00, v26;
	v1 =	vmul.f32 v59, v1;
	v45 =	vmul.f32 v28, v44  }
0xfa: {  	v62 =	vld [tilespmem:s4+$0x1960];
	v28 =	vsub.f32 $1.500000000e+00, v11;
	v11 =	vmul.f32 v3, v20;
	v20 =	vmul.f32 v23, v21  }
0xfb: {  	v61 =	vld [tilespmem:s4+$0x6960];
	v10 =	vmul.f32 v24, v12;
	v25 =	vmul.f32 v25, v14;
	v44 =	vadd.f32 $0.0e+00, v9  }
0xfc: {  	v39 =	vmovc v41;
	v41 =	vld [tilespmem:s4+$0x1970];
	v48 =	vmul.f32 v45, v48;
	v14 =	vsub.f32 $1.500000000e+00, v11;
	v12 =	vmul.f32 v23, v20  }
0xfd: {  	v8 =	vld [tilespmem:s4+$0x6950];
	v11 =	vmul.f32 v25, v0;
	v21 =	vmul.f32 v22, v28;
	v0 =	vadd.f32 v0, v13  }
0xfe: {  	v2 =	vmul.f32 v19, v2;
	v19 =	vld [tilespmem:$0x1FEE0];
	v1 =	vsub.f32 $1.500000000e+00, v1;
	v20 =	vadd.f32 v10, v44  }
0xff: {  	[tilespmem:s3+$0x10970] =	vst v48;
	v48 =	vsub.f32 $1.500000000e+00, v12;
	v12 =	vmul.f32 v21, v16;
	v0 =	vadd.f32 v16, v0;
	v16 =	vld [tilespmem:$0x1FEC0]  }
0x100: {  	v26 =	vld [tilespmem:$0x1FEF0];
	v20 =	vadd.f32 v11, v20;
	v3 =	vmul.f32 v3, v14  }
0x101: {  	v44 =	vmul.f32 v59, v1;
	v59 =	vld [tilespmem:$0x1FF10]  }
0x102: {  	v28 =	vld [tilespmem:$0x1FF20];
	v14 =	vadd.f32 v12, v20;
	v13 =	vmul.f32 v3, v18;
	v20 =	vmul.f32 v23, v48  }
0x103: {  	v0 =	vadd.f32 v18, v0;
	v18 =	vld [tilespmem:$0x1FED0]  }
0x104: {  	v48 =	vld [tilespmem:$0x1FF00];
	v14 =	vadd.f32 v13, v14;
	v22 =	vmul.f32 v29, v16;
	v16 =	vmul.f32 v20, v17;
	_ =	sdelay $0x1  }
0x105: {  	v19 =	vmul.f32 v29, v19;
	v23 =	vadd.f32 v16, v14;
	v14 =	vmul.f32 v2, v15  }
0x106: {  	v1 =	vmul.f32 v29, v26;
	v28 =	vmul.f32 v29, v28;
	v0 =	vadd.f32 v17, v0  }
0x107: {  	v18 =	vmul.f32 v29, v18;
	v17 =	vadd.f32 v14, v23;
	v23 =	vmul.f32 v29, v59;
	v59 =	vld [tilespmem:$0x1FF40]  }
0x108: {  	v26 =	vmul.f32 v29, v48;
	v48 =	vmul.f32 v44, v60;
	v29 =	vld [tilespmem:$0x1FFC0];
	_ =	sdelay $0x1  }
0x109: {  	v0 =	vadd.f32 v15, v0;
	v15 =	vadd.f32 v48, v17;
	v17 =	vmul.f32 v22, v52;
	_ =	sdelay $0x1  }
0x10a: {  	v17 =	vadd.f32 v17, v59;
	v59 =	vld [tilespmem:$0x1FFD0]  }
0x10b: {  	v19 =	vmul.f32 v19, v54;
	v54 =	vld [tilespmem:$0x1FF80];
	v0 =	vadd.f32 v60, v0;
	v60 =	vperm.xlane v15, v29  }
0x10c: {  	v1 =	vmul.f32 v1, v55;
	v55 =	vld [tilespmem:$0x1FF90]  }
0x10d: {  	v26 =	vmul.f32 v26, v57;
	v57 =	vld [tilespmem:$0x1FF60];
	v15 =	vadd.f32 v15, v60  }
0x10e: {  	v18 =	vmul.f32 v18, v53;
	v53 =	vld [tilespmem:$0x1FE40]  }
0x10f: {  	v28 =	vmul.f32 v28, v58;
	v58 =	vmov v27;
	v60 =	vld [tilespmem:$0x1FE30];
	v27 =	vperm.xlane v15, v59  }
0x110: {  	v23 =	vmul.f32 v23, v56;
	v56 =	vld [tilespmem:$0x1FF50]  }
0x111: {  	v15 =	vadd.f32 v15, v27;
	v27 =	vld [tilespmem:$0x1FE50]  }
0x112: {  	v52 =	vld [tilespmem:$0x1FFE0]  }
0x113: {  	v22 =	vperm.xlane v0, v29;
	[tilespmem:$0x1FE30] =	vst v58;
	v58 =	vld [tilespmem:$0x1FFA0]  }
0x114: {  	v23 =	vadd.f32 v23, v55;
	v19 =	vadd.f32 v19, v57;
	v17 =	vmul.f32 v17, v60;
	v60 =	vld [tilespmem:$0x1FF70]  }
0x115: {  	v0 =	vadd.f32 v22, v0;
	v22 =	vadd.f32 v26, v54;
	v54 =	vld [tilespmem:$0x1FE90]  }
0x116: {  	v55 =	vmovc v20;
	v20 =	vmov v2;
	v18 =	vadd.f32 v18, v56;
	v19 =	vmul.f32 v19, v27;
	v27 =	vld [tilespmem:$0x1FE60]  }
0x117: {  	[tilespmem:$0x1FE90] =	vst v20;
	v20 =	vld [tilespmem:$0x1FE10]  }
0x118: {  	v18 =	vmul.f32 v18, v53;
	v53 =	vld [tilespmem:$0x1FE70];
	v57 =	vperm.xlane v0, v59  }
0x119: {  	v59 =	vmov v25;
	v26 =	vadd.f32 v28, v58;
	v58 =	vld [tilespmem:$0x1FE20];
	v1 =	vadd.f32 v1, v60  }
0x11a: {  	v56 =	vmov v24;
	[tilespmem:$0x1FE50] =	vst v59;
	v59 =	vld [tilespmem:$0x1FEA0]  }
0x11b: {  	[tilespmem:$0x1FE40] =	vst v56;
	v0 =	vadd.f32 v57, v0;
	v1 =	vmul.f32 v1, v27;
	v27 =	vmov v3;
	v3 =	vld [tilespmem:$0x1FE80]  }
0x11c: {  	v28 =	vperm.xlane v15, v52;
	v57 =	vmovc v46;
	v46 =	vmov v51;
	v60 =	vmov v21;
	[tilespmem:$0x1FE70] =	vst v27;
	v27 =	vld [tilespmem:$0x1FFF0]  }
0x11d: {  	s12 =	sshra.s32 s14, $0x2;
	v20 =	vmul.f32 v17, v20;
	[tilespmem:$0x1FEA0] =	vst v46  }
0x11e: {  	v56 =	vadd.f32 v15, v28;
	v15 =	vperm.xlane v0, v52;
	v21 =	vld [tilespmem:s12+$0x1970];
	[tilespmem:$0x1FE60] =	vst v60  }
0x11f: {  	v17 =	vmul.f32 v17, v58;
	v24 =	vmul.f32 v18, v59;
	v60 =	vmov v47;
	v47 =	vld [tilespmem:s12+$0x6970];
	[tilespmem:s3+$0xB900] =	vst v20  }
0x120: {  	v0 =	vadd.f32 v15, v0;
	v15 =	vmul.f32 v18, v30;
	[tilespmem:$0x1FE20] =	vst v60;
	v3 =	vmul.f32 v23, v3  }
0x121: {  	v18 =	vld [tilespmem:s12+$0x1960];
	[tilespmem:s3+$0x10900] =	vst v17;
	v23 =	vmul.f32 v26, v54;
	v54 =	vperm.xlane v56, v27  }
0x122: {  	v22 =	vmul.f32 v22, v53;
	v17 =	vmul.f32 v19, v31;
	[tilespmem:$0x1FE80] =	vst v55  }
0x123: {  	v19 =	vmul.f32 v19, v42;
	v20 =	vld [tilespmem:s12+$0x6960];
	[tilespmem:s3+$0xB910] =	vst v24;
	v55 =	vperm.xlane v0, v27;
	v2 =	vadd.f32 v56, v54  }
0x124: {  	v21 =	vmul.f32 v21, v21;
	v60 =	vmul.f32 v1, v33;
	v27 =	vld [tilespmem:s12+$0x1950];
	[tilespmem:s3+$0x10910] =	vst v15  }
0x125: {  	v1 =	vmul.f32 v1, v32;
	v28 =	vld [tilespmem:s12+$0x6950];
	[tilespmem:s3+$0xB920] =	vst v17;
	v0 =	vadd.f32 v55, v0;
	v59 =	vmul.f32 $7.812500000e-03, v2  }
0x126: {  	v33 =	vmovc v63;
	v63 =	vmul.f32 v22, v36;
	v15 =	vmul.f32 v22, v34;
	v34 =	vmov v4;
	v4 =	vld [tilespmem:s12+$0x1940];
	[tilespmem:s3+$0x10920] =	vst v19  }
0x127: {  	v36 =	vmov v5;
	v17 =	vld [tilespmem:s12+$0x6940];
	[tilespmem:s3+$0xB930] =	vst v60;
	v0 =	vmul.f32 $7.812500000e-03, v0;
	v5 =	vmul.f32 v59, v59  }
0x128: {  	v32 =	vmovc v6;
	v6 =	vmul.f32 v3, v35;
	v3 =	vmul.f32 v3, v37;
	v37 =	vmov v8;
	v8 =	vld [tilespmem:s12+$0x1930];
	[tilespmem:s3+$0x10930] =	vst v1  }
0x129: {  	v26 =	vmul.f32 v47, v47;
	v53 =	vsub.f32 v10, v59;
	v10 =	vld [tilespmem:s12+$0x6930];
	[tilespmem:s3+$0xB940] =	vst v15;
	v0 =	vsub.f32 v0, v5  }
0x12a: {  	v24 =	vmul.f32 v23, v38;
	v52 =	vsub.f32 v9, v59;
	v54 =	vsub.f32 v11, v59;
	v15 =	vld [tilespmem:s12+$0x1920];
	[tilespmem:s3+$0x10940] =	vst v63  }
0x12b: {  	v35 =	vmovc v7;
	v7 =	vmul.f32 v20, v20;
	v55 =	vsub.f32 v12, v59;
	v2 =	vld [tilespmem:s12+$0x1910];
	[tilespmem:s3+$0xB950] =	vst v6;
	v0 =	vadd.f32 $9.999999740e-06, v0  }
0x12c: {  	v12 =	vmul.f32 v23, v40;
	v58 =	vsub.f32 v14, v59;
	v14 =	vmul.f32 v28, v28;
	v19 =	vld [tilespmem:s12+$0x6910];
	[tilespmem:s3+$0x10950] =	vst v3  }
0x12d: {  	v38 =	vmovc v62;
	v11 =	vmul.f32 v4, v4;
	v46 =	vld [tilespmem:s12+$0x1900];
	[tilespmem:s3+$0xB960] =	vst v24;
	v3 =	vshra.s32 v0, $0x1;
	v62 =	vmul.f32 $5.000000000e-01, v0  }
0x12e: {  	p0 =	sne.s32 s14, $0x9E00;
	v5 =	vmul.f32 v18, v18;
	v6 =	vmul.f32 v27, v27;
	v47 =	vld [tilespmem:s12+$0x6900];
	[tilespmem:s3+$0x10960] =	vst v12;
	v9 =	vsub.s32 $0x5F3759DF, v3  }
.Ltmp0:
0x12f: {  	[tilespmem:$0x1FE10] =	vst v57;
	v57 =	vsub.f32 v13, v59;
	v13 =	vmul.f32 v17, v17;
	v17 =	vld [tilespmem:s12+$0x6920];
	v0 =	vmul.f32 v9, v62;
	(pc) =	sbr.rel @p0 .LBB2_3-.Ltmp0, $4  }
0x130: {  	v56 =	vsub.f32 v16, v59;
	v16 =	vmul.f32 v8, v8;
	v10 =	vmul.f32 v10, v10;
	v51 =	vld [tilespmem:s12+$0x1910]  }
0x131: {  	v30 =	vmovc v49;
	v31 =	vmov v50;
	v8 =	vmul.f32 v15, v15;
	v49 =	vld [tilespmem:s12+$0x6910];
	v0 =	vmul.f32 v9, v0  }
0x132: {  	v60 =	vadd.f32 v26, v21;
	v40 =	vmovc v61;
	v50 =	vld [tilespmem:s12+$0x1920];
	v12 =	vmul.f32 v2, v2;
	v61 =	vmul.f32 v19, v19  }
0x133: {  	s14 =	sadd.s32 $0x200, s14;
	v42 =	vmovc v43;
	v43 =	vld [tilespmem:s12+$0x6920];
	v18 =	vmul.f32 v46, v46;
	v19 =	vmul.f32 v47, v47;
	v4 =	vsub.f32 $1.500000000e+00, v0  }
0x134: {  	v0 =	vadd.f32 v14, v6  }
0x135: {  	v1 =	vadd.f32 v7, v5;
	v2 =	vmul.f32 v17, v17;
	v7 =	vadd.f32 v61, v12  }
0x136: {  	v10 =	vadd.f32 v10, v16;
	v16 =	vshra.s32 v60, $0x1;
	v3 =	vadd.f32 v19, v18  }
0x137: {  	v61 =	vmul.f32 $5.000000000e-01, v60;
	v18 =	vadd.f32 v13, v11;
	v2 =	vadd.f32 v2, v8  }
0x138: {  	v5 =	vshra.s32 v7, $0x1;
	v6 =	vshra.s32 v3, $0x1;
	v8 =	vmul.f32 $5.000000000e-01, v3  }
0x139: {  	v13 =	vmul.f32 $5.000000000e-01, v7;
	v5 =	vsub.s32 $0x5F3759DF, v5;
	v6 =	vsub.s32 $0x5F3759DF, v6  }
0x13a: {  	v12 =	vshra.s32 v2, $0x1;
	v14 =	vmul.f32 $5.000000000e-01, v2;
	v8 =	vmul.f32 v6, v8  }
0x13b: {  	v15 =	vshra.s32 v1, $0x1;
	v13 =	vmul.f32 v5, v13;
	v12 =	vsub.s32 $0x5F3759DF, v12  }
0x13c: {  	v19 =	vshra.s32 v0, $0x1;
	v14 =	vmul.f32 v12, v14;
	v8 =	vmul.f32 v6, v8  }
0x13d: {  	v17 =	vshra.s32 v10, $0x1;
	v20 =	vmul.f32 $5.000000000e-01, v10;
	v13 =	vmul.f32 v5, v13  }
0x13e: {  	v21 =	vmul.f32 $5.000000000e-01, v1;
	v14 =	vmul.f32 v12, v14;
	v8 =	vsub.f32 $1.500000000e+00, v8  }
0x13f: {  	v11 =	vadd.f32 v7, v3;
	v22 =	vsub.s32 $0x5F3759DF, v17;
	v13 =	vsub.f32 $1.500000000e+00, v13  }
0x140: {  	v17 =	vmul.f32 v22, v20;
	v63 =	vmul.f32 v6, v8;
	v8 =	vsub.f32 $1.500000000e+00, v14  }
0x141: {  	v23 =	vmul.f32 v5, v13;
	v5 =	vmul.f32 $5.000000000e-01, v18;
	v14 =	vshra.s32 v18, $0x1  }
0x142: {  	v13 =	vsub.s32 $0x5F3759DF, v14;
	v14 =	vmul.f32 v22, v17;
	v6 =	vmul.f32 v12, v8  }
0x143: {  	v20 =	vsub.s32 $0x5F3759DF, v16;
	v8 =	vmul.f32 $5.000000000e-01, v0;
	v5 =	vmul.f32 v13, v5  }
0x144: {  	v12 =	vsub.s32 $0x5F3759DF, v19;
	v16 =	vmul.f32 v63, v3;
	v3 =	vsub.f32 $1.500000000e+00, v14  }
0x145: {  	v19 =	vsub.s32 $0x5F3759DF, v15;
	v14 =	vmul.f32 v23, v7;
	v15 =	vmul.f32 v13, v5  }
0x146: {  	v8 =	vmul.f32 v12, v8;
	v5 =	vmul.f32 v22, v3;
	v3 =	vadd.f32 $0.0e+00, v16  }
0x147: {  	v21 =	vmul.f32 v19, v21;
	v22 =	vmul.f32 v20, v61;
	v7 =	vsub.f32 $1.500000000e+00, v15  }
0x148: {  	v8 =	vmul.f32 v12, v8;
	v15 =	vmul.f32 v6, v2;
	v3 =	vadd.f32 v14, v3  }
0x149: {  	v21 =	vmul.f32 v19, v21;
	v17 =	vmul.f32 v13, v7  }
0x14a: {  	v8 =	vsub.f32 $1.500000000e+00, v8;
	v13 =	vmul.f32 v5, v10;
	v3 =	vadd.f32 v15, v3  }
0x14b: {  	v2 =	vadd.f32 v2, v11;
	v11 =	vmul.f32 v20, v22;
	v21 =	vsub.f32 $1.500000000e+00, v21  }
0x14c: {  	v8 =	vmul.f32 v12, v8;
	v12 =	vmul.f32 v17, v18;
	v3 =	vadd.f32 v13, v3  }
0x14d: {  	v2 =	vadd.f32 v10, v2;
	v10 =	vsub.f32 $1.500000000e+00, v11  }
0x14e: {  	v61 =	vmul.f32 v19, v21;
	v11 =	vmul.f32 v8, v0;
	v3 =	vadd.f32 v12, v3  }
0x14f: {  	v2 =	vadd.f32 v18, v2  }
0x150: {  	v18 =	vmul.f32 v20, v10;
	v10 =	vmul.f32 v61, v1;
	v3 =	vadd.f32 v11, v3;
	_ =	sdelay $0x1  }
0x151: {  	v21 =	vadd.f32 v10, v3;
	v3 =	vmul.f32 v18, v60  }
0x152: {  	v0 =	vadd.f32 v0, v2  }
0x153: {  	v22 =	vadd.f32 v3, v21  }
0x154: {  	[tilespmem:$0x1FCF0] =	vst v5;
	v5 =	vld [tilespmem:$0x1FFD0];
	v0 =	vadd.f32 v1, v0  }
0x155: {  	v2 =	vperm.xlane v22, v29  }
0x156: {  	v0 =	vadd.f32 v60, v0  }
0x157: {  	v1 =	vadd.f32 v22, v2  }
0x158: {  	v4 =	vmul.f32 v9, v4;
	[tilespmem:$0x1FCD0] =	vst v23;
	v60 =	vld [tilespmem:$0x1FFE0];
	v23 =	vperm.xlane v0, v29  }
0x159: {  	v24 =	vperm.xlane v1, v5  }
0x15a: {  	v26 =	vmul.f32 v4, v62;
	v0 =	vadd.f32 v23, v0  }
0x15b: {  	v1 =	vadd.f32 v1, v24  }
0x15c: {  	v25 =	vperm.xlane v0, v5;
	v2 =	vmul.f32 v26, v4;
	v5 =	vld [tilespmem:$0x1FFF0]  }
0x15d: {  	v7 =	vld [tilespmem:$0x1FF00];
	v9 =	vperm.xlane v1, v60  }
0x15e: {  	v27 =	vsub.f32 v48, v59;
	v48 =	vld [tilespmem:$0x1FF30];
	v2 =	vsub.f32 $1.500000000e+00, v2  }
0x15f: {  	v62 =	vld [tilespmem:$0x1FEF0];
	v0 =	vadd.f32 v25, v0;
	v1 =	vadd.f32 v1, v9  }
0x160: {  	v2 =	vmul.f32 v2, v4  }
0x161: {  	v9 =	vperm.xlane v0, v60;
	v19 =	vperm.xlane v1, v5  }
0x162: {  	v26 =	vmul.f32 v2, v7  }
0x163: {  	v59 =	vld [tilespmem:$0x1FFB0];
	v4 =	vmul.f32 v2, v48;
	v0 =	vadd.f32 v9, v0;
	v1 =	vadd.f32 v1, v19  }
0x164: {  	v25 =	vmul.f32 v2, v62;
	v26 =	vmul.f32 v26, v57;
	v57 =	vld [tilespmem:$0x1FF10]  }
0x165: {  	v19 =	vperm.xlane v0, v5;
	v5 =	vld [tilespmem:$0x1FED0];
	v9 =	vmul.f32 $7.812500000e-03, v1  }
0x166: {  	v1 =	vmul.f32 v4, v27;
	v4 =	vmul.f32 v45, v39;
	v39 =	vld [tilespmem:$0x1FEC0]  }
0x167: {  	[tilespmem:$0x1FCE0] =	vst v6;
	v6 =	vld [tilespmem:$0x1FEE0];
	v0 =	vadd.f32 v19, v0  }
0x168: {  	v25 =	vmul.f32 v25, v55;
	v55 =	vld [tilespmem:$0x1FF20]  }
0x169: {  	v0 =	vmul.f32 $7.812500000e-03, v0;
	v19 =	vmul.f32 v9, v9  }
0x16a: {  	v27 =	vmul.f32 v2, v57;
	v1 =	vadd.f32 v1, v59  }
0x16b: {  	v21 =	vmul.f32 v2, v5;
	v0 =	vsub.f32 v0, v19;
	v19 =	vmul.f32 v2, v39  }
0x16c: {  	v1 =	vmul.f32 v1, v44;
	v44 =	vmul.f32 v2, v6  }
0x16d: {  	v2 =	vmul.f32 v2, v55;
	v0 =	vadd.f32 $9.999999740e-06, v0;
	v19 =	vmul.f32 v19, v52;
	v52 =	vld [tilespmem:$0x1FF60];
	_ =	sdelay $0x1  }
0x16e: {  	v2 =	vmul.f32 v2, v58;
	v58 =	vld [tilespmem:$0x1FE50];
	v20 =	vshra.s32 v0, $0x1;
	v0 =	vmul.f32 $5.000000000e-01, v0  }
0x16f: {  	v22 =	vmul.f32 v44, v54;
	v20 =	vsub.s32 $0x5F3759DF, v20  }
0x170: {  	v24 =	vmul.f32 v20, v0  }
0x171: {  	v21 =	vmul.f32 v21, v53;
	v53 =	vld [tilespmem:$0x1FF70];
	v22 =	vadd.f32 v22, v52  }
0x172: {  	v29 =	vld [tilespmem:$0x1FF40];
	v24 =	vmul.f32 v20, v24  }
0x173: {  	v22 =	vmul.f32 v22, v58;
	v58 =	vld [tilespmem:$0x1FE60]  }
0x174: {  	v54 =	vld [tilespmem:$0x1FE30];
	v24 =	vsub.f32 $1.500000000e+00, v24  }
0x175: {  	v45 =	vld [tilespmem:s4+$0x6970]  }
0x176: {  	v44 =	vld [tilespmem:$0x1FF80];
	v20 =	vmul.f32 v20, v24;
	v24 =	vadd.f32 v25, v53  }
0x177: {  	v19 =	vadd.f32 v19, v29  }
0x178: {  	v24 =	vmul.f32 v24, v58;
	v58 =	vld [tilespmem:$0x1FE70]  }
0x179: {  	v19 =	vmul.f32 v19, v54;
	v54 =	vld [tilespmem:$0x1FF50]  }
0x17a: {  	v27 =	vmul.f32 v27, v56;
	v56 =	vld [tilespmem:$0x1FE40]  }
0x17b: {  	v23 =	vmul.f32 v1, v45;
	v45 =	vld [tilespmem:$0x1FF90];
	v25 =	vadd.f32 v26, v44;
	_ =	sdelay $0x1  }
0x17c: {  	v25 =	vmul.f32 v25, v58;
	v58 =	vld [tilespmem:$0x1FE80]  }
0x17d: {  	v21 =	vadd.f32 v21, v54;
	_ =	sdelay $0x1  }
0x17e: {  	v26 =	vadd.f32 v27, v45;
	v0 =	vmul.f32 v20, v0;
	v21 =	vmul.f32 v21, v56;
	v56 =	vld [tilespmem:$0x1FFA0];
	_ =	sdelay $0x1  }
0x17f: {  	v0 =	vmul.f32 v0, v20;
	v26 =	vmul.f32 v26, v58;
	v58 =	vld [tilespmem:$0x1FE90]  }
0x180: {  	[tilespmem:s3+$0xB970] =	vst v4  }
0x181: {  	v0 =	vsub.f32 $1.500000000e+00, v0;
	v4 =	vld [tilespmem:$0x1FE10]  }
0x182: {  	v2 =	vadd.f32 v2, v56  }
0x183: {  	v0 =	vmul.f32 v0, v20  }
0x184: {  	v20 =	vmul.f32 v22, v31;
	v2 =	vmul.f32 v2, v58;
	v58 =	vld [tilespmem:$0x1FE20]  }
0x185: {  	v1 =	vmul.f32 v1, v41;
	[tilespmem:s4+$0x10970] =	vst v23  }
0x186: {  	v4 =	vmul.f32 v19, v4;
	v23 =	vld [tilespmem:$0x1FEA0];
	[tilespmem:s4+$0xB920] =	vst v20  }
0x187: {  	v20 =	vmul.f32 v25, v36;
	[tilespmem:s4+$0xB970] =	vst v1  }
0x188: {  	[tilespmem:s4+$0xB900] =	vst v4;
	v4 =	vmul.f32 v21, v30  }
0x189: {  	[tilespmem:s4+$0x10940] =	vst v20;
	v19 =	vmul.f32 v19, v58  }
0x18a: {  	[tilespmem:s4+$0x10910] =	vst v4;
	v4 =	vmul.f32 v25, v34  }
0x18b: {  	v23 =	vmul.f32 v21, v23;
	[tilespmem:s4+$0x10900] =	vst v19  }
0x18c: {  	v19 =	vmul.f32 v22, v42;
	[tilespmem:s4+$0xB940] =	vst v4  }
0x18d: {  	v22 =	vmul.f32 v24, v33;
	[tilespmem:s4+$0xB910] =	vst v23  }
0x18e: {  	v42 =	vmul.f32 v26, v35;
	[tilespmem:s4+$0x10920] =	vst v19  }
0x18f: {  	v3 =	vsub.f32 v3, v9;
	v27 =	vmul.f32 v0, v48;
	v23 =	vmul.f32 v24, v32;
	[tilespmem:s4+$0xB930] =	vst v22  }
0x190: {  	v32 =	vmul.f32 v2, v38;
	[tilespmem:s4+$0xB950] =	vst v42  }
0x191: {  	v3 =	vmul.f32 v27, v3;
	v2 =	vmul.f32 v2, v40;
	[tilespmem:s4+$0x10930] =	vst v23  }
0x192: {  	v16 =	vsub.f32 v16, v9;
	v58 =	vld [tilespmem:s12+$0x6970];
	v34 =	vmul.f32 v0, v39;
	v19 =	vmul.f32 v26, v37;
	[tilespmem:s4+$0xB960] =	vst v32  }
0x193: {  	v3 =	vadd.f32 v3, v59;
	[tilespmem:s4+$0x10960] =	vst v2  }
0x194: {  	v14 =	vsub.f32 v14, v9;
	v4 =	vmul.f32 v0, v5;
	v16 =	vmul.f32 v34, v16;
	[tilespmem:s4+$0x10950] =	vst v19  }
0x195: {  	v13 =	vsub.f32 v13, v9;
	v28 =	vmul.f32 v0, v57;
	v3 =	vmul.f32 v3, v18;
	v5 =	vld [tilespmem:$0x1FCD0]  }
0x196: {  	v39 =	vmul.f32 v0, v62;
	v4 =	vmul.f32 v4, v14;
	v14 =	vadd.f32 v16, v29  }
0x197: {  	v15 =	vsub.f32 v15, v9;
	v37 =	vmul.f32 v0, v6;
	v20 =	vmul.f32 v3, v58  }
0x198: {  	v41 =	vmul.f32 v39, v13;
	v14 =	vmul.f32 v14, v63;
	v4 =	vadd.f32 v4, v54  }
0x199: {  	v12 =	vsub.f32 v12, v9;
	v19 =	vmul.f32 v0, v7;
	v15 =	vmul.f32 v37, v15;
	[tilespmem:s12+$0x10970] =	vst v20  }
0x19a: {  	v11 =	vsub.f32 v11, v9;
	v6 =	vmul.f32 v14, v46;
	v4 =	vmul.f32 v4, v5;
	v5 =	vld [tilespmem:$0x1FCE0]  }
0x19b: {  	v18 =	vld [tilespmem:s12+$0x1940];
	v0 =	vmul.f32 v0, v55;
	v12 =	vmul.f32 v19, v12  }
0x19c: {  	v13 =	vld [tilespmem:s12+$0x1970];
	v14 =	vmul.f32 v14, v47;
	[tilespmem:s12+$0xB900] =	vst v6;
	v6 =	vsub.f32 v10, v9;
	v9 =	vmul.f32 v28, v11  }
0x19d: {  	v38 =	vld [tilespmem:s12+$0x1950];
	v42 =	vadd.f32 v15, v52;
	v15 =	vmul.f32 v4, v51;
	v4 =	vmul.f32 v4, v49  }
0x19e: {  	v29 =	vld [tilespmem:s12+$0x1960];
	[tilespmem:s12+$0x10900] =	vst v14;
	v10 =	vadd.f32 v12, v44;
	v0 =	vmul.f32 v0, v6  }
0x19f: {  	v1 =	vmul.f32 v42, v5;
	v5 =	vld [tilespmem:$0x1FCF0];
	[tilespmem:s12+$0x10910] =	vst v4;
	v4 =	vadd.f32 v9, v45  }
0x1a0: {  	v40 =	vld [tilespmem:s12+$0x6960];
	v6 =	vmul.f32 v10, v17;
	v0 =	vadd.f32 v0, v56  }
0x1a1: {  	v54 =	vmul.f32 v3, v13;
	v52 =	vmul.f32 v4, v8  }
0x1a2: {  	[tilespmem:s12+$0xB910] =	vst v15;
	v0 =	vmul.f32 v0, v61;
	v4 =	vmul.f32 v6, v18  }
0x1a3: {  	v33 =	vld [tilespmem:s12+$0x1930];
	v2 =	vadd.f32 v41, v53;
	[tilespmem:s12+$0xB970] =	vst v54;
	v53 =	vmul.f32 v52, v38  }
0x1a4: {  	v35 =	vld [tilespmem:s12+$0x6930];
	[tilespmem:s12+$0xB940] =	vst v4;
	v4 =	vmul.f32 v0, v29  }
0x1a5: {  	v36 =	vld [tilespmem:s12+$0x6940];
	v0 =	vmul.f32 v0, v40;
	[tilespmem:s12+$0xB950] =	vst v53  }
0x1a6: {  	v16 =	vld [tilespmem:s12+$0x6950];
	v2 =	vmul.f32 v2, v5;
	v5 =	vmul.f32 v1, v50;
	[tilespmem:s12+$0xB960] =	vst v4  }
0x1a7: {  	v1 =	vmul.f32 v1, v43;
	[tilespmem:s12+$0x10960] =	vst v0  }
0x1a8: {  	v7 =	vmul.f32 v2, v33;
	[tilespmem:s12+$0xB920] =	vst v5  }
0x1a9: {  	v2 =	vmul.f32 v2, v35;
	[tilespmem:s12+$0x10920] =	vst v1  }
0x1aa: {  	v5 =	vmul.f32 v6, v36;
	[tilespmem:s12+$0xB930] =	vst v7  }
0x1ab: {  	s1 =	sadd.s32 s7, s1;
	v1 =	vmul.f32 v52, v16;
	[tilespmem:s12+$0x10930] =	vst v2  }
0x1ac: {  	s1 =	sshll.u32 s1, $0x4;
	[tilespmem:s12+$0x10940] =	vst v5  }
0x1ad: {  	p0 =	seq.s32 s5, $0x27;
	s14 =	sadd.s32 s8, s1;
	[tilespmem:s12+$0x10950] =	vst v1  }
0x1ae: {  	[hbm4b:s14+s6] =	stream.linear.scatter [tilespmem:s22], [sflag:$0x5], $0x2800, $0x38;
	[tilespmem:$0x15A00] =	vst v63  }
0x1af: {  	s1 =	sadd.s32 s9, s1;
	s3 =	smul.u32 @!p0 $0x280, s5  }
0x1b0: {  	[hbm4b:s1+s6] =	stream.linear.scatter [tilespmem:s23], [sflag:$0x5], $0x2800, $0x38;
	[tilespmem:$0x15A00] =	vst v63  }
0x1b1: {  	s1 =	sshra.s32 @!p0 s3, $0x2  }
0x1b2: {  	s4 =	simm.s32 @!p0 $0x1900;
	s3 =	simm.s32 @!p0 $0x50;
	s1 =	sadd.s32 @!p0 $0xA0, s1  }
0x1b3: {  	[tilespmem:s4], [sflag:$0x1] =	stream.indirect.gather @!p0 [hbm4b:s0+s3], $0x80, s1, s3, $0xb8;
	[tilespmem:$0x15A00] =	vst v63  }
0x1b4: {  	s4 =	simm.s32 @!p0 $0x6900  }
0x1b5: {  	[tilespmem:s4], [sflag:$0x3] =	stream.indirect.gather @!p0 [hbm4b:s2+s3], $0x80, s1, s3, $0xb8;
	[tilespmem:$0x15A00] =	vst v63  }
0x1b6: {  	_ =	swait.ge [sflag:s24], $0x2800  }
0x1b7: {  	[sflag:s24] =	ssyncset.done $0x0  }
0x1b8: {  	[sflag:s24] =	ssyncadd.s32 $0xFFFFD800  }
0x1b9: {  	_ =	swait.ge [sflag:s25], $0x2800  }
0x1ba: {  	[sflag:s25] =	ssyncset.done $0x0  }
0x1bb: {  	s1 =	simm.s32 $0x0;
	[sflag:s25] =	ssyncadd.s32 $0xFFFFD800  }
0x1bc: {  	v55 =	vld [tilespmem:s1+$0x4170]  }
0x1bd: {  	v56 =	vld [tilespmem:s1+$0x9170]  }
0x1be: {  	v57 =	vld [tilespmem:s1+$0x4160]  }
0x1bf: {  	v3 =	vld [tilespmem:s1+$0x9160]  }
0x1c0: {  	v4 =	vld [tilespmem:s1+$0x4150]  }
0x1c1: {  	v5 =	vld [tilespmem:s1+$0x9150]  }
0x1c2: {  	v6 =	vld [tilespmem:s1+$0x4140]  }
0x1c3: {  	v14 =	vld [tilespmem:s1+$0x4100]  }
0x1c4: {  	v7 =	vld [tilespmem:s1+$0x9140]  }
0x1c5: {  	v8 =	vld [tilespmem:s1+$0x4130]  }
0x1c6: {  	v9 =	vld [tilespmem:s1+$0x4120]  }
0x1c7: {  	v10 =	vld [tilespmem:s1+$0x4110]  }
0x1c8: {  	v11 =	vld [tilespmem:s1+$0x9110];
	[tilespmem:$0x1FDF0] =	vst v14  }
0x1c9: {  	v15 =	vld [tilespmem:s1+$0x9100];
	_ =	sdelay $0x2  }
0x1ca: {  	v0 =	vmul.f32 v55, v55  }
0x1cb: {  	v2 =	vmul.f32 v57, v57;
	v1 =	vmul.f32 v56, v56  }
0x1cc: {  	v4 =	vmul.f32 v4, v4;
	v3 =	vmul.f32 v3, v3;
	[tilespmem:$0x1FE00] =	vst v15  }
0x1cd: {  	v5 =	vmul.f32 v5, v5;
	v6 =	vmul.f32 v6, v6;
	v12 =	vld [tilespmem:s1+$0x9130]  }
0x1ce: {  	v7 =	vmul.f32 v7, v7;
	v8 =	vmul.f32 v8, v8;
	v13 =	vld [tilespmem:s1+$0x9120]  }
0x1cf: {  	v9 =	vmul.f32 v9, v9;
	v10 =	vmul.f32 v10, v10  }
0x1d0: {  	v14 =	vmul.f32 v14, v14;
	v11 =	vmul.f32 v11, v11  }
0x1d1: {  	v0 =	vadd.f32 v1, v0;
	v2 =	vadd.f32 v3, v2;
	v15 =	vmul.f32 v15, v15  }
0x1d2: {  	v6 =	vadd.f32 v7, v6;
	v58 =	vmul.f32 v12, v12;
	v12 =	vadd.f32 v5, v4  }
0x1d3: {  	v3 =	vmul.f32 v13, v13;
	v4 =	vadd.f32 v15, v14;
	v5 =	vadd.f32 v11, v10  }
0x1d4: {  	v10 =	vmul.f32 $5.000000000e-01, v0;
	v13 =	vmul.f32 $5.000000000e-01, v2;
	v14 =	vshra.s32 v6, $0x1  }
0x1d5: {  	v15 =	vmul.f32 $5.000000000e-01, v6;
	v14 =	vsub.s32 $0x5F3759DF, v14;
	v1 =	vadd.f32 v58, v8  }
0x1d6: {  	v7 =	vadd.f32 v5, v4;
	v3 =	vadd.f32 v3, v9;
	v8 =	vshra.s32 v2, $0x1  }
0x1d7: {  	v9 =	vshra.s32 v0, $0x1;
	v16 =	vshra.s32 v4, $0x1;
	v17 =	vmul.f32 $5.000000000e-01, v4  }
0x1d8: {  	v18 =	vshra.s32 v5, $0x1;
	v19 =	vmul.f32 $5.000000000e-01, v5;
	v16 =	vsub.s32 $0x5F3759DF, v16  }
0x1d9: {  	v11 =	vshra.s32 v12, $0x1;
	v18 =	vsub.s32 $0x5F3759DF, v18;
	v17 =	vmul.f32 v16, v17  }
0x1da: {  	v20 =	vmul.f32 $5.000000000e-01, v12;
	v61 =	vshra.s32 v1, $0x1;
	v19 =	vmul.f32 v18, v19  }
0x1db: {  	v32 =	vshra.s32 v3, $0x1;
	v33 =	vmul.f32 $5.000000000e-01, v3;
	v17 =	vmul.f32 v16, v17  }
0x1dc: {  	v63 =	vmul.f32 $5.000000000e-01, v1;
	v23 =	vsub.s32 $0x5F3759DF, v32;
	v21 =	vsub.s32 $0x5F3759DF, v61  }
0x1dd: {  	v19 =	vmul.f32 v18, v19;
	v24 =	vmul.f32 v23, v33;
	v17 =	vsub.f32 $1.500000000e+00, v17  }
0x1de: {  	v15 =	vmul.f32 v14, v15;
	v9 =	vsub.s32 $0x5F3759DF, v9;
	v22 =	vmul.f32 v21, v63  }
0x1df: {  	v19 =	vsub.f32 $1.500000000e+00, v19;
	v24 =	vmul.f32 v23, v24;
	v35 =	vmul.f32 v16, v17  }
0x1e0: {  	v8 =	vsub.s32 $0x5F3759DF, v8;
	v11 =	vsub.s32 $0x5F3759DF, v11;
	v16 =	vmul.f32 v21, v22  }
0x1e1: {  	v37 =	vmul.f32 v18, v19;
	v17 =	vmul.f32 v35, v4;
	v4 =	vsub.f32 $1.500000000e+00, v24  }
0x1e2: {  	v15 =	vmul.f32 v14, v15;
	v18 =	vmul.f32 v11, v20;
	v16 =	vsub.f32 $1.500000000e+00, v16  }
0x1e3: {  	v34 =	vmul.f32 v37, v5;
	v19 =	vadd.f32 $0.0e+00, v17;
	v38 =	vmul.f32 v23, v4  }
0x1e4: {  	v13 =	vmul.f32 v8, v13;
	v5 =	vmul.f32 v11, v18;
	v4 =	vsub.f32 $1.500000000e+00, v15  }
0x1e5: {  	v40 =	vmul.f32 v21, v16;
	v15 =	vadd.f32 v34, v19;
	v18 =	vmul.f32 v38, v3  }
0x1e6: {  	v10 =	vmul.f32 v9, v10;
	v13 =	vmul.f32 v8, v13;
	v5 =	vsub.f32 $1.500000000e+00, v5  }
0x1e7: {  	v16 =	vmul.f32 v40, v1;
	v41 =	vmul.f32 v14, v4;
	v15 =	vadd.f32 v18, v15  }
0x1e8: {  	v3 =	vadd.f32 v3, v7;
	v4 =	vsub.f32 $1.500000000e+00, v13;
	v7 =	vmul.f32 v9, v10  }
0x1e9: {  	v47 =	vmul.f32 v11, v5;
	v14 =	vmul.f32 v41, v6;
	v10 =	vadd.f32 v16, v15  }
0x1ea: {  	v1 =	vadd.f32 v1, v3;
	v3 =	vsub.f32 $1.500000000e+00, v7  }
0x1eb: {  	v5 =	vmul.f32 v47, v12;
	v49 =	vmul.f32 v8, v4;
	v7 =	vadd.f32 v14, v10  }
0x1ec: {  	v1 =	vadd.f32 v6, v1  }
0x1ed: {  	v4 =	vmul.f32 v49, v2;
	v6 =	vmul.f32 v9, v3;
	v7 =	vadd.f32 v5, v7  }
0x1ee: {  	v43 =	vld [tilespmem:$0x1FFC0]  }
0x1ef: {  	v1 =	vadd.f32 v12, v1;
	v8 =	vmul.f32 v6, v0;
	v3 =	vadd.f32 v4, v7;
	_ =	sdelay $0x1  }
0x1f0: {  	v44 =	vld [tilespmem:$0x1FFC0];
	v1 =	vadd.f32 v2, v1;
	v42 =	vadd.f32 v8, v3;
	_ =	sdelay $0x1  }
0x1f1: {  	v0 =	vadd.f32 v0, v1;
	v1 =	vperm.xlane v42, v43;
	v43 =	vld [tilespmem:$0x1FFD0];
	_ =	sdelay $0x2  }
0x1f2: {  	v2 =	vperm.xlane v0, v44;
	v1 =	vadd.f32 v42, v1;
	_ =	sdelay $0x1  }
0x1f3: {  	v0 =	vadd.f32 v2, v0;
	v3 =	vperm.xlane v1, v43;
	_ =	sdelay $0x1  }
0x1f4: {  	v2 =	vperm.xlane v0, v43;
	v1 =	vadd.f32 v1, v3  }
0x1f5: {  	v63 =	vld [tilespmem:$0x1FFF0]  }
0x1f6: {  	v0 =	vadd.f32 v2, v0;
	v3 =	vperm.xlane v1, v60  }
0x1f7: {  	s3 =	simm.s32 $0x80  }
0x1f8: {  	v45 =	vld [tilespmem:s3+$0x9170];
	v2 =	vperm.xlane v0, v60;
	v1 =	vadd.f32 v1, v3  }
0x1f9: {  	v51 =	vld [tilespmem:s3+$0x4120]  }
0x1fa: {  	v52 =	vld [tilespmem:s3+$0x4110];
	v0 =	vadd.f32 v2, v0;
	v7 =	vperm.xlane v1, v63  }
0x1fb: {  	v53 =	vld [tilespmem:s3+$0x9110]  }
0x1fc: {  	v54 =	vld [tilespmem:s3+$0x9100];
	v10 =	vperm.xlane v0, v63;
	v1 =	vadd.f32 v1, v7  }
0x1fd: {  	v56 =	vld [tilespmem:s3+$0x9130]  }
0x1fe: {  	v11 =	vld [tilespmem:s3+$0x9160];
	v0 =	vadd.f32 v10, v0;
	v7 =	vmul.f32 $7.812500000e-03, v1  }
0x1ff: {  	v19 =	vld [tilespmem:s3+$0x4130]  }
0x200: {  	v9 =	vld [tilespmem:s3+$0x4160];
	v0 =	vmul.f32 $7.812500000e-03, v0;
	v13 =	vmul.f32 v7, v7  }
0x201: {  	v50 =	vld [tilespmem:s3+$0x9150]  }
0x202: {  	v25 =	vmul.f32 v53, v53;
	v28 =	vmul.f32 v54, v54;
	v15 =	vld [tilespmem:s3+$0x9140];
	v0 =	vsub.f32 v0, v13  }
0x203: {  	v22 =	vmul.f32 v56, v56;
	v24 =	vmul.f32 v52, v52;
	v3 =	vld [tilespmem:s3+$0x4170]  }
0x204: {  	v23 =	vmul.f32 v51, v51;
	v11 =	vmul.f32 v11, v11;
	v12 =	vld [tilespmem:s3+$0x4150];
	v0 =	vadd.f32 $9.999999740e-06, v0  }
0x205: {  	v19 =	vmul.f32 v19, v19;
	v9 =	vmul.f32 v9, v9  }
0x206: {  	v13 =	vsub.f32 v17, v7;
	v17 =	vshra.s32 v0, $0x1;
	v0 =	vmul.f32 $5.000000000e-01, v0  }
0x207: {  	v15 =	vmul.f32 v15, v15;
	v2 =	vmul.f32 v45, v45;
	v10 =	vld [tilespmem:s3+$0x4140];
	v55 =	vsub.s32 $0x5F3759DF, v17  }
0x208: {  	v20 =	vld [tilespmem:s3+$0x4100];
	v3 =	vmul.f32 v3, v3;
	v57 =	vmul.f32 v55, v0  }
0x209: {  	v12 =	vmul.f32 v12, v12;
	v30 =	vadd.f32 v11, v9;
	v1 =	vmul.f32 v50, v50  }
0x20a: {  	v2 =	vadd.f32 v2, v3;
	v32 =	vsub.f32 v18, v7;
	v27 =	vmul.f32 v55, v57  }
0x20b: {  	v1 =	vadd.f32 v1, v12;
	v12 =	vadd.f32 v25, v24;
	v25 =	vmul.f32 $5.000000000e-01, v30  }
0x20c: {  	v18 =	vld [tilespmem:s3+$0x9120];
	v44 =	vsub.f32 v8, v7;
	v10 =	vmul.f32 v10, v10;
	v3 =	vsub.f32 $1.500000000e+00, v27  }
0x20d: {  	v17 =	vsub.f32 v34, v7;
	v34 =	vsub.f32 v14, v7;
	v14 =	vmul.f32 v20, v20  }
0x20e: {  	v24 =	vshra.s32 v1, $0x1;
	v61 =	vmul.f32 $5.000000000e-01, v1;
	v3 =	vmul.f32 v55, v3  }
0x20f: {  	v50 =	vshra.s32 v12, $0x1;
	v51 =	vmul.f32 $5.000000000e-01, v12;
	v11 =	vadd.f32 v28, v14  }
0x210: {  	v15 =	vadd.f32 v15, v10;
	v10 =	vshra.s32 v30, $0x1;
	v0 =	vmul.f32 v3, v0  }
0x211: {  	v9 =	vmul.f32 v18, v18;
	v31 =	vshra.s32 v11, $0x1;
	v45 =	vmul.f32 $5.000000000e-01, v11  }
0x212: {  	v18 =	vadd.f32 v22, v19;
	v31 =	vsub.s32 $0x5F3759DF, v31;
	v0 =	vmul.f32 v0, v3  }
0x213: {  	v58 =	vshra.s32 v15, $0x1;
	v9 =	vadd.f32 v9, v23;
	v33 =	vmul.f32 v31, v45  }
0x214: {  	v46 =	vmovc v60;
	v60 =	vmul.f32 $5.000000000e-01, v15;
	v29 =	vmul.f32 $5.000000000e-01, v18;
	v0 =	vsub.f32 $1.500000000e+00, v0  }
0x215: {  	v28 =	vshra.s32 v18, $0x1;
	v52 =	vshra.s32 v9, $0x1;
	v8 =	vmul.f32 v31, v33  }
0x216: {  	v53 =	vmul.f32 $5.000000000e-01, v9;
	v0 =	vmul.f32 v0, v3;
	v3 =	vsub.s32 $0x5F3759DF, v50  }
0x217: {  	v36 =	vsub.s32 $0x5F3759DF, v52;
	v8 =	vsub.f32 $1.500000000e+00, v8;
	v39 =	vmul.f32 v3, v51  }
0x218: {  	v14 =	vshra.s32 v2, $0x1;
	v28 =	vsub.s32 $0x5F3759DF, v28;
	v55 =	vmul.f32 v36, v53  }
0x219: {  	[tilespmem:$0x1FD10] =	vst v54;
	v33 =	vsub.s32 $0x5F3759DF, v58;
	v8 =	vmul.f32 v31, v8;
	v54 =	vmul.f32 v3, v39  }
0x21a: {  	v45 =	vmul.f32 v0, v48;
	v48 =	vsub.s32 $0x5F3759DF, v14;
	v14 =	vmul.f32 v36, v55  }
0x21b: {  	v29 =	vmul.f32 v28, v29;
	v56 =	vmul.f32 v33, v60;
	v57 =	vsub.f32 $1.500000000e+00, v54  }
0x21c: {  	v31 =	vsub.s32 $0x5F3759DF, v10;
	[tilespmem:$0x1FD20] =	vst v8;
	v10 =	vmul.f32 v8, v11;
	v8 =	vsub.f32 $1.500000000e+00, v14  }
0x21d: {  	[tilespmem:$0x1FD00] =	vst v20;
	v20 =	vmul.f32 v3, v57;
	v3 =	vmul.f32 v28, v29;
	v29 =	vsub.s32 $0x5F3759DF, v24  }
0x21e: {  	v19 =	vadd.f32 v12, v11;
	v11 =	vmul.f32 v33, v56;
	v27 =	vmul.f32 v29, v61  }
0x21f: {  	v50 =	vld [tilespmem:s1+$0x4110];
	v3 =	vsub.f32 $1.500000000e+00, v3;
	[tilespmem:$0x1FD30] =	vst v20;
	v14 =	vmul.f32 v20, v12;
	v20 =	vmul.f32 v36, v8  }
0x220: {  	v60 =	vmul.f32 v31, v25;
	v51 =	vld [tilespmem:s1+$0x9110];
	v8 =	vmul.f32 v29, v27  }
0x221: {  	v12 =	vsub.f32 $1.500000000e+00, v11;
	v52 =	vld [tilespmem:s1+$0x4120];
	[tilespmem:$0x1FD40] =	vst v20;
	v11 =	vmul.f32 v20, v9;
	v20 =	vmul.f32 v28, v3  }
0x222: {  	v27 =	vmul.f32 v31, v60;
	v3 =	vld [tilespmem:s1+$0x9120]  }
0x223: {  	v28 =	vsub.f32 $1.500000000e+00, v8;
	v53 =	vld [tilespmem:s1+$0x4130];
	[tilespmem:$0x1FD50] =	vst v20;
	v8 =	vmul.f32 v20, v18;
	v20 =	vmul.f32 v33, v12  }
0x224: {  	v12 =	vadd.f32 v9, v19;
	v54 =	vld [tilespmem:s1+$0x9130]  }
0x225: {  	v19 =	vsub.f32 $1.500000000e+00, v27;
	v55 =	vld [tilespmem:s1+$0x4140];
	[tilespmem:$0x1FD60] =	vst v20;
	v9 =	vmul.f32 v20, v15;
	v20 =	vmul.f32 v29, v28  }
0x226: {  	v56 =	vld [tilespmem:s1+$0x9140]  }
0x227: {  	v18 =	vadd.f32 v18, v12;
	v57 =	vld [tilespmem:s1+$0x4150];
	[tilespmem:$0x1FD70] =	vst v20;
	v12 =	vmul.f32 v20, v1;
	v20 =	vmul.f32 v31, v19  }
0x228: {  	v19 =	vld [tilespmem:s1+$0x9150]  }
0x229: {  	v29 =	vmul.f32 v45, v44;
	v18 =	vadd.f32 v15, v18;
	v15 =	vld [tilespmem:s1+$0x4160];
	[tilespmem:$0x1FD80] =	vst v20  }
0x22a: {  	v27 =	vld [tilespmem:s3+$0x4110]  }
0x22b: {  	v29 =	vadd.f32 v29, v59  }
0x22c: {  	v26 =	vmul.f32 $5.000000000e-01, v2  }
0x22d: {  	v45 =	vmul.f32 v29, v6;
	v6 =	vld [tilespmem:$0x1FEC0]  }
0x22e: {  	v25 =	vmul.f32 v48, v26;
	v60 =	vld [tilespmem:s1+$0x9160]  }
0x22f: {  	v58 =	vadd.f32 $0.0e+00, v10;
	v39 =	vld [tilespmem:s1+$0x4170];
	[tilespmem:$0x1FD90] =	vst v27  }
0x230: {  	v26 =	vmul.f32 v48, v25;
	v25 =	vld [tilespmem:s3+$0x9110]  }
0x231: {  	v61 =	vadd.f32 v14, v58;
	_ =	sdelay $0x1  }
0x232: {  	v36 =	vadd.f32 v11, v61  }
0x233: {  	v6 =	vmul.f32 v0, v6  }
0x234: {  	v36 =	vadd.f32 v8, v36;
	[tilespmem:$0x1FDA0] =	vst v25  }
0x235: {  	v6 =	vmul.f32 v6, v13;
	v13 =	vld [tilespmem:s3+$0x4120]  }
0x236: {  	v36 =	vadd.f32 v9, v36  }
0x237: {  	v1 =	vadd.f32 v1, v18;
	v18 =	vld [tilespmem:$0x1FED0]  }
0x238: {  	v31 =	vadd.f32 v12, v36;
	v36 =	vld [tilespmem:$0x1FEE0];
	_ =	sdelay $0x1  }
0x239: {  	v16 =	vsub.f32 v16, v7;
	[tilespmem:$0x1FDB0] =	vst v13  }
0x23a: {  	v5 =	vsub.f32 v5, v7;
	v4 =	vsub.f32 v4, v7;
	v7 =	vld [tilespmem:s3+$0x4130]  }
0x23b: {  	v18 =	vmul.f32 v0, v18  }
0x23c: {  	v33 =	vsub.f32 $1.500000000e+00, v26;
	v26 =	vld [tilespmem:$0x1FF00];
	v42 =	vmul.f32 v0, v36  }
0x23d: {  	v13 =	vmul.f32 v18, v17;
	v18 =	vld [tilespmem:$0x1FF10]  }
0x23e: {  	v17 =	vmul.f32 v42, v32;
	v42 =	vld [tilespmem:s3+$0x9120]  }
0x23f: {  	[tilespmem:$0x1FDC0] =	vst v7;
	v7 =	vld [tilespmem:$0x1FF20];
	_ =	sdelay $0x1  }
0x240: {  	v24 =	vmul.f32 v0, v62  }
0x241: {  	v44 =	vmul.f32 v48, v33;
	v58 =	vmul.f32 v20, v30  }
0x242: {  	v27 =	vmul.f32 v0, v26;
	v18 =	vmul.f32 v0, v18  }
0x243: {  	v0 =	vmul.f32 v0, v7;
	v7 =	vmul.f32 v24, v16;
	v16 =	vld [tilespmem:s3+$0x9130]  }
0x244: {  	v20 =	vld [tilespmem:$0x1FFC0]  }
0x245: {  	v48 =	vmul.f32 v44, v2;
	v33 =	vadd.f32 v58, v31;
	v1 =	vadd.f32 v30, v1;
	_ =	sdelay $0x1  }
0x246: {  	v33 =	vadd.f32 v48, v33;
	v1 =	vadd.f32 v2, v1  }
0x247: {  	[tilespmem:$0x1FDD0] =	vst v16  }
0x248: {  	v36 =	vperm.xlane v33, v20;
	v62 =	vperm.xlane v1, v20;
	v20 =	vld [tilespmem:s3+$0x4140];
	_ =	sdelay $0x4  }
0x249: {  	[tilespmem:$0x1FDE0] =	vst v20;
	v20 =	vld [tilespmem:$0x1FF40];
	_ =	sdelay $0x4  }
0x24a: {  	v6 =	vadd.f32 v6, v20;
	v20 =	vld [tilespmem:$0x1FF60];
	_ =	sdelay $0x3  }
0x24b: {  	v5 =	vmul.f32 v18, v5;
	v18 =	vld [tilespmem:$0x1FF50]  }
0x24c: {  	v17 =	vadd.f32 v17, v20;
	v20 =	vld [tilespmem:$0x1FF70];
	_ =	sdelay $0x2  }
0x24d: {  	v2 =	vadd.f32 v33, v36  }
0x24e: {  	v1 =	vadd.f32 v62, v1  }
0x24f: {  	v13 =	vadd.f32 v13, v18;
	v18 =	vperm.xlane v2, v43;
	v7 =	vadd.f32 v7, v20;
	v20 =	vld [tilespmem:$0x1FF80];
	_ =	sdelay $0x1  }
0x250: {  	v2 =	vadd.f32 v2, v18;
	v18 =	vperm.xlane v1, v43  }
0x251: {  	v16 =	vmul.f32 v27, v34  }
0x252: {  	v1 =	vadd.f32 v18, v1;
	v18 =	vld [tilespmem:$0x1FFA0]  }
0x253: {  	v16 =	vadd.f32 v16, v20;
	v20 =	vld [tilespmem:$0x1FF90]  }
0x254: {  	v0 =	vmul.f32 v0, v4;
	v4 =	vld [tilespmem:s1+$0x9170]  }
0x255: {  	v36 =	vld [tilespmem:s3+$0x9140]  }
0x256: {  	s4 =	simm.s32 $0x100;
	v13 =	vmul.f32 v13, v37;
	v37 =	vld [tilespmem:s3+$0x9150]  }
0x257: {  	v31 =	vmovc v46;
	v24 =	vperm.xlane v2, v46;
	v0 =	vadd.f32 v0, v18;
	v18 =	vperm.xlane v1, v46;
	v46 =	vld [tilespmem:s4+$0x9170]  }
0x258: {  	v5 =	vadd.f32 v5, v20;
	v20 =	vld [tilespmem:$0x1FDF0]  }
0x259: {  	v2 =	vadd.f32 v2, v24;
	v1 =	vadd.f32 v18, v1;
	v18 =	vmul.f32 v13, v50;
	v50 =	vld [tilespmem:s4+$0x4160]  }
0x25a: {  	v61 =	vld [tilespmem:s4+$0x9160]  }
0x25b: {  	v26 =	vperm.xlane v2, v63;
	v62 =	vld [tilespmem:s4+$0x4150];
	v6 =	vmul.f32 v6, v35  }
0x25c: {  	v0 =	vmul.f32 v0, v49;
	v49 =	vld [tilespmem:s4+$0x9150]  }
0x25d: {  	v2 =	vadd.f32 v2, v26;
	v59 =	vperm.xlane v1, v63;
	v25 =	vmul.f32 v6, v20;
	v20 =	vld [tilespmem:$0x1FE00]  }
0x25e: {  	v13 =	vmul.f32 v13, v51;
	v21 =	vld [tilespmem:s4+$0x4140];
	v24 =	vmul.f32 v0, v15  }
0x25f: {  	v22 =	vld [tilespmem:s4+$0x9140];
	v15 =	vmul.f32 v0, v60;
	v1 =	vadd.f32 v59, v1;
	v59 =	vmul.f32 $7.812500000e-03, v2  }
0x260: {  	v23 =	vld [tilespmem:s4+$0x4130];
	v4 =	vmul.f32 v45, v4;
	v17 =	vmul.f32 v17, v38  }
0x261: {  	v26 =	vld [tilespmem:s4+$0x4120];
	v32 =	vmul.f32 v46, v46;
	v1 =	vmul.f32 $7.812500000e-03, v1  }
0x262: {  	v34 =	vld [tilespmem:s4+$0x9110];
	v27 =	vmul.f32 v17, v52;
	[tilespmem:s1+$0x13170] =	vst v4;
	v6 =	vmul.f32 v6, v20  }
0x263: {  	v30 =	vmov v43;
	v51 =	vld [tilespmem:s4+$0x4110];
	v3 =	vmul.f32 v17, v3;
	v7 =	vmul.f32 v7, v40;
	[tilespmem:s1+$0xE110] =	vst v18  }
0x264: {  	v43 =	vld [tilespmem:s4+$0x9120];
	v58 =	vsub.f32 v58, v59;
	v16 =	vmul.f32 v16, v41;
	[tilespmem:s1+$0x13100] =	vst v6;
	v6 =	vmul.f32 v59, v59  }
0x265: {  	v46 =	vld [tilespmem:s4+$0x4100];
	v17 =	vmul.f32 v7, v53;
	v53 =	vsub.f32 v14, v59;
	v14 =	vmul.f32 v49, v49;
	[tilespmem:s1+$0x13110] =	vst v13  }
0x266: {  	v2 =	vmul.f32 v16, v55;
	v5 =	vmul.f32 v5, v47;
	v47 =	vld [tilespmem:s4+$0x4170];
	[tilespmem:s1+$0xE120] =	vst v27;
	v1 =	vsub.f32 v1, v6  }
0x267: {  	v35 =	vld [tilespmem:s3+$0x4150];
	v16 =	vmul.f32 v16, v56;
	v55 =	vsub.f32 v8, v59;
	v8 =	vmul.f32 v26, v26;
	[tilespmem:s1+$0x13120] =	vst v3  }
0x268: {  	v38 =	vld [tilespmem:s3+$0x4160];
	v19 =	vmul.f32 v5, v19;
	v4 =	vmul.f32 v7, v54;
	[tilespmem:s1+$0xE130] =	vst v17;
	v1 =	vadd.f32 $9.999999740e-06, v1  }
0x269: {  	v52 =	vsub.f32 v10, v59;
	v18 =	vmul.f32 v5, v57;
	v3 =	vld [tilespmem:s4+$0x4110];
	v5 =	vmul.f32 v50, v50;
	[tilespmem:s1+$0xE100] =	vst v25  }
0x26a: {  	v25 =	vld [tilespmem:s4+$0x9130];
	[tilespmem:s1+$0x13130] =	vst v4;
	v6 =	vmul.f32 v62, v62;
	v4 =	vshra.s32 v1, $0x1;
	v62 =	vmul.f32 $5.000000000e-01, v1  }
0x26b: {  	v7 =	vmul.f32 v61, v61;
	[tilespmem:s1+$0xE140] =	vst v2;
	v27 =	vmul.f32 v47, v47;
	v47 =	vld [tilespmem:s4+$0x9100];
	v10 =	vsub.s32 $0x5F3759DF, v4  }
0x26c: {  	v40 =	vld [tilespmem:s3+$0x9160];
	v54 =	vsub.f32 v11, v59;
	v11 =	vmul.f32 v21, v21;
	[tilespmem:s1+$0x13140] =	vst v16;
	v1 =	vmul.f32 v10, v62  }
0x26d: {  	v49 =	vld [tilespmem:s4+$0x9110];
	v56 =	vsub.f32 v9, v59;
	v13 =	vmul.f32 v22, v22;
	v16 =	vmul.f32 v23, v23;
	[tilespmem:s1+$0xE160] =	vst v24  }
0x26e: {  	v41 =	vld [tilespmem:s3+$0x4170];
	v57 =	vsub.f32 v12, v59;
	v61 =	vmul.f32 v46, v46;
	[tilespmem:s1+$0x13160] =	vst v15;
	v1 =	vmul.f32 v10, v1  }
0x26f: {  	v17 =	vld [tilespmem:s4+$0x9120];
	[tilespmem:s1+$0xE150] =	vst v18;
	v18 =	vmul.f32 v34, v34;
	v60 =	vadd.f32 v32, v27;
	v12 =	vmul.f32 v3, v3  }
0x270: {  	s5 =	sadd.s32 $0x1, s5;
	s12 =	simm.s32 $0x600;
	v33 =	vmovc v63;
	v50 =	vld [tilespmem:s4+$0x4120];
	[tilespmem:s1+$0x13150] =	vst v19;
	v9 =	vmul.f32 v25, v25;
	v19 =	vmul.f32 v47, v47;
	v4 =	vsub.f32 $1.500000000e+00, v1  }
.LBB2_5:
0x271: {  	_ = 	snop  }
0x272: {  	v15 =	vadd.f32 v7, v5;
	v1 =	vadd.f32 v19, v61  }
0x273: {  	v2 =	vadd.f32 v18, v12;
	v3 =	vmul.f32 v10, v4;
	v12 =	vshra.s32 v60, $0x1  }
0x274: {  	v48 =	vsub.f32 v48, v59;
	v32 =	vmovc v30;
	v18 =	vadd.f32 v13, v11;
	v30 =	vsub.s32 $0x5F3759DF, v12  }
0x275: {  	v13 =	vadd.f32 v2, v1;
	v10 =	vmul.f32 v3, v62;
	v11 =	vshra.s32 v15, $0x1  }
0x276: {  	v19 =	vmul.f32 $5.000000000e-01, v15;
	v34 =	vshra.s32 v18, $0x1;
	v20 =	vmul.f32 $5.000000000e-01, v18  }
0x277: {  	v24 =	vshra.s32 v2, $0x1;
	v27 =	vshra.s32 v1, $0x1;
	v28 =	vmul.f32 $5.000000000e-01, v1  }
0x278: {  	v0 =	vmul.f32 v17, v17;
	v17 =	vadd.f32 v14, v6;
	v10 =	vmul.f32 v10, v3  }
0x279: {  	v29 =	vld [tilespmem:$0x1FF30];
	v14 =	vadd.f32 v9, v16;
	v9 =	vmul.f32 v45, v39;
	v16 =	vmul.f32 $5.000000000e-01, v60  }
0x27a: {  	v63 =	vld [tilespmem:s4+$0x4130];
	v0 =	vadd.f32 v0, v8;
	v21 =	vmul.f32 $5.000000000e-01, v17;
	v10 =	vsub.f32 $1.500000000e+00, v10  }
0x27b: {  	v4 =	vld [tilespmem:s4+$0x4140];
	v24 =	vsub.s32 $0x5F3759DF, v24;
	v23 =	vmul.f32 $5.000000000e-01, v14;
	v16 =	vmul.f32 v30, v16  }
0x27c: {  	v5 =	vld [tilespmem:s4+$0x9140];
	v25 =	vshra.s32 v0, $0x1;
	v26 =	vmul.f32 $5.000000000e-01, v0;
	v3 =	vmul.f32 v10, v3  }
0x27d: {  	v7 =	vld [tilespmem:s4+$0x4150];
	v10 =	vsub.s32 $0x5F3759DF, v27;
	v27 =	vmul.f32 $5.000000000e-01, v2;
	v25 =	vsub.s32 $0x5F3759DF, v25  }
0x27e: {  	v28 =	vmul.f32 v10, v28;
	v59 =	vmul.f32 v3, v29;
	v29 =	vsub.s32 $0x5F3759DF, v34;
	v34 =	vld [tilespmem:$0x1FFB0]  }
0x27f: {  	v6 =	vld [tilespmem:s4+$0x9130];
	[tilespmem:s1+$0xE170] =	vst v9;
	v9 =	vshra.s32 v17, $0x1;
	v26 =	vmul.f32 v25, v26;
	v27 =	vmul.f32 v24, v27  }
0x280: {  	v22 =	vshra.s32 v14, $0x1;
	v12 =	vmul.f32 v10, v28;
	v20 =	vmul.f32 v29, v20  }
0x281: {  	s1 =	smov.u32 s3;
	v22 =	vsub.s32 $0x5F3759DF, v22;
	v28 =	vmul.f32 v59, v48;
	v27 =	vmul.f32 v24, v27  }
0x282: {  	v23 =	vmul.f32 v22, v23;
	v26 =	vmul.f32 v25, v26;
	v48 =	vld [tilespmem:s1+$0x9170];
	v12 =	vsub.f32 $1.500000000e+00, v12  }
0x283: {  	v20 =	vmul.f32 v29, v20;
	v27 =	vsub.f32 $1.500000000e+00, v27;
	v28 =	vadd.f32 v28, v34  }
0x284: {  	v59 =	vmul.f32 v10, v12;
	v10 =	vmul.f32 v22, v23;
	v23 =	vsub.s32 $0x5F3759DF, v9  }
0x285: {  	s3 =	smov.u32 s4;
	v24 =	vmul.f32 v24, v27;
	v45 =	vmul.f32 v28, v44;
	v44 =	vsub.f32 $1.500000000e+00, v26  }
0x286: {  	v8 =	vld [tilespmem:s3+$0x9150];
	v34 =	vmovc v33;
	v33 =	vmovc v31;
	v31 =	vsub.s32 $0x5F3759DF, v11;
	v21 =	vmul.f32 v23, v21;
	v9 =	vmul.f32 v59, v1  }
0x287: {  	v62 =	vld [tilespmem:s3+$0x4160];
	v12 =	vsub.f32 $1.500000000e+00, v10;
	v11 =	vmul.f32 v45, v48;
	v1 =	vmul.f32 v25, v44  }
0x288: {  	v39 =	vmovc v41;
	v61 =	vld [tilespmem:s3+$0x9160];
	v19 =	vmul.f32 v31, v19;
	v10 =	vmul.f32 v24, v2;
	v48 =	vadd.f32 $0.0e+00, v9  }
0x289: {  	v41 =	vld [tilespmem:s3+$0x4170];
	v22 =	vmul.f32 v22, v12;
	[tilespmem:s1+$0x13170] =	vst v11;
	v11 =	vmul.f32 v1, v0;
	v0 =	vadd.f32 v0, v13  }
0x28a: {  	v25 =	vsub.f32 $1.500000000e+00, v20;
	v20 =	vmul.f32 v23, v21;
	v44 =	vadd.f32 v10, v48  }
0x28b: {  	v19 =	vmul.f32 v31, v19;
	v12 =	vmul.f32 v22, v14;
	v0 =	vadd.f32 v14, v0;
	v14 =	vld [tilespmem:$0x1FEC0]  }
0x28c: {  	v20 =	vsub.f32 $1.500000000e+00, v20;
	v2 =	vmul.f32 v29, v25;
	v21 =	vadd.f32 v11, v44  }
0x28d: {  	v16 =	vmul.f32 v30, v16;
	v19 =	vsub.f32 $1.500000000e+00, v19  }
0x28e: {  	v13 =	vmul.f32 v2, v18;
	v20 =	vmul.f32 v23, v20;
	v44 =	vld [tilespmem:$0x1FEE0];
	v21 =	vadd.f32 v12, v21  }
0x28f: {  	v48 =	vsub.f32 $1.500000000e+00, v16;
	v19 =	vmul.f32 v31, v19  }
0x290: {  	v27 =	vld [tilespmem:$0x1FF00];
	v16 =	vmul.f32 v20, v17;
	v25 =	vmul.f32 v3, v14;
	v14 =	vadd.f32 v13, v21  }
0x291: {  	v28 =	vld [tilespmem:$0x1FF20]  }
0x292: {  	v0 =	vadd.f32 v18, v0;
	v18 =	vld [tilespmem:$0x1FED0];
	v26 =	vadd.f32 v16, v14;
	v14 =	vmul.f32 v19, v15  }
0x293: {  	v21 =	vmul.f32 v3, v44;
	v44 =	vmul.f32 v30, v48;
	v48 =	vld [tilespmem:$0x1FEF0]  }
0x294: {  	v0 =	vadd.f32 v17, v0;
	v17 =	vadd.f32 v14, v26;
	v26 =	vld [tilespmem:$0x1FF10];
	_ =	sdelay $0x2  }
0x295: {  	v27 =	vmul.f32 v3, v27  }
0x296: {  	v18 =	vmul.f32 v3, v18;
	v23 =	vmul.f32 v3, v48  }
0x297: {  	v26 =	vmul.f32 v3, v26;
	v3 =	vmul.f32 v3, v28;
	v28 =	vld [tilespmem:$0x1FF40]  }
0x298: {  	v48 =	vmul.f32 v44, v60;
	_ =	sdelay $0x1  }
0x299: {  	v0 =	vadd.f32 v15, v0;
	v15 =	vadd.f32 v48, v17;
	v17 =	vmul.f32 v25, v52;
	_ =	sdelay $0x1  }
0x29a: {  	v17 =	vadd.f32 v17, v28;
	v28 =	vld [tilespmem:$0x1FD20];
	_ =	sdelay $0x3  }
0x29b: {  	v0 =	vadd.f32 v60, v0;
	v60 =	vld [tilespmem:$0x1FF80]  }
0x29c: {  	v17 =	vmul.f32 v17, v28;
	v28 =	vld [tilespmem:$0x1FF50];
	_ =	sdelay $0x1  }
0x29d: {  	v27 =	vmul.f32 v27, v56  }
0x29e: {  	v18 =	vmul.f32 v18, v53  }
0x29f: {  	v25 =	vadd.f32 v27, v60;
	v27 =	vld [tilespmem:$0x1FF90]  }
0x2a0: {  	v18 =	vadd.f32 v18, v28;
	v28 =	vld [tilespmem:$0x1FF60];
	_ =	sdelay $0x2  }
0x2a1: {  	v21 =	vmul.f32 v21, v54;
	v26 =	vmul.f32 v26, v57  }
0x2a2: {  	v29 =	vld [tilespmem:$0x1FFC0]  }
0x2a3: {  	v26 =	vadd.f32 v26, v27;
	v27 =	vmovc v24;
	v21 =	vadd.f32 v21, v28;
	v28 =	vmov v59;
	v59 =	vld [tilespmem:$0x1FD30]  }
0x2a4: {  	[tilespmem:$0x1FD30] =	vst v27;
	v27 =	vld [tilespmem:$0x1FFA0];
	_ =	sdelay $0x2  }
0x2a5: {  	v3 =	vmul.f32 v3, v58;
	_ =	sdelay $0x1  }
0x2a6: {  	v54 =	vperm.xlane v15, v29;
	v3 =	vadd.f32 v3, v27;
	v27 =	vld [tilespmem:$0x1FD40];
	_ =	sdelay $0x1  }
0x2a7: {  	v15 =	vadd.f32 v15, v54;
	v57 =	vperm.xlane v0, v29  }
0x2a8: {  	v58 =	vld [tilespmem:$0x1FF70]  }
0x2a9: {  	v0 =	vadd.f32 v57, v0;
	[tilespmem:$0x1FD20] =	vst v28;
	v28 =	vperm.xlane v15, v32  }
0x2aa: {  	v21 =	vmul.f32 v21, v27;
	v27 =	vld [tilespmem:$0x1FD50]  }
0x2ab: {  	v23 =	vmul.f32 v23, v55;
	v15 =	vadd.f32 v15, v28;
	v28 =	vperm.xlane v0, v32  }
0x2ac: {  	v31 =	vmov v33;
	v56 =	vld [tilespmem:$0x1FD80]  }
0x2ad: {  	v57 =	vmovc v19;
	v19 =	vld [tilespmem:$0x1FD00];
	v23 =	vadd.f32 v23, v58;
	v52 =	vperm.xlane v15, v31;
	v0 =	vadd.f32 v28, v0  }
0x2ae: {  	v58 =	vld [tilespmem:$0x1FD10]  }
0x2af: {  	v53 =	vld [tilespmem:$0x1FD60];
	v23 =	vmul.f32 v23, v27;
	v27 =	vmovc v1;
	v1 =	vadd.f32 v15, v52;
	v15 =	vperm.xlane v0, v31  }
0x2b0: {  	v18 =	vmul.f32 v18, v59;
	v59 =	vld [tilespmem:$0x1FD90]  }
0x2b1: {  	v54 =	vmov v2;
	v0 =	vadd.f32 v15, v0;
	v15 =	vld [tilespmem:$0x1FDA0]  }
0x2b2: {  	v55 =	vld [tilespmem:$0x1FD70];
	[tilespmem:$0x1FD60] =	vst v54  }
0x2b3: {  	s4 =	sshra.s32 s12, $0x2;
	v19 =	vmul.f32 v17, v19;
	v17 =	vmul.f32 v17, v58;
	v58 =	vld [tilespmem:$0x1FDC0];
	[tilespmem:$0x1FD40] =	vst v27;
	v27 =	vmovc v20;
	v20 =	vmov v46  }
0x2b4: {  	v46 =	vld [tilespmem:s4+$0x9170];
	[tilespmem:$0x1FD00] =	vst v20  }
0x2b5: {  	v20 =	vld [tilespmem:s4+$0x4170];
	[tilespmem:s1+$0xE100] =	vst v19  }
0x2b6: {  	v24 =	vmul.f32 v18, v59;
	[tilespmem:$0x1FD70] =	vst v27;
	v15 =	vmul.f32 v18, v15;
	v18 =	vld [tilespmem:s4+$0x4160]  }
0x2b7: {  	[tilespmem:s1+$0x13100] =	vst v17;
	v17 =	vld [tilespmem:$0x1FDB0]  }
0x2b8: {  	v27 =	vmov v49;
	v49 =	vmov v50;
	v50 =	vld [tilespmem:s4+$0x9160];
	[tilespmem:s1+$0xE110] =	vst v24  }
0x2b9: {  	[tilespmem:$0x1FDA0] =	vst v27;
	v27 =	vld [tilespmem:s4+$0x4150]  }
0x2ba: {  	[tilespmem:s1+$0x13110] =	vst v15;
	v15 =	vld [tilespmem:$0x1FDD0]  }
0x2bb: {  	v30 =	vmovc v32;
	v60 =	vmov v47;
	[tilespmem:$0x1FD80] =	vst v57;
	v32 =	vmov v22;
	v22 =	vmul.f32 v25, v53;
	v59 =	vld [tilespmem:$0x1FDE0]  }
0x2bc: {  	[tilespmem:$0x1FD10] =	vst v60;
	v2 =	vmul.f32 v26, v55;
	v47 =	vperm.xlane v1, v34  }
0x2bd: {  	v26 =	vmul.f32 v22, v36;
	v28 =	vmovc v6;
	v6 =	vmov v4;
	[tilespmem:$0x1FD50] =	vst v32;
	v19 =	vmul.f32 v21, v42  }
0x2be: {  	[tilespmem:$0x1FDE0] =	vst v6;
	v1 =	vadd.f32 v1, v47;
	v55 =	vperm.xlane v0, v34;
	v17 =	vmul.f32 v21, v17  }
0x2bf: {  	v24 =	vmul.f32 v23, v58;
	[tilespmem:$0x1FDD0] =	vst v28;
	v15 =	vmul.f32 v23, v15  }
0x2c0: {  	v0 =	vadd.f32 v55, v0;
	v28 =	vld [tilespmem:s4+$0x9150];
	v23 =	vmul.f32 v22, v59;
	v59 =	vmul.f32 $7.812500000e-03, v1;
	[tilespmem:s1+$0xE120] =	vst v17  }
0x2c1: {  	v3 =	vmul.f32 v3, v56;
	v6 =	vmul.f32 v2, v35;
	v4 =	vld [tilespmem:s4+$0x4140];
	[tilespmem:s1+$0x13120] =	vst v19  }
0x2c2: {  	v33 =	vmovc v34;
	v36 =	vmov v5;
	v0 =	vmul.f32 $7.812500000e-03, v0;
	v17 =	vld [tilespmem:s4+$0x9140];
	v5 =	vmul.f32 v59, v59;
	[tilespmem:s1+$0xE130] =	vst v24  }
0x2c3: {  	v2 =	vmul.f32 v2, v37;
	v35 =	vmovc v7;
	v37 =	vmov v8;
	v34 =	vmul.f32 v46, v46;
	v8 =	vld [tilespmem:s4+$0x4130];
	[tilespmem:s1+$0x13130] =	vst v15  }
0x2c4: {  	v20 =	vmul.f32 v20, v20;
	v52 =	vsub.f32 v9, v59;
	v15 =	vld [tilespmem:s4+$0x9130];
	v0 =	vsub.f32 v0, v5;
	[tilespmem:s1+$0xE140] =	vst v23  }
0x2c5: {  	v7 =	vmul.f32 v50, v50;
	v53 =	vsub.f32 v10, v59;
	v55 =	vsub.f32 v12, v59;
	v12 =	vld [tilespmem:s4+$0x4120];
	[tilespmem:s1+$0x13140] =	vst v26  }
0x2c6: {  	v54 =	vsub.f32 v11, v59;
	v9 =	vmul.f32 v3, v38;
	v1 =	vld [tilespmem:s4+$0x4110];
	v0 =	vadd.f32 $9.999999740e-06, v0;
	[tilespmem:s1+$0xE150] =	vst v6  }
0x2c7: {  	v3 =	vmul.f32 v3, v40;
	v58 =	vsub.f32 v14, v59;
	v5 =	vmul.f32 v18, v18;
	v18 =	vld [tilespmem:s4+$0x9110];
	[tilespmem:s1+$0x13150] =	vst v2  }
0x2c8: {  	v32 =	vmovc v51;
	v38 =	vmovc v62;
	v14 =	vmul.f32 v28, v28;
	v46 =	vld [tilespmem:s4+$0x4100];
	v51 =	vshra.s32 v0, $0x1;
	v62 =	vmul.f32 $5.000000000e-01, v0;
	[tilespmem:s1+$0xE160] =	vst v9  }
0x2c9: {  	p0 =	sne.s32 s12, $0x9E00;
	v6 =	vmul.f32 v27, v27;
	v11 =	vmul.f32 v4, v4;
	v47 =	vld [tilespmem:s4+$0x9100];
	v10 =	vsub.s32 $0x5F3759DF, v51;
	[tilespmem:s1+$0x13160] =	vst v3  }
.Ltmp1:
0x2ca: {  	v60 =	vmovc v63;
	v56 =	vsub.f32 v13, v59;
	v13 =	vmul.f32 v17, v17;
	v17 =	vld [tilespmem:s4+$0x9120];
	v0 =	vmul.f32 v10, v62;
	(pc) =	sbr.rel @p0 .LBB2_5-.Ltmp1, $4  }
0x2cb: {  	[tilespmem:$0x1FDC0] =	vst v60;
	v57 =	vsub.f32 v16, v59;
	v16 =	vmul.f32 v8, v8;
	v9 =	vmul.f32 v15, v15;
	v51 =	vld [tilespmem:s4+$0x4110]  }
0x2cc: {  	[tilespmem:$0x1FDB0] =	vst v49;
	v8 =	vmul.f32 v12, v12;
	v49 =	vld [tilespmem:s4+$0x9110];
	v0 =	vmul.f32 v10, v0  }
0x2cd: {  	[tilespmem:$0x1FD90] =	vst v32;
	v60 =	vadd.f32 v34, v20;
	v50 =	vld [tilespmem:s4+$0x4120];
	v12 =	vmul.f32 v1, v1;
	v18 =	vmul.f32 v18, v18  }
0x2ce: {  	s12 =	sadd.s32 $0x200, s12;
	v42 =	vmovc v43;
	v40 =	vmovc v61;
	v43 =	vld [tilespmem:s4+$0x9120];
	v61 =	vmul.f32 v46, v46;
	v19 =	vmul.f32 v47, v47;
	v4 =	vsub.f32 $1.500000000e+00, v0  }
0x2cf: {  	v0 =	vadd.f32 v14, v6  }
0x2d0: {  	v1 =	vadd.f32 v7, v5;
	v2 =	vmul.f32 v17, v17;
	v7 =	vadd.f32 v18, v12  }
0x2d1: {  	v9 =	vadd.f32 v9, v16;
	v18 =	vadd.f32 v13, v11;
	v16 =	vshra.s32 v60, $0x1  }
0x2d2: {  	v3 =	vadd.f32 v19, v61;
	v2 =	vadd.f32 v2, v8;
	v17 =	vshra.s32 v7, $0x1  }
0x2d3: {  	v22 =	vmul.f32 $5.000000000e-01, v7;
	v15 =	vshra.s32 v1, $0x1;
	v24 =	vshra.s32 v9, $0x1  }
0x2d4: {  	v32 =	vmul.f32 $5.000000000e-01, v18;
	v19 =	vshra.s32 v3, $0x1;
	v20 =	vmul.f32 $5.000000000e-01, v3  }
0x2d5: {  	v61 =	vmul.f32 $5.000000000e-01, v0;
	v5 =	vsub.s32 $0x5F3759DF, v17;
	v6 =	vsub.s32 $0x5F3759DF, v19  }
0x2d6: {  	v21 =	vshra.s32 v2, $0x1;
	v23 =	vmul.f32 $5.000000000e-01, v2;
	v8 =	vmul.f32 v6, v20  }
0x2d7: {  	v13 =	vmul.f32 v5, v22;
	v12 =	vsub.s32 $0x5F3759DF, v21;
	v20 =	vmul.f32 $5.000000000e-01, v9  }
0x2d8: {  	v26 =	vshra.s32 v18, $0x1;
	v14 =	vmul.f32 v12, v23;
	v8 =	vmul.f32 v6, v8  }
0x2d9: {  	v19 =	vshra.s32 v0, $0x1;
	v22 =	vsub.s32 $0x5F3759DF, v24;
	v13 =	vmul.f32 v5, v13  }
0x2da: {  	v17 =	vmul.f32 v22, v20;
	v14 =	vmul.f32 v12, v14;
	v8 =	vsub.f32 $1.500000000e+00, v8  }
0x2db: {  	v21 =	vmul.f32 $5.000000000e-01, v1;
	v20 =	vsub.s32 $0x5F3759DF, v26;
	v13 =	vsub.f32 $1.500000000e+00, v13  }
0x2dc: {  	v34 =	vmul.f32 v22, v17;
	v25 =	vsub.f32 $1.500000000e+00, v14;
	v63 =	vmul.f32 v6, v8  }
0x2dd: {  	v23 =	vsub.s32 $0x5F3759DF, v16;
	v6 =	vmul.f32 v5, v13;
	v5 =	vmul.f32 v20, v32  }
0x2de: {  	v24 =	vsub.f32 $1.500000000e+00, v34;
	v34 =	vmul.f32 $5.000000000e-01, v60;
	v17 =	vmul.f32 v12, v25  }
0x2df: {  	v12 =	vsub.s32 $0x5F3759DF, v19;
	v14 =	vmul.f32 v63, v3;
	v25 =	vmul.f32 v20, v5  }
0x2e0: {  	v19 =	vsub.s32 $0x5F3759DF, v15;
	v8 =	vmul.f32 v12, v61;
	v5 =	vmul.f32 v22, v24  }
0x2e1: {  	v16 =	vmul.f32 v6, v7;
	v21 =	vmul.f32 v19, v21;
	v26 =	vadd.f32 $0.0e+00, v14  }
0x2e2: {  	v11 =	vadd.f32 v7, v3;
	v61 =	vmul.f32 v23, v34;
	v13 =	vmul.f32 v17, v2  }
0x2e3: {  	v32 =	vsub.f32 $1.500000000e+00, v25;
	v8 =	vmul.f32 v12, v8;
	v3 =	vadd.f32 v16, v26  }
0x2e4: {  	v21 =	vmul.f32 v19, v21;
	v15 =	vmul.f32 v5, v9  }
0x2e5: {  	v7 =	vmul.f32 v20, v32;
	v8 =	vsub.f32 $1.500000000e+00, v8;
	v3 =	vadd.f32 v13, v3  }
0x2e6: {  	v2 =	vadd.f32 v2, v11;
	v24 =	vmul.f32 v23, v61;
	v25 =	vsub.f32 $1.500000000e+00, v21  }
0x2e7: {  	v8 =	vmul.f32 v12, v8;
	v12 =	vmul.f32 v7, v18;
	v3 =	vadd.f32 v15, v3  }
0x2e8: {  	v2 =	vadd.f32 v9, v2;
	v26 =	vsub.f32 $1.500000000e+00, v24  }
0x2e9: {  	v61 =	vmul.f32 v19, v25;
	v11 =	vmul.f32 v8, v0;
	v3 =	vadd.f32 v12, v3  }
0x2ea: {  	v2 =	vadd.f32 v18, v2  }
0x2eb: {  	v18 =	vmul.f32 v23, v26;
	v9 =	vmul.f32 v61, v1;
	v3 =	vadd.f32 v11, v3;
	_ =	sdelay $0x1  }
0x2ec: {  	v0 =	vadd.f32 v0, v2;
	v32 =	vadd.f32 v9, v3;
	v3 =	vmul.f32 v18, v60;
	_ =	sdelay $0x1  }
0x2ed: {  	v0 =	vadd.f32 v1, v0;
	v34 =	vadd.f32 v3, v32;
	_ =	sdelay $0x1  }
0x2ee: {  	v0 =	vadd.f32 v60, v0;
	v2 =	vperm.xlane v34, v29;
	_ =	sdelay $0x1  }
0x2ef: {  	v60 =	vperm.xlane v0, v29;
	v1 =	vadd.f32 v34, v2;
	_ =	sdelay $0x1  }
0x2f0: {  	v0 =	vadd.f32 v60, v0;
	v19 =	vperm.xlane v1, v30;
	_ =	sdelay $0x1  }
0x2f1: {  	v20 =	vperm.xlane v0, v30;
	v1 =	vadd.f32 v1, v19  }
0x2f2: {  	v4 =	vmul.f32 v10, v4  }
0x2f3: {  	v0 =	vadd.f32 v20, v0;
	v21 =	vperm.xlane v1, v31  }
0x2f4: {  	v10 =	vmul.f32 v4, v62  }
0x2f5: {  	v22 =	vperm.xlane v0, v31;
	v1 =	vadd.f32 v1, v21  }
0x2f6: {  	v10 =	vmul.f32 v10, v4  }
0x2f7: {  	v25 =	vsub.f32 v48, v59;
	v59 =	vld [tilespmem:$0x1FF30];
	v0 =	vadd.f32 v22, v0;
	v23 =	vperm.xlane v1, v33  }
0x2f8: {  	v10 =	vsub.f32 $1.500000000e+00, v10  }
0x2f9: {  	v24 =	vperm.xlane v0, v33;
	v1 =	vadd.f32 v1, v23  }
0x2fa: {  	v4 =	vmul.f32 v10, v4  }
0x2fb: {  	v60 =	vld [tilespmem:$0x1FFB0];
	v0 =	vadd.f32 v24, v0;
	v1 =	vmul.f32 $7.812500000e-03, v1  }
0x2fc: {  	v26 =	vmul.f32 v4, v59  }
0x2fd: {  	v28 =	vld [tilespmem:$0x1FEC0];
	v0 =	vmul.f32 $7.812500000e-03, v0;
	v34 =	vmul.f32 v1, v1  }
0x2fe: {  	v32 =	vmul.f32 v26, v25  }
0x2ff: {  	v0 =	vsub.f32 v0, v34;
	v34 =	vld [tilespmem:$0x1FEE0]  }
0x300: {  	v2 =	vadd.f32 v32, v60;
	v32 =	vld [tilespmem:$0x1FED0];
	_ =	sdelay $0x1  }
0x301: {  	v2 =	vmul.f32 v2, v44;
	v44 =	vmul.f32 v4, v28  }
0x302: {  	v19 =	vmul.f32 v45, v39;
	v39 =	vld [tilespmem:$0x1FEF0]  }
0x303: {  	v10 =	vmul.f32 v44, v52;
	v44 =	vld [tilespmem:$0x1FF00];
	v48 =	vmul.f32 v4, v34  }
0x304: {  	v27 =	vld [tilespmem:$0x1FD20];
	v45 =	vmul.f32 v4, v32  }
0x305: {  	v21 =	vmul.f32 v48, v54;
	v54 =	vld [tilespmem:$0x1FF60]  }
0x306: {  	v20 =	vmul.f32 v45, v53;
	v45 =	vld [tilespmem:$0x1FF10]  }
0x307: {  	v62 =	vld [tilespmem:$0x1FD40];
	v52 =	vmul.f32 v4, v39  }
0x308: {  	v24 =	vmul.f32 v4, v44;
	v48 =	vld [tilespmem:$0x1FF20]  }
0x309: {  	v22 =	vmul.f32 v52, v55;
	v52 =	vld [tilespmem:$0x1FF40]  }
0x30a: {  	v24 =	vmul.f32 v24, v56;
	v56 =	vld [tilespmem:$0x1FF80];
	v0 =	vadd.f32 $9.999999740e-06, v0;
	v21 =	vadd.f32 v21, v54  }
0x30b: {  	v55 =	vld [tilespmem:$0x1FF70];
	v26 =	vmul.f32 v4, v45  }
0x30c: {  	v53 =	vshra.s32 v0, $0x1;
	v0 =	vmul.f32 $5.000000000e-01, v0;
	v21 =	vmul.f32 v21, v62;
	v62 =	vld [tilespmem:$0x1FD60]  }
0x30d: {  	v26 =	vmul.f32 v26, v57;
	v57 =	vld [tilespmem:$0x1FF90];
	v23 =	vsub.s32 $0x5F3759DF, v53;
	v4 =	vmul.f32 v4, v48  }
0x30e: {  	v10 =	vadd.f32 v10, v52;
	v53 =	vld [tilespmem:$0x1FF50];
	v25 =	vmul.f32 v23, v0  }
0x30f: {  	v24 =	vadd.f32 v24, v56;
	v4 =	vmul.f32 v4, v58;
	v58 =	vld [tilespmem:$0x1FD50]  }
0x310: {  	v10 =	vmul.f32 v10, v27;
	v27 =	vld [tilespmem:$0x1FD30];
	v25 =	vmul.f32 v23, v25  }
0x311: {  	v24 =	vmul.f32 v24, v62;
	v62 =	vld [tilespmem:$0x1FD70]  }
0x312: {  	v22 =	vadd.f32 v22, v55;
	v25 =	vsub.f32 $1.500000000e+00, v25  }
0x313: {  	v20 =	vadd.f32 v20, v53  }
0x314: {  	v23 =	vmul.f32 v23, v25;
	v25 =	vadd.f32 v26, v57;
	v22 =	vmul.f32 v22, v58;
	v58 =	vld [tilespmem:$0x1FFA0]  }
0x315: {  	v20 =	vmul.f32 v20, v27;
	v27 =	vld [tilespmem:s3+$0x9170]  }
0x316: {  	v0 =	vmul.f32 v23, v0;
	v25 =	vmul.f32 v25, v62;
	v62 =	vld [tilespmem:$0x1FD80];
	_ =	sdelay $0x1  }
0x317: {  	v0 =	vmul.f32 v0, v23  }
0x318: {  	v4 =	vadd.f32 v4, v58  }
0x319: {  	v0 =	vsub.f32 $1.500000000e+00, v0;
	[tilespmem:s1+$0xE170] =	vst v19  }
0x31a: {  	v19 =	vld [tilespmem:$0x1FD00];
	v4 =	vmul.f32 v4, v62;
	v62 =	vmul.f32 v2, v27  }
0x31b: {  	v0 =	vmul.f32 v0, v23  }
0x31c: {  	v27 =	vld [tilespmem:$0x1FD10];
	[tilespmem:s3+$0x13170] =	vst v62  }
0x31d: {  	v13 =	vsub.f32 v13, v1;
	v34 =	vmul.f32 v0, v34;
	v26 =	vld [tilespmem:$0x1FD90];
	_ =	sdelay $0x1  }
0x31e: {  	v13 =	vmul.f32 v34, v13;
	v19 =	vmul.f32 v10, v19;
	_ =	sdelay $0x1  }
0x31f: {  	v13 =	vadd.f32 v13, v54;
	v10 =	vmul.f32 v10, v27;
	v27 =	vld [tilespmem:$0x1FDA0];
	[tilespmem:s3+$0xE100] =	vst v19  }
0x320: {  	v19 =	vld [tilespmem:$0x1FDB0];
	v26 =	vmul.f32 v20, v26  }
0x321: {  	v13 =	vmul.f32 v13, v17;
	[tilespmem:s3+$0x13100] =	vst v10  }
0x322: {  	v2 =	vmul.f32 v2, v41;
	v10 =	vld [tilespmem:$0x1FDC0];
	[tilespmem:s3+$0xE110] =	vst v26  }
0x323: {  	v54 =	vmul.f32 v13, v43;
	v62 =	vld [tilespmem:$0x1FDD0]  }
0x324: {  	v20 =	vmul.f32 v20, v27;
	v27 =	vmul.f32 v0, v32;
	v26 =	vld [tilespmem:$0x1FDE0];
	[tilespmem:s3+$0xE170] =	vst v2  }
0x325: {  	v19 =	vmul.f32 v21, v19;
	v21 =	vmul.f32 v21, v42;
	[tilespmem:s4+$0x13120] =	vst v54  }
0x326: {  	v16 =	vsub.f32 v16, v1;
	v42 =	vmul.f32 v4, v38;
	v4 =	vmul.f32 v4, v40;
	[tilespmem:s3+$0x13110] =	vst v20  }
0x327: {  	v20 =	vmul.f32 v24, v36;
	v36 =	vmul.f32 v0, v59;
	[tilespmem:s3+$0xE120] =	vst v19  }
0x328: {  	v3 =	vsub.f32 v3, v1;
	v59 =	vmul.f32 v0, v28;
	v16 =	vmul.f32 v27, v16;
	[tilespmem:s3+$0x13120] =	vst v21  }
0x329: {  	v14 =	vsub.f32 v14, v1;
	v10 =	vmul.f32 v22, v10;
	v19 =	vmul.f32 v25, v35;
	[tilespmem:s3+$0xE160] =	vst v42  }
0x32a: {  	v25 =	vmul.f32 v25, v37;
	[tilespmem:s3+$0x13160] =	vst v4;
	v42 =	vmul.f32 v0, v45  }
0x32b: {  	v3 =	vmul.f32 v36, v3;
	v14 =	vmul.f32 v59, v14;
	[tilespmem:s3+$0x13140] =	vst v20  }
0x32c: {  	v36 =	vmul.f32 v0, v39;
	v39 =	vmul.f32 v0, v44;
	v16 =	vadd.f32 v16, v53;
	[tilespmem:s3+$0xE130] =	vst v10  }
0x32d: {  	v15 =	vsub.f32 v15, v1;
	v0 =	vmul.f32 v0, v48;
	v53 =	vmul.f32 v13, v50;
	[tilespmem:s3+$0xE150] =	vst v19  }
0x32e: {  	[tilespmem:s3+$0x13150] =	vst v25;
	v22 =	vmul.f32 v22, v62;
	v14 =	vadd.f32 v14, v52;
	v44 =	vmul.f32 v16, v6  }
0x32f: {  	v12 =	vsub.f32 v12, v1;
	v45 =	vld [tilespmem:s4+$0x4170];
	v23 =	vmul.f32 v24, v26;
	v15 =	vmul.f32 v36, v15;
	[tilespmem:s4+$0xE120] =	vst v53  }
0x330: {  	v62 =	vld [tilespmem:s4+$0x9170];
	v3 =	vadd.f32 v3, v60;
	[tilespmem:s3+$0x13130] =	vst v22;
	v14 =	vmul.f32 v14, v63;
	v51 =	vmul.f32 v44, v51  }
0x331: {  	v11 =	vsub.f32 v11, v1;
	v21 =	vld [tilespmem:s4+$0x4130];
	v12 =	vmul.f32 v39, v12;
	[tilespmem:s3+$0xE140] =	vst v23;
	v2 =	vmul.f32 v44, v49  }
0x332: {  	v10 =	vld [tilespmem:s4+$0x9130];
	v3 =	vmul.f32 v3, v18;
	v15 =	vadd.f32 v15, v55;
	v46 =	vmul.f32 v14, v46;
	[tilespmem:s4+$0xE110] =	vst v51  }
0x333: {  	v1 =	vsub.f32 v9, v1;
	v32 =	vld [tilespmem:s4+$0x4140];
	v11 =	vmul.f32 v42, v11;
	v14 =	vmul.f32 v14, v47;
	[tilespmem:s4+$0x13110] =	vst v2  }
0x334: {  	v35 =	vld [tilespmem:s4+$0x9140];
	v52 =	vadd.f32 v12, v56;
	v5 =	vmul.f32 v15, v5;
	v63 =	vmul.f32 v3, v45;
	[tilespmem:s4+$0xE100] =	vst v46  }
0x335: {  	v37 =	vld [tilespmem:s4+$0x4150];
	v0 =	vmul.f32 v0, v1;
	v22 =	vmul.f32 v3, v62;
	[tilespmem:s4+$0x13100] =	vst v14  }
0x336: {  	v38 =	vld [tilespmem:s4+$0x9150];
	v56 =	vadd.f32 v11, v57;
	v55 =	vmul.f32 v52, v7;
	v57 =	vmul.f32 v5, v21;
	[tilespmem:s4+$0xE170] =	vst v63  }
0x337: {  	v40 =	vld [tilespmem:s4+$0x4160];
	v5 =	vmul.f32 v5, v10;
	[tilespmem:s4+$0x13170] =	vst v22  }
0x338: {  	v41 =	vld [tilespmem:s4+$0x9160];
	v0 =	vadd.f32 v0, v58;
	v59 =	vmul.f32 v56, v8;
	v60 =	vmul.f32 v55, v32;
	[tilespmem:s4+$0xE130] =	vst v57  }
0x339: {  	v2 =	vmul.f32 v55, v35;
	[tilespmem:s4+$0x13130] =	vst v5  }
0x33a: {  	v0 =	vmul.f32 v0, v61;
	v61 =	vmul.f32 v59, v37;
	[tilespmem:s4+$0xE140] =	vst v60  }
0x33b: {  	v1 =	vmul.f32 v59, v38;
	[tilespmem:s4+$0x13140] =	vst v2  }
0x33c: {  	v62 =	vmul.f32 v0, v40;
	[tilespmem:s4+$0xE150] =	vst v61  }
0x33d: {  	s14 =	sadd.s32 s7, s31;
	v0 =	vmul.f32 v0, v41;
	[tilespmem:s4+$0x13150] =	vst v1  }
0x33e: {  	s1 =	sshll.u32 s14, $0x4;
	[tilespmem:s4+$0xE160] =	vst v62  }
0x33f: {  	s31 =	sadd.s32 s8, s1;
	[tilespmem:s4+$0x13160] =	vst v0  }
0x340: {  	[hbm4b:s31+s6] =	stream.linear.scatter [tilespmem:s26], [sflag:$0x5], $0x2800, $0x38;
	[tilespmem:$0x15A00] =	vst v63  }
0x341: {  	s1 =	sadd.s32 s9, s1  }
0x342: {  	[hbm4b:s1+s6] =	stream.linear.scatter [tilespmem:s28], [sflag:$0x5], $0x2800, $0x38;
	[tilespmem:$0x15A00] =	vst v63  }
0x343: {  	_ =	swait.ge [sflag:s29], $0x2800  }
0x344: {  	[sflag:s29] =	ssyncset.done $0x0  }
0x345: {  	[sflag:s29] =	ssyncadd.s32 $0xFFFFD800  }
0x346: {  	_ =	swait.ge [sflag:s29], $0x2800  }
0x347: {  	[sflag:s29] =	ssyncset.done $0x0  }
0x348: {  	[sflag:s29] =	ssyncadd.s32 $0xFFFFD800  }
0x349: {  	p0 =	sne.s32 s5, $0x28;
	_ =	swait.ge [sflag:s29], $0x2800  }
.Ltmp2:
0x34a: {  	[sflag:s29] =	ssyncset.done $0x0;
	(pc) =	sbr.rel @p0 .LBB2_2-.Ltmp2, $4  }
0x34b: {  	[sflag:s29] =	ssyncadd.s32 $0xFFFFD800  }
0x34c: {  	_ =	swait.ge [sflag:s29], $0x2800  }
0x34d: {  	[sflag:s29] =	ssyncset.done $0x0  }
0x34e: {  	[sflag:s29] =	ssyncadd.s32 $0xFFFFD800  }
0x34f: {  	s30 =	sadd.s32 $0x1, s30  }
0x350: {  	p0 =	sne.s32 s30, s11  }
.Ltmp3:
0x351: {  	_ = 	snop;
	(pc) =	sbr.rel @p0 .LBB2_1-.Ltmp3, $1  }
0x352: {  	_ =	sdelay $0x3  }
0x353: {  	_ =	sfence.sel $0x180000  }
0x354: {  	[bflag:$0x0] =	sbarrier.arrive $0xFFFF  }
0x355: {  	_ =	strace $0x90000047  }
0x356: {  	s0 =	stileid.u32;
	[bflag:$0x2] =	sbarrier.arrive $0xFFFF  }
0x357: {  	p0 =	sne.s32 s0, $0x0;
	s0 =	rddreg [dreg:$0x6]  }
0x358: {  	s0 =	sadd.s32 @!p0 $0x100000, s0  }
0x359: {  	[sflag:s0] =	ssyncadd.tile.s32 @!p0 $0x1;
	_ =	shalt  }
.Lfunc_end2:
_tile_overlayer_lowered:
.L_overlay_start_2:
0x35a: {  	(tag) =	ssettag $0x2  }
0x35b: {  	s0 =	rddreg [dreg:$0x0];
	s2 =	stileid.u32  }
0x35c: {  	s1 =	rddreg [dreg:$0x1];
	p0 =	sne.s32 s2, $0x0  }
0x35d: {  	s3 =	rddreg [dreg:$0x2];
	[bflag:$0x3] =	sbarrier.arrive $0xFFFF;
	s2 =	simm.s32 @!p0 $0x1C06  }
0x35e: {  	[timem:s3], [sflag:s2] =	dma.local @!p0 [hbm:s0], s1  }
0x35f: {  	s0 =	simm.s32 @!p0 $0x6  }
0x360: {  	_ =	swait.ge @!p0 [sflag:s0], s1  }
0x361: {  	s1 =	ssub.s32 @!p0 $0x0, s1;
	[sflag:s0] =	ssyncset.done @!p0 $0x0  }
0x362: {  	[sflag:s0] =	ssyncadd.s32 @!p0 s1  }
0x363: {  	[bflag:$0x3] =	sbarrier.arrive $0xFFFF  }
0x364: {  	_ =	shalt  }

</sc_bundles>
